<compile_context>
chip_gen: v7x
topology: tpu7x:2x2x1
jax: 0.10.2.dev20260603
libtpu: 0.0.44.dev20260713+nightly
codegen_flags: <defaults>
</compile_context>

<pallas_src>
import functools

import jax
import jax.numpy as jnp
from jax import lax
from jax.experimental import pallas as pl
from jax.experimental.pallas import tpu as pltpu
from jax.experimental.pallas import tpu_sc as plsc

D_MODEL = 1024
D_FF = 4096
N_EXP = 8
N_TOKENS = 4096
GATE_TILE = 1024
T = 512
MAX_TILES = N_TOKENS // T + N_EXP
PAD_ROWS = MAX_TILES * T

NW = 32
TOK_PER_W = N_TOKENS // NW
L = 16
CH = TOK_PER_W // L


def _gate_body(x_ref, gw_ref, gb_ref, top1_ref, pos_ref, cnt_ref, loss_ref,
               carry_ref, imp_ref):
    i = pl.program_id(0)

    @pl.when(i == 0)
    def _():
        carry_ref[...] = jnp.zeros_like(carry_ref)
        imp_ref[...] = jnp.zeros_like(imp_ref)

    x = x_ref[...]
    logits = lax.dot_general(x, gw_ref[...], (((1,), (1,)), ((), ())),
                             preferred_element_type=jnp.float32)
    logits = logits + gb_ref[...]
    m = jnp.max(logits, axis=-1, keepdims=True)
    e = jnp.exp(logits - m)
    probs = e / jnp.sum(e, axis=-1, keepdims=True)
    top1 = jnp.argmax(probs, axis=-1).astype(jnp.int32)

    lanes = lax.broadcasted_iota(jnp.int32, (GATE_TILE, 128), 1)
    oh = (lanes == top1[:, None]).astype(jnp.float32)

    r = lax.broadcasted_iota(jnp.int32, (GATE_TILE, GATE_TILE), 0)
    c = lax.broadcasted_iota(jnp.int32, (GATE_TILE, GATE_TILE), 1)
    tri = (c < r).astype(jnp.bfloat16)
    excl = lax.dot_general(tri, oh.astype(jnp.bfloat16),
                           (((1,), (0,)), ((), ())),
                           preferred_element_type=jnp.float32)
    pos = jnp.sum((excl + carry_ref[...]) * oh, axis=1)

    top1_ref[...] = top1[:, None]
    pos_ref[...] = pos.astype(jnp.int32)[:, None]

    imp_ref[...] += jnp.sum(probs, axis=0, keepdims=True)
    new_carry = carry_ref[...] + jnp.sum(oh, axis=0, keepdims=True)
    carry_ref[...] = new_carry
    cnt_ref[...] = new_carry.astype(jnp.int32)
    imp_mean = imp_ref[...] / N_TOKENS
    load = new_carry[:, :N_EXP] / N_TOKENS
    loss_ref[...] = jnp.sum(N_EXP * imp_mean * load).reshape(1, 1)


_gate_call = pl.pallas_call(
    _gate_body,
    grid=(N_TOKENS // GATE_TILE,),
    in_specs=[
        pl.BlockSpec((GATE_TILE, D_MODEL), lambda i: (i, 0)),
        pl.BlockSpec((N_EXP, D_MODEL), lambda i: (0, 0)),
        pl.BlockSpec((1, N_EXP), lambda i: (0, 0)),
    ],
    out_specs=[
        pl.BlockSpec((GATE_TILE, 1), lambda i: (i, 0)),
        pl.BlockSpec((GATE_TILE, 1), lambda i: (i, 0)),
        pl.BlockSpec((1, 128), lambda i: (0, 0)),
        pl.BlockSpec((1, 1), lambda i: (0, 0)),
    ],
    out_shape=[
        jax.ShapeDtypeStruct((N_TOKENS, 1), jnp.int32),
        jax.ShapeDtypeStruct((N_TOKENS, 1), jnp.int32),
        jax.ShapeDtypeStruct((1, 128), jnp.int32),
        jax.ShapeDtypeStruct((1, 1), jnp.float32),
    ],
    scratch_shapes=[
        pltpu.VMEM((1, 128), jnp.float32),
        pltpu.VMEM((1, N_EXP), jnp.float32),
    ],
    compiler_params=pltpu.CompilerParams(
        dimension_semantics=("arbitrary",)),
)


@functools.lru_cache(maxsize=None)
def _sc_kernels():
    mesh = plsc.VectorSubcoreMesh(core_axis_name="c", subcore_axis_name="s")

    @functools.partial(
        pl.kernel,
        mesh=mesh,
        out_type=[
            jax.ShapeDtypeStruct((PAD_ROWS, D_MODEL), jnp.float32),
            jax.ShapeDtypeStruct((N_TOKENS,), jnp.int32),
            jax.ShapeDtypeStruct((L,), jnp.int32),
            jax.ShapeDtypeStruct((L,), jnp.int32),
        ],
        scratch_types=[
            pltpu.VMEM((TOK_PER_W,), jnp.int32),
            pltpu.VMEM((TOK_PER_W,), jnp.int32),
            pltpu.VMEM((L,), jnp.int32),
            pltpu.VMEM((L,), jnp.int32),
            pltpu.VMEM((L,), jnp.int32),
            pltpu.VMEM((L,), jnp.int32),
            pltpu.VMEM((TOK_PER_W,), jnp.int32),
            pltpu.VMEM((2, L, D_MODEL), jnp.float32),
            pltpu.SemaphoreType.DMA,
            pltpu.SemaphoreType.DMA,
            pltpu.SemaphoreType.DMA,
            pltpu.SemaphoreType.DMA,
        ],
        compiler_params=pltpu.CompilerParams(needs_layout_passes=False),
    )
    def _dispatch(x_hbm, top1_hbm, pos_hbm, cnt_hbm, xp_hbm, dest_hbm,
                  te_hbm, na_hbm, t_v, p_v, c_v, b_v, s_v, m_v, d_v, rows_v,
                  g0, g1, s0, s1):
        wid = lax.axis_index("s") * 2 + lax.axis_index("c")
        base = wid * TOK_PER_W
        pltpu.sync_copy(top1_hbm.at[pl.ds(base, TOK_PER_W)], t_v)
        pltpu.sync_copy(pos_hbm.at[pl.ds(base, TOK_PER_W)], p_v)
        pltpu.sync_copy(cnt_hbm, c_v)

        cv = c_v[...]
        tiles = (cv + (T - 1)) // T
        bounds = plsc.cumsum(tiles)
        iota = lax.iota(jnp.int32, L)
        na = jnp.sum(jnp.where(iota == N_EXP - 1, bounds, 0))
        b_v[...] = bounds
        s_v[...] = (bounds - tiles) * T
        te = jnp.zeros((L,), jnp.int32)
        for e in range(N_EXP):
            be = jnp.sum(jnp.where(iota == e, bounds, 0))
            te = te + (be <= iota).astype(jnp.int32)
        te_last = jnp.sum((tiles > 0).astype(jnp.int32)) - 1
        te = jnp.where(iota < na, te, te_last)

        @pl.when(wid == 0)
        def _():
            m_v[...] = te
            pltpu.sync_copy(m_v, te_hbm)
            m_v[...] = jnp.full((L,), na, jnp.int32)
            pltpu.sync_copy(m_v, na_hbm)

        for j in range(CH):
            e = t_v[pl.ds(j * L, L)]
            s = plsc.load_gather(s_v, [e])
            d_v[pl.ds(j * L, L)] = s + p_v[pl.ds(j * L, L)]
        pltpu.sync_copy(d_v, dest_hbm.at[pl.ds(base, TOK_PER_W)])

        def gath(j, b, sem):
            return pltpu.async_copy(
                x_hbm.at[pl.ds(base + j * L, L)], rows_v.at[b], sem)

        gh = [gath(0, 0, g0), gath(1, 1, g1)]
        gsem = [g0, g1]
        ssem = [s0, s1]
        last_sc = [None, None]
        for j in range(CH):
            b = j & 1
            gh[b].wait()
            d = d_v[pl.ds(j * L, L)]
            sc = pltpu.async_copy(rows_v.at[b], xp_hbm.at[d], ssem[b])
            last_sc[b] = sc
            if j + 2 < CH:
                sc.wait()
                last_sc[b] = None
                gh[b] = gath(j + 2, b, gsem[b])
        for sc in last_sc:
            if sc is not None:
                sc.wait()

    @functools.partial(
        pl.kernel,
        mesh=mesh,
        out_type=jax.ShapeDtypeStruct((N_TOKENS, D_MODEL), jnp.float32),
        scratch_types=[
            pltpu.VMEM((TOK_PER_W,), jnp.int32),
            pltpu.VMEM((2, L, D_MODEL), jnp.float32),
            pltpu.SemaphoreType.DMA,
            pltpu.SemaphoreType.DMA,
            pltpu.SemaphoreType.DMA,
            pltpu.SemaphoreType.DMA,
        ],
        compiler_params=pltpu.CompilerParams(needs_layout_passes=False),
    )
    def _combine(op_hbm, dest_hbm, out_hbm, d_v, rows_v, g0, g1, s0, s1):
        wid = lax.axis_index("s") * 2 + lax.axis_index("c")
        base = wid * TOK_PER_W
        pltpu.sync_copy(dest_hbm.at[pl.ds(base, TOK_PER_W)], d_v)

        def gath(j, b, sem):
            d = d_v[pl.ds(j * L, L)]
            return pltpu.async_copy(op_hbm.at[d], rows_v.at[b], sem)

        gh = [gath(0, 0, g0), gath(1, 1, g1)]
        gsem = [g0, g1]
        ssem = [s0, s1]
        last_sc = [None, None]
        for j in range(CH):
            b = j & 1
            gh[b].wait()
            sc = pltpu.async_copy(
                rows_v.at[b], out_hbm.at[pl.ds(base + j * L, L)], ssem[b])
            last_sc[b] = sc
            if j + 2 < CH:
                sc.wait()
                last_sc[b] = None
                gh[b] = gath(j + 2, b, gsem[b])
        for sc in last_sc:
            if sc is not None:
                sc.wait()

    return _dispatch, _combine


F_CHUNKS = 2
F_CHUNK = D_FF // F_CHUNKS


def _ffn_body(te_ref, na_ref, x_ref, w1_ref, b1_ref, w2_ref, b2_ref, out_ref):
    i = pl.program_id(0)
    c = pl.program_id(1)

    @pl.when(i < na_ref[0])
    def _():
        x = x_ref[...]
        h = lax.dot_general(x, w1_ref[0], (((1,), (1,)), ((), ())),
                            preferred_element_type=jnp.float32)
        h = h + b1_ref[0]
        h = h * jax.nn.sigmoid(h)
        part = lax.dot_general(h, w2_ref[0], (((1,), (1,)), ((), ())),
                               preferred_element_type=jnp.float32)

        @pl.when(c == 0)
        def _():
            out_ref[...] = part + b2_ref[0]

        @pl.when(c != 0)
        def _():
            out_ref[...] += part


def _clamp_c(i, c, na):
    return jnp.where(i < na[0], c, F_CHUNKS - 1)


_ffn_call = pl.pallas_call(
    _ffn_body,
    grid_spec=pltpu.PrefetchScalarGridSpec(
        num_scalar_prefetch=2,
        grid=(MAX_TILES, F_CHUNKS),
        in_specs=[
            pl.BlockSpec((T, D_MODEL),
                         lambda i, c, te, na: (jnp.where(i < na[0], i, 0), 0)),
            pl.BlockSpec((1, F_CHUNK, D_MODEL),
                         lambda i, c, te, na: (te[i], _clamp_c(i, c, na), 0)),
            pl.BlockSpec((1, 1, F_CHUNK),
                         lambda i, c, te, na: (te[i], 0, _clamp_c(i, c, na))),
            pl.BlockSpec((1, D_MODEL, F_CHUNK),
                         lambda i, c, te, na: (te[i], 0, _clamp_c(i, c, na))),
            pl.BlockSpec((1, 1, D_MODEL),
                         lambda i, c, te, na: (te[i], 0, 0)),
        ],
        out_specs=pl.BlockSpec(
            (T, D_MODEL),
            lambda i, c, te, na: (jnp.minimum(i, na[0] - 1), 0)),
    ),
    out_shape=jax.ShapeDtypeStruct((PAD_ROWS, D_MODEL), jnp.float32),
    compiler_params=pltpu.CompilerParams(
        dimension_semantics=("arbitrary", "arbitrary"),
        vmem_limit_bytes=64 * 1024 * 1024,
    ),
)


def kernel(x, gate_W, gate_b, W1, b1, W2, b2):
    b, s, d = x.shape
    x_flat = x.reshape(b * s, d)

    top1, pos, cnt128, loss = _gate_call(x_flat, gate_W,
                                         gate_b.reshape(1, N_EXP))
    cnt16 = cnt128[0, :L]

    _dispatch, _combine = _sc_kernels()
    x_padded, dest, te, na = _dispatch(x_flat, top1.reshape(-1),
                                       pos.reshape(-1), cnt16)
    out_padded = _ffn_call(te, na, x_padded, W1,
                           b1.reshape(N_EXP, 1, D_FF), W2,
                           b2.reshape(N_EXP, 1, D_MODEL))
    out_flat = _combine(out_padded, dest)
    return out_flat.reshape(b, s, d), loss[0, 0]

# --- scband reference (transcript-rebuilt; emitter-appended) ---
"""Pipeline reference for scband-switch-mo-e-39737037423281 (READ-ONLY COPY).

The authoritative reference and input builder live on the scoring server;
editing this copy changes nothing except your own understanding.
"""

import jax, jax.numpy as jnp
import numpy as np

D_MODEL = 1024
D_FF = 4096
N_EXPERTS = 8


def setup_inputs(seed: int = 0) -> dict:
    key = jax.random.key(seed)
    ks = jax.random.split(key, 8)
    x = jax.random.normal(ks[0], (2, 2048, D_MODEL), dtype=jnp.float32)
    s_in = 1.0 / np.sqrt(D_MODEL)
    s_ff = 1.0 / np.sqrt(D_FF)
    gate_W = jax.random.uniform(ks[1], (N_EXPERTS, D_MODEL), jnp.float32, -s_in, s_in)
    gate_b = jax.random.uniform(ks[2], (N_EXPERTS,), jnp.float32, -s_in, s_in)
    W1 = jax.random.uniform(ks[3], (N_EXPERTS, D_FF, D_MODEL), jnp.float32, -s_in, s_in)
    b1 = jax.random.uniform(ks[4], (N_EXPERTS, D_FF), jnp.float32, -s_in, s_in)
    W2 = jax.random.uniform(ks[5], (N_EXPERTS, D_MODEL, D_FF), jnp.float32, -s_ff, s_ff)
    b2 = jax.random.uniform(ks[6], (N_EXPERTS, D_MODEL), jnp.float32, -s_ff, s_ff)
    return {"x": x, "gate_W": gate_W, "gate_b": gate_b, "W1": W1, "b1": b1, "W2": W2, "b2": b2}


def reference(x, gate_W, gate_b, W1, b1, W2, b2):
    b, s, d = x.shape
    n_experts = gate_W.shape[0]
    x_flat = x.reshape(b * s, d)
    logits = x_flat @ gate_W.T + gate_b
    probs = jax.nn.softmax(logits, axis=-1)
    top1_idx = jnp.argmax(probs, axis=-1)
    importance = probs.mean(axis=0)
    one_hot = jax.nn.one_hot(top1_idx, n_experts, dtype=jnp.float32)
    load = one_hot.mean(axis=0)
    loss_aux = n_experts * (importance * load).sum()
    outputs = jnp.zeros_like(x_flat)
    for i in range(n_experts):
        h = jax.nn.silu(x_flat @ W1[i].T + b1[i])  # SwiGLU-style gated act collapsed to SiLU (single w1)
        out_i = h @ W2[i].T + b2[i]
        mask = (top1_idx == i)[:, None]
        outputs = jnp.where(mask, out_i, outputs)
    out = outputs.reshape(b, s, d)
    return (out, loss_aux)

if __name__ == "__main__":
    import jax
    _d = setup_inputs()
    print(jax.jit(kernel)(*tuple(_d.values())))

</pallas_src>

<mosaic_0001>
#map = affine_map<(d0, d1) -> (0, 0)>
#map1 = affine_map<(d0, d1) -> (0)>
module attributes {stable_mosaic.version = 14 : i64} {
  func.func @_dispatch(%arg0: i32, %arg1: i32, %arg2: memref<4096x1024xf32, #tpu.memory_space<hbm>>, %arg3: memref<4096xi32, #tpu.memory_space<hbm>>, %arg4: memref<4096xi32, #tpu.memory_space<hbm>>, %arg5: memref<16xi32, #tpu.memory_space<hbm>>, %arg6: memref<8192x1024xf32, #tpu.memory_space<hbm>>, %arg7: memref<4096xi32, #tpu.memory_space<hbm>>, %arg8: memref<16xi32, #tpu.memory_space<hbm>>, %arg9: memref<16xi32, #tpu.memory_space<hbm>>, %arg10: memref<128xi32, #tpu.memory_space<vmem>>, %arg11: memref<128xi32, #tpu.memory_space<vmem>>, %arg12: memref<16xi32, #tpu.memory_space<vmem>>, %arg13: memref<16xi32, #tpu.memory_space<vmem>>, %arg14: memref<16xi32, #tpu.memory_space<vmem>>, %arg15: memref<16xi32, #tpu.memory_space<vmem>>, %arg16: memref<128xi32, #tpu.memory_space<vmem>>, %arg17: memref<2x16x1024xf32, #tpu.memory_space<vmem>>, %arg18: memref<!tpu.dma_semaphore, #tpu.memory_space<semaphore_mem>>, %arg19: memref<!tpu.dma_semaphore, #tpu.memory_space<semaphore_mem>>, %arg20: memref<!tpu.dma_semaphore, #tpu.memory_space<semaphore_mem>>, %arg21: memref<!tpu.dma_semaphore, #tpu.memory_space<semaphore_mem>>) attributes {dimension_semantics = [#tpu.dimension_semantics<core_parallel>, #tpu.dimension_semantics<subcore_parallel>], iteration_bounds = array<i64: 2, 16>, scalar_prefetch = 0 : i64, scratch_operands = 12 : i64, tpu.core_type = #tpu.core_type<sc_vector_subcore>, window_params = [{transform_indices = #map}, {transform_indices = #map1}, {transform_indices = #map1}, {transform_indices = #map1}, {transform_indices = #map}, {transform_indices = #map1}, {transform_indices = #map1}, {transform_indices = #map1}]} {
    %mul3A = arith.constant 2 : i32
    %mul3A_0 = arith.muli %arg1, %mul3A : i32
    %add3A = arith.addi %mul3A_0, %arg0 : i32
    %mul3A_1 = arith.constant 128 : i32
    %mul3A_2 = arith.muli %add3A, %mul3A_1 : i32
    "tpu.region"() ({
      %run_scoped3A = tpu.sem_alloc : memref<!tpu.dma_semaphore, #tpu.memory_space<semaphore_mem>>
      %dma_start3A_603 = tpu.memref_slice %arg3[%mul3A_2] : memref<4096xi32, #tpu.memory_space<hbm>> -> memref<128xi32, #tpu.memory_space<hbm>>
      %dma_start3A_604 = tpu.memref_slice %arg3[%mul3A_2] : memref<4096xi32, #tpu.memory_space<hbm>> -> memref<128xi32, #tpu.memory_space<hbm>>
      tpu.enqueue_dma source(%dma_start3A_604 : memref<128xi32, #tpu.memory_space<hbm>>) target(%arg10 : memref<128xi32, #tpu.memory_space<vmem>>) target_semaphore(%run_scoped3A : memref<!tpu.dma_semaphore, #tpu.memory_space<semaphore_mem>>)
      %dma_wait3A_605 = tpu.memref_slice %arg3[%mul3A_2] : memref<4096xi32, #tpu.memory_space<hbm>> -> memref<128xi32, #tpu.memory_space<hbm>>
      %dma_wait3A_606 = tpu.memref_slice %arg3[%mul3A_2] : memref<4096xi32, #tpu.memory_space<hbm>> -> memref<128xi32, #tpu.memory_space<hbm>>
      tpu.wait_dma2 semaphore(%run_scoped3A : memref<!tpu.dma_semaphore, #tpu.memory_space<semaphore_mem>>) src(%dma_wait3A_606 : memref<128xi32, #tpu.memory_space<hbm>>) dst(%arg10 : memref<128xi32, #tpu.memory_space<vmem>>)
      tpu.yield
    }) : () -> ()
    "tpu.region"() ({
      %run_scoped3A = tpu.sem_alloc : memref<!tpu.dma_semaphore, #tpu.memory_space<semaphore_mem>>
      %dma_start3A_603 = tpu.memref_slice %arg4[%mul3A_2] : memref<4096xi32, #tpu.memory_space<hbm>> -> memref<128xi32, #tpu.memory_space<hbm>>
      %dma_start3A_604 = tpu.memref_slice %arg4[%mul3A_2] : memref<4096xi32, #tpu.memory_space<hbm>> -> memref<128xi32, #tpu.memory_space<hbm>>
      tpu.enqueue_dma source(%dma_start3A_604 : memref<128xi32, #tpu.memory_space<hbm>>) target(%arg11 : memref<128xi32, #tpu.memory_space<vmem>>) target_semaphore(%run_scoped3A : memref<!tpu.dma_semaphore, #tpu.memory_space<semaphore_mem>>)
      %dma_wait3A_605 = tpu.memref_slice %arg4[%mul3A_2] : memref<4096xi32, #tpu.memory_space<hbm>> -> memref<128xi32, #tpu.memory_space<hbm>>
      %dma_wait3A_606 = tpu.memref_slice %arg4[%mul3A_2] : memref<4096xi32, #tpu.memory_space<hbm>> -> memref<128xi32, #tpu.memory_space<hbm>>
      tpu.wait_dma2 semaphore(%run_scoped3A : memref<!tpu.dma_semaphore, #tpu.memory_space<semaphore_mem>>) src(%dma_wait3A_606 : memref<128xi32, #tpu.memory_space<hbm>>) dst(%arg11 : memref<128xi32, #tpu.memory_space<vmem>>)
      tpu.yield
    }) : () -> ()
    "tpu.region"() ({
      %run_scoped3A = tpu.sem_alloc : memref<!tpu.dma_semaphore, #tpu.memory_space<semaphore_mem>>
      tpu.enqueue_dma source(%arg5 : memref<16xi32, #tpu.memory_space<hbm>>) target(%arg12 : memref<16xi32, #tpu.memory_space<vmem>>) target_semaphore(%run_scoped3A : memref<!tpu.dma_semaphore, #tpu.memory_space<semaphore_mem>>)
      tpu.wait_dma2 semaphore(%run_scoped3A : memref<!tpu.dma_semaphore, #tpu.memory_space<semaphore_mem>>) src(%arg5 : memref<16xi32, #tpu.memory_space<hbm>>) dst(%arg12 : memref<16xi32, #tpu.memory_space<vmem>>)
      tpu.yield
    }) : () -> ()
    %get3A = arith.constant 0 : index
    %get3A_3 = tpu.vector_load %arg12[%get3A] {strides = array<i32>} : memref<16xi32, #tpu.memory_space<vmem>>, vector<16xi32>,
    %add3A_4 = arith.constant 511 : i32
    %add3A_5 = vector.broadcast %add3A_4 : i32 to vector<16xi32>
    %add3A_6 = arith.addi %get3A_3, %add3A_5 : vector<16xi32>
    %jit3A = arith.constant 512 : i32
    %div3A = vector.broadcast %jit3A : i32 to vector<16xi32>
    %div3A_7 = arith.divsi %add3A_6, %div3A : vector<16xi32>
    %sign3A = arith.constant 0 : i32
    %sign3A_8 = vector.broadcast %sign3A : i32 to vector<16xi32>
    %sign3A_9 = arith.cmpi sgt, %add3A_6, %sign3A_8 : vector<16xi32>
    %sign3A_10 = arith.extui %sign3A_9 : vector<16xi1> to vector<16xi32>
    %sign3A_11 = arith.constant 0 : i32
    %sign3A_12 = vector.broadcast %sign3A_11 : i32 to vector<16xi32>
    %sign3A_13 = arith.cmpi slt, %add3A_6, %sign3A_12 : vector<16xi32>
    %sign3A_14 = arith.extui %sign3A_13 : vector<16xi1> to vector<16xi32>
    %sign3A_15 = arith.subi %sign3A_10, %sign3A_14 : vector<16xi32>
    %sign3A_16 = arith.constant 0 : i32
    %sign3A_17 = arith.cmpi sgt, %jit3A, %sign3A_16 : i32
    %sign3A_18 = arith.extui %sign3A_17 : i1 to i32
    %sign3A_19 = arith.constant 0 : i32
    %sign3A_20 = arith.cmpi slt, %jit3A, %sign3A_19 : i32
    %sign3A_21 = arith.extui %sign3A_20 : i1 to i32
    %sign3A_22 = arith.subi %sign3A_18, %sign3A_21 : i32
    %ne3A = vector.broadcast %sign3A_22 : i32 to vector<16xi32>
    %ne3A_23 = arith.cmpi ne, %sign3A_15, %ne3A : vector<16xi32>
    %rem3A = vector.broadcast %jit3A : i32 to vector<16xi32>
    %rem3A_24 = arith.remsi %add3A_6, %rem3A : vector<16xi32>
    %ne3A_25 = arith.constant 0 : i32
    %ne3A_26 = vector.broadcast %ne3A_25 : i32 to vector<16xi32>
    %ne3A_27 = arith.cmpi ne, %rem3A_24, %ne3A_26 : vector<16xi32>
    %and3A = arith.andi %ne3A_23, %ne3A_27 : vector<16xi1>
    %sub3A = arith.constant 1 : i32
    %sub3A_28 = vector.broadcast %sub3A : i32 to vector<16xi32>
    %sub3A_29 = arith.subi %div3A_7, %sub3A_28 : vector<16xi32>
    %select_n3A = arith.select %and3A, %sub3A_29, %div3A_7 : vector<16xi1>, vector<16xi32>
    %broadcast_in_dim3A = arith.constant true
    %broadcast_in_dim3A_30 = vector.broadcast %broadcast_in_dim3A : i1 to vector<16xi1>
    %masked_cumsum3A = tpu.scan <sum>, %select_n3A masked %broadcast_in_dim3A_30 : vector<16xi32>, vector<16xi1> -> vector<16xi32>
    %iota3A = tpu.iota {dimensions = array<i32: 0>} : vector<16xi32>
    %eq3A = arith.constant 7 : i32
    %eq3A_31 = vector.broadcast %eq3A : i32 to vector<16xi32>
    %eq3A_32 = arith.cmpi eq, %iota3A, %eq3A_31 : vector<16xi32>
    %jit3A_33 = arith.constant 0 : i32
    %broadcast_in_dim3A_34 = vector.broadcast %jit3A_33 : i32 to vector<16xi32>
    %select_n3A_35 = arith.select %eq3A_32, %masked_cumsum3A, %broadcast_in_dim3A_34 : vector<16xi1>, vector<16xi32>
    %reduce_sum3A = arith.constant true
    %reduce_sum3A_36 = vector.broadcast %reduce_sum3A : i1 to vector<16xi1>
    %reduce_sum3A_37 = tpu.scan <sum>, %select_n3A_35 masked %reduce_sum3A_36 : vector<16xi32>, vector<16xi1> -> vector<16xi32>
    %reduce_sum3A_38 = vector.extract %reduce_sum3A_37[15] : i32 from vector<16xi32>
    %swap3A = arith.constant 0 : index
    %swap3A_39 = tpu.vector_load %arg13[%swap3A] {strides = array<i32>} : memref<16xi32, #tpu.memory_space<vmem>>, vector<16xi32>,
    tpu.vector_store %arg13[%swap3A], %masked_cumsum3A {strides = array<i32>} : memref<16xi32, #tpu.memory_space<vmem>>, vector<16xi32>,
    %sub3A_40 = arith.subi %masked_cumsum3A, %select_n3A : vector<16xi32>
    %mul3A_41 = arith.constant 512 : i32
    %mul3A_42 = vector.broadcast %mul3A_41 : i32 to vector<16xi32>
    %mul3A_43 = arith.muli %sub3A_40, %mul3A_42 : vector<16xi32>
    %swap3A_44 = arith.constant 0 : index
    %swap3A_45 = tpu.vector_load %arg14[%swap3A_44] {strides = array<i32>} : memref<16xi32, #tpu.memory_space<vmem>>, vector<16xi32>,
    tpu.vector_store %arg14[%swap3A_44], %mul3A_43 {strides = array<i32>} : memref<16xi32, #tpu.memory_space<vmem>>, vector<16xi32>,
    %broadcast_in_dim3A_46 = arith.constant 0 : i32
    %broadcast_in_dim3A_47 = vector.broadcast %broadcast_in_dim3A_46 : i32 to vector<16xi32>
    %eq3A_48 = arith.constant 0 : i32
    %eq3A_49 = vector.broadcast %eq3A_48 : i32 to vector<16xi32>
    %eq3A_50 = arith.cmpi eq, %iota3A, %eq3A_49 : vector<16xi32>
    %jit3A_51 = arith.constant 0 : i32
    %broadcast_in_dim3A_52 = vector.broadcast %jit3A_51 : i32 to vector<16xi32>
    %select_n3A_53 = arith.select %eq3A_50, %masked_cumsum3A, %broadcast_in_dim3A_52 : vector<16xi1>, vector<16xi32>
    %reduce_sum3A_54 = arith.constant true
    %reduce_sum3A_55 = vector.broadcast %reduce_sum3A_54 : i1 to vector<16xi1>
    %reduce_sum3A_56 = tpu.scan <sum>, %select_n3A_53 masked %reduce_sum3A_55 : vector<16xi32>, vector<16xi1> -> vector<16xi32>
    %reduce_sum3A_57 = vector.extract %reduce_sum3A_56[15] : i32 from vector<16xi32>
    %le3A = vector.broadcast %reduce_sum3A_57 : i32 to vector<16xi32>
    %le3A_58 = arith.cmpi sle, %le3A, %iota3A : vector<16xi32>
    %convert_element_type3A = arith.extui %le3A_58 : vector<16xi1> to vector<16xi32>
    %add3A_59 = arith.addi %broadcast_in_dim3A_47, %convert_element_type3A : vector<16xi32>
    %eq3A_60 = arith.constant 1 : i32
    %eq3A_61 = vector.broadcast %eq3A_60 : i32 to vector<16xi32>
    %eq3A_62 = arith.cmpi eq, %iota3A, %eq3A_61 : vector<16xi32>
    %jit3A_63 = arith.constant 0 : i32
    %broadcast_in_dim3A_64 = vector.broadcast %jit3A_63 : i32 to vector<16xi32>
    %select_n3A_65 = arith.select %eq3A_62, %masked_cumsum3A, %broadcast_in_dim3A_64 : vector<16xi1>, vector<16xi32>
    %reduce_sum3A_66 = arith.constant true
    %reduce_sum3A_67 = vector.broadcast %reduce_sum3A_66 : i1 to vector<16xi1>
    %reduce_sum3A_68 = tpu.scan <sum>, %select_n3A_65 masked %reduce_sum3A_67 : vector<16xi32>, vector<16xi1> -> vector<16xi32>
    %reduce_sum3A_69 = vector.extract %reduce_sum3A_68[15] : i32 from vector<16xi32>
    %le3A_70 = vector.broadcast %reduce_sum3A_69 : i32 to vector<16xi32>
    %le3A_71 = arith.cmpi sle, %le3A_70, %iota3A : vector<16xi32>
    %convert_element_type3A_72 = arith.extui %le3A_71 : vector<16xi1> to vector<16xi32>
    %add3A_73 = arith.addi %add3A_59, %convert_element_type3A_72 : vector<16xi32>
    %eq3A_74 = arith.constant 2 : i32
    %eq3A_75 = vector.broadcast %eq3A_74 : i32 to vector<16xi32>
    %eq3A_76 = arith.cmpi eq, %iota3A, %eq3A_75 : vector<16xi32>
    %jit3A_77 = arith.constant 0 : i32
    %broadcast_in_dim3A_78 = vector.broadcast %jit3A_77 : i32 to vector<16xi32>
    %select_n3A_79 = arith.select %eq3A_76, %masked_cumsum3A, %broadcast_in_dim3A_78 : vector<16xi1>, vector<16xi32>
    %reduce_sum3A_80 = arith.constant true
    %reduce_sum3A_81 = vector.broadcast %reduce_sum3A_80 : i1 to vector<16xi1>
    %reduce_sum3A_82 = tpu.scan <sum>, %select_n3A_79 masked %reduce_sum3A_81 : vector<16xi32>, vector<16xi1> -> vector<16xi32>
    %reduce_sum3A_83 = vector.extract %reduce_sum3A_82[15] : i32 from vector<16xi32>
    %le3A_84 = vector.broadcast %reduce_sum3A_83 : i32 to vector<16xi32>
    %le3A_85 = arith.cmpi sle, %le3A_84, %iota3A : vector<16xi32>
    %convert_element_type3A_86 = arith.extui %le3A_85 : vector<16xi1> to vector<16xi32>
    %add3A_87 = arith.addi %add3A_73, %convert_element_type3A_86 : vector<16xi32>
    %eq3A_88 = arith.constant 3 : i32
    %eq3A_89 = vector.broadcast %eq3A_88 : i32 to vector<16xi32>
    %eq3A_90 = arith.cmpi eq, %iota3A, %eq3A_89 : vector<16xi32>
    %jit3A_91 = arith.constant 0 : i32
    %broadcast_in_dim3A_92 = vector.broadcast %jit3A_91 : i32 to vector<16xi32>
    %select_n3A_93 = arith.select %eq3A_90, %masked_cumsum3A, %broadcast_in_dim3A_92 : vector<16xi1>, vector<16xi32>
    %reduce_sum3A_94 = arith.constant true
    %reduce_sum3A_95 = vector.broadcast %reduce_sum3A_94 : i1 to vector<16xi1>
    %reduce_sum3A_96 = tpu.scan <sum>, %select_n3A_93 masked %reduce_sum3A_95 : vector<16xi32>, vector<16xi1> -> vector<16xi32>
    %reduce_sum3A_97 = vector.extract %reduce_sum3A_96[15] : i32 from vector<16xi32>
    %le3A_98 = vector.broadcast %reduce_sum3A_97 : i32 to vector<16xi32>
    %le3A_99 = arith.cmpi sle, %le3A_98, %iota3A : vector<16xi32>
    %convert_element_type3A_100 = arith.extui %le3A_99 : vector<16xi1> to vector<16xi32>
    %add3A_101 = arith.addi %add3A_87, %convert_element_type3A_100 : vector<16xi32>
    %eq3A_102 = arith.constant 4 : i32
    %eq3A_103 = vector.broadcast %eq3A_102 : i32 to vector<16xi32>
    %eq3A_104 = arith.cmpi eq, %iota3A, %eq3A_103 : vector<16xi32>
    %jit3A_105 = arith.constant 0 : i32
    %broadcast_in_dim3A_106 = vector.broadcast %jit3A_105 : i32 to vector<16xi32>
    %select_n3A_107 = arith.select %eq3A_104, %masked_cumsum3A, %broadcast_in_dim3A_106 : vector<16xi1>, vector<16xi32>
    %reduce_sum3A_108 = arith.constant true
    %reduce_sum3A_109 = vector.broadcast %reduce_sum3A_108 : i1 to vector<16xi1>
    %reduce_sum3A_110 = tpu.scan <sum>, %select_n3A_107 masked %reduce_sum3A_109 : vector<16xi32>, vector<16xi1> -> vector<16xi32>
    %reduce_sum3A_111 = vector.extract %reduce_sum3A_110[15] : i32 from vector<16xi32>
    %le3A_112 = vector.broadcast %reduce_sum3A_111 : i32 to vector<16xi32>
    %le3A_113 = arith.cmpi sle, %le3A_112, %iota3A : vector<16xi32>
    %convert_element_type3A_114 = arith.extui %le3A_113 : vector<16xi1> to vector<16xi32>
    %add3A_115 = arith.addi %add3A_101, %convert_element_type3A_114 : vector<16xi32>
    %eq3A_116 = arith.constant 5 : i32
    %eq3A_117 = vector.broadcast %eq3A_116 : i32 to vector<16xi32>
    %eq3A_118 = arith.cmpi eq, %iota3A, %eq3A_117 : vector<16xi32>
    %jit3A_119 = arith.constant 0 : i32
    %broadcast_in_dim3A_120 = vector.broadcast %jit3A_119 : i32 to vector<16xi32>
    %select_n3A_121 = arith.select %eq3A_118, %masked_cumsum3A, %broadcast_in_dim3A_120 : vector<16xi1>, vector<16xi32>
    %reduce_sum3A_122 = arith.constant true
    %reduce_sum3A_123 = vector.broadcast %reduce_sum3A_122 : i1 to vector<16xi1>
    %reduce_sum3A_124 = tpu.scan <sum>, %select_n3A_121 masked %reduce_sum3A_123 : vector<16xi32>, vector<16xi1> -> vector<16xi32>
    %reduce_sum3A_125 = vector.extract %reduce_sum3A_124[15] : i32 from vector<16xi32>
    %le3A_126 = vector.broadcast %reduce_sum3A_125 : i32 to vector<16xi32>
    %le3A_127 = arith.cmpi sle, %le3A_126, %iota3A : vector<16xi32>
    %convert_element_type3A_128 = arith.extui %le3A_127 : vector<16xi1> to vector<16xi32>
    %add3A_129 = arith.addi %add3A_115, %convert_element_type3A_128 : vector<16xi32>
    %eq3A_130 = arith.constant 6 : i32
    %eq3A_131 = vector.broadcast %eq3A_130 : i32 to vector<16xi32>
    %eq3A_132 = arith.cmpi eq, %iota3A, %eq3A_131 : vector<16xi32>
    %jit3A_133 = arith.constant 0 : i32
    %broadcast_in_dim3A_134 = vector.broadcast %jit3A_133 : i32 to vector<16xi32>
    %select_n3A_135 = arith.select %eq3A_132, %masked_cumsum3A, %broadcast_in_dim3A_134 : vector<16xi1>, vector<16xi32>
    %reduce_sum3A_136 = arith.constant true
    %reduce_sum3A_137 = vector.broadcast %reduce_sum3A_136 : i1 to vector<16xi1>
    %reduce_sum3A_138 = tpu.scan <sum>, %select_n3A_135 masked %reduce_sum3A_137 : vector<16xi32>, vector<16xi1> -> vector<16xi32>
    %reduce_sum3A_139 = vector.extract %reduce_sum3A_138[15] : i32 from vector<16xi32>
    %le3A_140 = vector.broadcast %reduce_sum3A_139 : i32 to vector<16xi32>
    %le3A_141 = arith.cmpi sle, %le3A_140, %iota3A : vector<16xi32>
    %convert_element_type3A_142 = arith.extui %le3A_141 : vector<16xi1> to vector<16xi32>
    %add3A_143 = arith.addi %add3A_129, %convert_element_type3A_142 : vector<16xi32>
    %eq3A_144 = arith.constant 7 : i32
    %eq3A_145 = vector.broadcast %eq3A_144 : i32 to vector<16xi32>
    %eq3A_146 = arith.cmpi eq, %iota3A, %eq3A_145 : vector<16xi32>
    %jit3A_147 = arith.constant 0 : i32
    %broadcast_in_dim3A_148 = vector.broadcast %jit3A_147 : i32 to vector<16xi32>
    %select_n3A_149 = arith.select %eq3A_146, %masked_cumsum3A, %broadcast_in_dim3A_148 : vector<16xi1>, vector<16xi32>
    %reduce_sum3A_150 = arith.constant true
    %reduce_sum3A_151 = vector.broadcast %reduce_sum3A_150 : i1 to vector<16xi1>
    %reduce_sum3A_152 = tpu.scan <sum>, %select_n3A_149 masked %reduce_sum3A_151 : vector<16xi32>, vector<16xi1> -> vector<16xi32>
    %reduce_sum3A_153 = vector.extract %reduce_sum3A_152[15] : i32 from vector<16xi32>
    %le3A_154 = vector.broadcast %reduce_sum3A_153 : i32 to vector<16xi32>
    %le3A_155 = arith.cmpi sle, %le3A_154, %iota3A : vector<16xi32>
    %convert_element_type3A_156 = arith.extui %le3A_155 : vector<16xi1> to vector<16xi32>
    %add3A_157 = arith.addi %add3A_143, %convert_element_type3A_156 : vector<16xi32>
    %gt3A = arith.constant 0 : i32
    %gt3A_158 = vector.broadcast %gt3A : i32 to vector<16xi32>
    %gt3A_159 = arith.cmpi sgt, %select_n3A, %gt3A_158 : vector<16xi32>
    %convert_element_type3A_160 = arith.extui %gt3A_159 : vector<16xi1> to vector<16xi32>
    %reduce_sum3A_161 = arith.constant true
    %reduce_sum3A_162 = vector.broadcast %reduce_sum3A_161 : i1 to vector<16xi1>
    %reduce_sum3A_163 = tpu.scan <sum>, %convert_element_type3A_160 masked %reduce_sum3A_162 : vector<16xi32>, vector<16xi1> -> vector<16xi32>
    %reduce_sum3A_164 = vector.extract %reduce_sum3A_163[15] : i32 from vector<16xi32>
    %sub3A_165 = arith.constant 1 : i32
    %sub3A_166 = arith.subi %reduce_sum3A_164, %sub3A_165 : i32
    %lt3A = vector.broadcast %reduce_sum3A_38 : i32 to vector<16xi32>
    %lt3A_167 = arith.cmpi slt, %iota3A, %lt3A : vector<16xi32>
    %broadcast_in_dim3A_168 = vector.broadcast %sub3A_166 : i32 to vector<16xi32>
    %select_n3A_169 = arith.select %lt3A_167, %add3A_157, %broadcast_in_dim3A_168 : vector<16xi1>, vector<16xi32>
    %eq3A_170 = arith.constant 0 : i32
    %eq3A_171 = arith.cmpi eq, %add3A, %eq3A_170 : i32
    %convert_element_type3A_172 = arith.extui %eq3A_171 : i1 to i32
    %cond3A = arith.constant 0 : i32
    %cond3A_173 = arith.cmpi ne, %convert_element_type3A_172, %cond3A : i32
    scf.if %cond3A_173 {
      %swap3A_603 = arith.constant 0 : index
      %swap3A_604 = tpu.vector_load %arg15[%swap3A_603] {strides = array<i32>} : memref<16xi32, #tpu.memory_space<vmem>>, vector<16xi32>,
      tpu.vector_store %arg15[%swap3A_603], %select_n3A_169 {strides = array<i32>} : memref<16xi32, #tpu.memory_space<vmem>>, vector<16xi32>,
      "tpu.region"() ({
        %run_scoped3A = tpu.sem_alloc : memref<!tpu.dma_semaphore, #tpu.memory_space<semaphore_mem>>
        tpu.enqueue_dma source(%arg15 : memref<16xi32, #tpu.memory_space<vmem>>) target(%arg8 : memref<16xi32, #tpu.memory_space<hbm>>) target_semaphore(%run_scoped3A : memref<!tpu.dma_semaphore, #tpu.memory_space<semaphore_mem>>)
        tpu.wait_dma2 semaphore(%run_scoped3A : memref<!tpu.dma_semaphore, #tpu.memory_space<semaphore_mem>>) src(%arg15 : memref<16xi32, #tpu.memory_space<vmem>>) dst(%arg8 : memref<16xi32, #tpu.memory_space<hbm>>)
        tpu.yield
      }) : () -> ()
      %broadcast_in_dim3A_605 = vector.broadcast %reduce_sum3A_38 : i32 to vector<16xi32>
      %swap3A_606 = arith.constant 0 : index
      %swap3A_607 = tpu.vector_load %arg15[%swap3A_606] {strides = array<i32>} : memref<16xi32, #tpu.memory_space<vmem>>, vector<16xi32>,
      tpu.vector_store %arg15[%swap3A_606], %broadcast_in_dim3A_605 {strides = array<i32>} : memref<16xi32, #tpu.memory_space<vmem>>, vector<16xi32>,
      "tpu.region"() ({
        %run_scoped3A = tpu.sem_alloc : memref<!tpu.dma_semaphore, #tpu.memory_space<semaphore_mem>>
        tpu.enqueue_dma source(%arg15 : memref<16xi32, #tpu.memory_space<vmem>>) target(%arg9 : memref<16xi32, #tpu.memory_space<hbm>>) target_semaphore(%run_scoped3A : memref<!tpu.dma_semaphore, #tpu.memory_space<semaphore_mem>>)
        tpu.wait_dma2 semaphore(%run_scoped3A : memref<!tpu.dma_semaphore, #tpu.memory_space<semaphore_mem>>) src(%arg15 : memref<16xi32, #tpu.memory_space<vmem>>) dst(%arg9 : memref<16xi32, #tpu.memory_space<hbm>>)
        tpu.yield
      }) : () -> ()
    } else {
    }
    %get3A_174 = arith.constant 0 : index
    %get3A_175 = tpu.vector_load %arg10[%get3A_174] {strides = array<i32>} : memref<128xi32, #tpu.memory_space<vmem>>, vector<16xi32>,
    %gather3A = tpu.vector_load_idx %arg14[%get3A_175] : memref<16xi32, #tpu.memory_space<vmem>>[vector<16xi32>], vector<16xi32>,
    %get3A_176 = arith.constant 0 : index
    %get3A_177 = tpu.vector_load %arg11[%get3A_176] {strides = array<i32>} : memref<128xi32, #tpu.memory_space<vmem>>, vector<16xi32>,
    %add3A_178 = arith.addi %gather3A, %get3A_177 : vector<16xi32>
    %swap3A_179 = arith.constant 0 : index
    %swap3A_180 = tpu.vector_load %arg16[%swap3A_179] {strides = array<i32>} : memref<128xi32, #tpu.memory_space<vmem>>, vector<16xi32>,
    tpu.vector_store %arg16[%swap3A_179], %add3A_178 {strides = array<i32>} : memref<128xi32, #tpu.memory_space<vmem>>, vector<16xi32>,
    %get3A_181 = arith.constant 16 : index
    %get3A_182 = tpu.vector_load %arg10[%get3A_181] {strides = array<i32>} : memref<128xi32, #tpu.memory_space<vmem>>, vector<16xi32>,
    %gather3A_183 = tpu.vector_load_idx %arg14[%get3A_182] : memref<16xi32, #tpu.memory_space<vmem>>[vector<16xi32>], vector<16xi32>,
    %get3A_184 = arith.constant 16 : index
    %get3A_185 = tpu.vector_load %arg11[%get3A_184] {strides = array<i32>} : memref<128xi32, #tpu.memory_space<vmem>>, vector<16xi32>,
    %add3A_186 = arith.addi %gather3A_183, %get3A_185 : vector<16xi32>
    %swap3A_187 = arith.constant 16 : index
    %swap3A_188 = tpu.vector_load %arg16[%swap3A_187] {strides = array<i32>} : memref<128xi32, #tpu.memory_space<vmem>>, vector<16xi32>,
    tpu.vector_store %arg16[%swap3A_187], %add3A_186 {strides = array<i32>} : memref<128xi32, #tpu.memory_space<vmem>>, vector<16xi32>,
    %get3A_189 = arith.constant 32 : index
    %get3A_190 = tpu.vector_load %arg10[%get3A_189] {strides = array<i32>} : memref<128xi32, #tpu.memory_space<vmem>>, vector<16xi32>,
    %gather3A_191 = tpu.vector_load_idx %arg14[%get3A_190] : memref<16xi32, #tpu.memory_space<vmem>>[vector<16xi32>], vector<16xi32>,
    %get3A_192 = arith.constant 32 : index
    %get3A_193 = tpu.vector_load %arg11[%get3A_192] {strides = array<i32>} : memref<128xi32, #tpu.memory_space<vmem>>, vector<16xi32>,
    %add3A_194 = arith.addi %gather3A_191, %get3A_193 : vector<16xi32>
    %swap3A_195 = arith.constant 32 : index
    %swap3A_196 = tpu.vector_load %arg16[%swap3A_195] {strides = array<i32>} : memref<128xi32, #tpu.memory_space<vmem>>, vector<16xi32>,
    tpu.vector_store %arg16[%swap3A_195], %add3A_194 {strides = array<i32>} : memref<128xi32, #tpu.memory_space<vmem>>, vector<16xi32>,
    %get3A_197 = arith.constant 48 : index
    %get3A_198 = tpu.vector_load %arg10[%get3A_197] {strides = array<i32>} : memref<128xi32, #tpu.memory_space<vmem>>, vector<16xi32>,
    %gather3A_199 = tpu.vector_load_idx %arg14[%get3A_198] : memref<16xi32, #tpu.memory_space<vmem>>[vector<16xi32>], vector<16xi32>,
    %get3A_200 = arith.constant 48 : index
    %get3A_201 = tpu.vector_load %arg11[%get3A_200] {strides = array<i32>} : memref<128xi32, #tpu.memory_space<vmem>>, vector<16xi32>,
    %add3A_202 = arith.addi %gather3A_199, %get3A_201 : vector<16xi32>
    %swap3A_203 = arith.constant 48 : index
    %swap3A_204 = tpu.vector_load %arg16[%swap3A_203] {strides = array<i32>} : memref<128xi32, #tpu.memory_space<vmem>>, vector<16xi32>,
    tpu.vector_store %arg16[%swap3A_203], %add3A_202 {strides = array<i32>} : memref<128xi32, #tpu.memory_space<vmem>>, vector<16xi32>,
    %get3A_205 = arith.constant 64 : index
    %get3A_206 = tpu.vector_load %arg10[%get3A_205] {strides = array<i32>} : memref<128xi32, #tpu.memory_space<vmem>>, vector<16xi32>,
    %gather3A_207 = tpu.vector_load_idx %arg14[%get3A_206] : memref<16xi32, #tpu.memory_space<vmem>>[vector<16xi32>], vector<16xi32>,
    %get3A_208 = arith.constant 64 : index
    %get3A_209 = tpu.vector_load %arg11[%get3A_208] {strides = array<i32>} : memref<128xi32, #tpu.memory_space<vmem>>, vector<16xi32>,
    %add3A_210 = arith.addi %gather3A_207, %get3A_209 : vector<16xi32>
    %swap3A_211 = arith.constant 64 : index
    %swap3A_212 = tpu.vector_load %arg16[%swap3A_211] {strides = array<i32>} : memref<128xi32, #tpu.memory_space<vmem>>, vector<16xi32>,
    tpu.vector_store %arg16[%swap3A_211], %add3A_210 {strides = array<i32>} : memref<128xi32, #tpu.memory_space<vmem>>, vector<16xi32>,
    %get3A_213 = arith.constant 80 : index
    %get3A_214 = tpu.vector_load %arg10[%get3A_213] {strides = array<i32>} : memref<128xi32, #tpu.memory_space<vmem>>, vector<16xi32>,
    %gather3A_215 = tpu.vector_load_idx %arg14[%get3A_214] : memref<16xi32, #tpu.memory_space<vmem>>[vector<16xi32>], vector<16xi32>,
    %get3A_216 = arith.constant 80 : index
    %get3A_217 = tpu.vector_load %arg11[%get3A_216] {strides = array<i32>} : memref<128xi32, #tpu.memory_space<vmem>>, vector<16xi32>,
    %add3A_218 = arith.addi %gather3A_215, %get3A_217 : vector<16xi32>
    %swap3A_219 = arith.constant 80 : index
    %swap3A_220 = tpu.vector_load %arg16[%swap3A_219] {strides = array<i32>} : memref<128xi32, #tpu.memory_space<vmem>>, vector<16xi32>,
    tpu.vector_store %arg16[%swap3A_219], %add3A_218 {strides = array<i32>} : memref<128xi32, #tpu.memory_space<vmem>>, vector<16xi32>,
    %get3A_221 = arith.constant 96 : index
    %get3A_222 = tpu.vector_load %arg10[%get3A_221] {strides = array<i32>} : memref<128xi32, #tpu.memory_space<vmem>>, vector<16xi32>,
    %gather3A_223 = tpu.vector_load_idx %arg14[%get3A_222] : memref<16xi32, #tpu.memory_space<vmem>>[vector<16xi32>], vector<16xi32>,
    %get3A_224 = arith.constant 96 : index
    %get3A_225 = tpu.vector_load %arg11[%get3A_224] {strides = array<i32>} : memref<128xi32, #tpu.memory_space<vmem>>, vector<16xi32>,
    %add3A_226 = arith.addi %gather3A_223, %get3A_225 : vector<16xi32>
    %swap3A_227 = arith.constant 96 : index
    %swap3A_228 = tpu.vector_load %arg16[%swap3A_227] {strides = array<i32>} : memref<128xi32, #tpu.memory_space<vmem>>, vector<16xi32>,
    tpu.vector_store %arg16[%swap3A_227], %add3A_226 {strides = array<i32>} : memref<128xi32, #tpu.memory_space<vmem>>, vector<16xi32>,
    %get3A_229 = arith.constant 112 : index
    %get3A_230 = tpu.vector_load %arg10[%get3A_229] {strides = array<i32>} : memref<128xi32, #tpu.memory_space<vmem>>, vector<16xi32>,
    %gather3A_231 = tpu.vector_load_idx %arg14[%get3A_230] : memref<16xi32, #tpu.memory_space<vmem>>[vector<16xi32>], vector<16xi32>,
    %get3A_232 = arith.constant 112 : index
    %get3A_233 = tpu.vector_load %arg11[%get3A_232] {strides = array<i32>} : memref<128xi32, #tpu.memory_space<vmem>>, vector<16xi32>,
    %add3A_234 = arith.addi %gather3A_231, %get3A_233 : vector<16xi32>
    %swap3A_235 = arith.constant 112 : index
    %swap3A_236 = tpu.vector_load %arg16[%swap3A_235] {strides = array<i32>} : memref<128xi32, #tpu.memory_space<vmem>>, vector<16xi32>,
    tpu.vector_store %arg16[%swap3A_235], %add3A_234 {strides = array<i32>} : memref<128xi32, #tpu.memory_space<vmem>>, vector<16xi32>,
    "tpu.region"() ({
      %run_scoped3A = tpu.sem_alloc : memref<!tpu.dma_semaphore, #tpu.memory_space<semaphore_mem>>
      %dma_start3A_603 = tpu.memref_slice %arg7[%mul3A_2] : memref<4096xi32, #tpu.memory_space<hbm>> -> memref<128xi32, #tpu.memory_space<hbm>>
      %dma_start3A_604 = tpu.memref_slice %arg7[%mul3A_2] : memref<4096xi32, #tpu.memory_space<hbm>> -> memref<128xi32, #tpu.memory_space<hbm>>
      tpu.enqueue_dma source(%arg16 : memref<128xi32, #tpu.memory_space<vmem>>) target(%dma_start3A_604 : memref<128xi32, #tpu.memory_space<hbm>>) target_semaphore(%run_scoped3A : memref<!tpu.dma_semaphore, #tpu.memory_space<semaphore_mem>>)
      %dma_wait3A_605 = tpu.memref_slice %arg7[%mul3A_2] : memref<4096xi32, #tpu.memory_space<hbm>> -> memref<128xi32, #tpu.memory_space<hbm>>
      %dma_wait3A_606 = tpu.memref_slice %arg7[%mul3A_2] : memref<4096xi32, #tpu.memory_space<hbm>> -> memref<128xi32, #tpu.memory_space<hbm>>
      tpu.wait_dma2 semaphore(%run_scoped3A : memref<!tpu.dma_semaphore, #tpu.memory_space<semaphore_mem>>) src(%arg16 : memref<128xi32, #tpu.memory_space<vmem>>) dst(%dma_wait3A_606 : memref<128xi32, #tpu.memory_space<hbm>>)
      tpu.yield
    }) : () -> ()
    %add3A_237 = arith.constant 0 : i32
    %add3A_238 = arith.addi %mul3A_2, %add3A_237 : i32
    %dma_start3A = arith.constant 0 : i32
    %dma_start3A_239 = arith.constant 0 : i32
    %dma_start3A_240 = arith.constant 0 : i32
    %dma_start3A_241 = tpu.memref_slice %arg17[%dma_start3A, %dma_start3A_239, %dma_start3A_240] : memref<2x16x1024xf32, #tpu.memory_space<vmem>> -> memref<1x16x1024xf32, #tpu.memory_space<vmem>>
    %dma_start3A_242 = tpu.memref_squeeze %dma_start3A_241 : memref<1x16x1024xf32, #tpu.memory_space<vmem>> -> memref<16x1024xf32, #tpu.memory_space<vmem>>
    %dma_start3A_243 = arith.constant 0 : i32
    %dma_start3A_244 = tpu.memref_slice %arg2[%add3A_238, %dma_start3A_243] : memref<4096x1024xf32, #tpu.memory_space<hbm>> -> memref<16x1024xf32, #tpu.memory_space<hbm>>
    %dma_start3A_245 = arith.constant 0 : i32
    %dma_start3A_246 = arith.constant 0 : i32
    %dma_start3A_247 = tpu.memref_slice %arg17[%dma_start3A, %dma_start3A_245, %dma_start3A_246] : memref<2x16x1024xf32, #tpu.memory_space<vmem>> -> memref<1x16x1024xf32, #tpu.memory_space<vmem>>
    %dma_start3A_248 = tpu.memref_squeeze %dma_start3A_247 : memref<1x16x1024xf32, #tpu.memory_space<vmem>> -> memref<16x1024xf32, #tpu.memory_space<vmem>>
    %dma_start3A_249 = arith.constant 0 : i32
    %dma_start3A_250 = tpu.memref_slice %arg2[%add3A_238, %dma_start3A_249] : memref<4096x1024xf32, #tpu.memory_space<hbm>> -> memref<16x1024xf32, #tpu.memory_space<hbm>>
    tpu.enqueue_dma source(%dma_start3A_250 : memref<16x1024xf32, #tpu.memory_space<hbm>>) target(%dma_start3A_248 : memref<16x1024xf32, #tpu.memory_space<vmem>>) target_semaphore(%arg18 : memref<!tpu.dma_semaphore, #tpu.memory_space<semaphore_mem>>)
    %add3A_251 = arith.constant 16 : i32
    %add3A_252 = arith.addi %mul3A_2, %add3A_251 : i32
    %dma_start3A_253 = arith.constant 1 : i32
    %dma_start3A_254 = arith.constant 0 : i32
    %dma_start3A_255 = arith.constant 0 : i32
    %dma_start3A_256 = tpu.memref_slice %arg17[%dma_start3A_253, %dma_start3A_254, %dma_start3A_255] : memref<2x16x1024xf32, #tpu.memory_space<vmem>> -> memref<1x16x1024xf32, #tpu.memory_space<vmem>>
    %dma_start3A_257 = tpu.memref_squeeze %dma_start3A_256 : memref<1x16x1024xf32, #tpu.memory_space<vmem>> -> memref<16x1024xf32, #tpu.memory_space<vmem>>
    %dma_start3A_258 = arith.constant 0 : i32
    %dma_start3A_259 = tpu.memref_slice %arg2[%add3A_252, %dma_start3A_258] : memref<4096x1024xf32, #tpu.memory_space<hbm>> -> memref<16x1024xf32, #tpu.memory_space<hbm>>
    %dma_start3A_260 = arith.constant 0 : i32
    %dma_start3A_261 = arith.constant 0 : i32
    %dma_start3A_262 = tpu.memref_slice %arg17[%dma_start3A_253, %dma_start3A_260, %dma_start3A_261] : memref<2x16x1024xf32, #tpu.memory_space<vmem>> -> memref<1x16x1024xf32, #tpu.memory_space<vmem>>
    %dma_start3A_263 = tpu.memref_squeeze %dma_start3A_262 : memref<1x16x1024xf32, #tpu.memory_space<vmem>> -> memref<16x1024xf32, #tpu.memory_space<vmem>>
    %dma_start3A_264 = arith.constant 0 : i32
    %dma_start3A_265 = tpu.memref_slice %arg2[%add3A_252, %dma_start3A_264] : memref<4096x1024xf32, #tpu.memory_space<hbm>> -> memref<16x1024xf32, #tpu.memory_space<hbm>>
    tpu.enqueue_dma source(%dma_start3A_265 : memref<16x1024xf32, #tpu.memory_space<hbm>>) target(%dma_start3A_263 : memref<16x1024xf32, #tpu.memory_space<vmem>>) target_semaphore(%arg19 : memref<!tpu.dma_semaphore, #tpu.memory_space<semaphore_mem>>)
    %dma_wait3A = arith.constant 0 : i32
    %dma_wait3A_266 = arith.constant 0 : i32
    %dma_wait3A_267 = arith.constant 0 : i32
    %dma_wait3A_268 = tpu.memref_slice %arg17[%dma_wait3A, %dma_wait3A_266, %dma_wait3A_267] : memref<2x16x1024xf32, #tpu.memory_space<vmem>> -> memref<1x16x1024xf32, #tpu.memory_space<vmem>>
    %dma_wait3A_269 = tpu.memref_squeeze %dma_wait3A_268 : memref<1x16x1024xf32, #tpu.memory_space<vmem>> -> memref<16x1024xf32, #tpu.memory_space<vmem>>
    %dma_wait3A_270 = arith.constant 0 : i32
    %dma_wait3A_271 = tpu.memref_slice %arg2[%add3A_238, %dma_wait3A_270] : memref<4096x1024xf32, #tpu.memory_space<hbm>> -> memref<16x1024xf32, #tpu.memory_space<hbm>>
    %dma_wait3A_272 = arith.constant 0 : i32
    %dma_wait3A_273 = arith.constant 0 : i32
    %dma_wait3A_274 = tpu.memref_slice %arg17[%dma_wait3A, %dma_wait3A_272, %dma_wait3A_273] : memref<2x16x1024xf32, #tpu.memory_space<vmem>> -> memref<1x16x1024xf32, #tpu.memory_space<vmem>>
    %dma_wait3A_275 = tpu.memref_squeeze %dma_wait3A_274 : memref<1x16x1024xf32, #tpu.memory_space<vmem>> -> memref<16x1024xf32, #tpu.memory_space<vmem>>
    %dma_wait3A_276 = arith.constant 0 : i32
    %dma_wait3A_277 = tpu.memref_slice %arg2[%add3A_238, %dma_wait3A_276] : memref<4096x1024xf32, #tpu.memory_space<hbm>> -> memref<16x1024xf32, #tpu.memory_space<hbm>>
    tpu.wait_dma2 semaphore(%arg18 : memref<!tpu.dma_semaphore, #tpu.memory_space<semaphore_mem>>) src(%dma_wait3A_277 : memref<16x1024xf32, #tpu.memory_space<hbm>>) dst(%dma_wait3A_275 : memref<16x1024xf32, #tpu.memory_space<vmem>>)
    %get3A_278 = arith.constant 0 : index
    %get3A_279 = tpu.vector_load %arg16[%get3A_278] {strides = array<i32>} : memref<128xi32, #tpu.memory_space<vmem>>, vector<16xi32>,
    %dma_start3A_280 = arith.constant 0 : i32
    %dma_start3A_281 = arith.constant 0 : i32
    %dma_start3A_282 = arith.constant 0 : i32
    %dma_start3A_283 = tpu.memref_slice %arg17[%dma_start3A_280, %dma_start3A_281, %dma_start3A_282] : memref<2x16x1024xf32, #tpu.memory_space<vmem>> -> memref<1x16x1024xf32, #tpu.memory_space<vmem>>
    %dma_start3A_284 = tpu.memref_squeeze %dma_start3A_283 : memref<1x16x1024xf32, #tpu.memory_space<vmem>> -> memref<16x1024xf32, #tpu.memory_space<vmem>>
    %dma_start3A_285 = arith.constant 0 : i32
    %dma_start3A_286 = arith.constant 0 : i32
    %dma_start3A_287 = tpu.memref_slice %arg6[%dma_start3A_285, %dma_start3A_286] : memref<8192x1024xf32, #tpu.memory_space<hbm>> -> memref<8192x1024xf32, #tpu.memory_space<hbm>>
    tpu.enqueue_indirect_dma source(%dma_start3A_284 : memref<16x1024xf32, #tpu.memory_space<vmem>>) target(%dma_start3A_287 : memref<8192x1024xf32, #tpu.memory_space<hbm>>) offsets(%get3A_279 : vector<16xi32>) semaphore(%arg20 : memref<!tpu.dma_semaphore, #tpu.memory_space<semaphore_mem>>)
    %dma_wait3A_288 = arith.constant 0 : i32
    %dma_wait3A_289 = arith.constant 0 : i32
    %dma_wait3A_290 = arith.constant 0 : i32
    %dma_wait3A_291 = tpu.memref_slice %arg17[%dma_wait3A_288, %dma_wait3A_289, %dma_wait3A_290] : memref<2x16x1024xf32, #tpu.memory_space<vmem>> -> memref<1x16x1024xf32, #tpu.memory_space<vmem>>
    %dma_wait3A_292 = tpu.memref_squeeze %dma_wait3A_291 : memref<1x16x1024xf32, #tpu.memory_space<vmem>> -> memref<16x1024xf32, #tpu.memory_space<vmem>>
    %dma_wait3A_293 = arith.constant 0 : i32
    %dma_wait3A_294 = arith.constant 0 : i32
    %dma_wait3A_295 = tpu.memref_slice %arg6[%dma_wait3A_293, %dma_wait3A_294] : memref<8192x1024xf32, #tpu.memory_space<hbm>> -> memref<8192x1024xf32, #tpu.memory_space<hbm>>
    tpu.wait_indirect_dma semaphore(%arg20 : memref<!tpu.dma_semaphore, #tpu.memory_space<semaphore_mem>>) src(%dma_wait3A_292 : memref<16x1024xf32, #tpu.memory_space<vmem>>) dst(%dma_wait3A_295 : memref<8192x1024xf32, #tpu.memory_space<hbm>>)
    %add3A_296 = arith.constant 32 : i32
    %add3A_297 = arith.addi %mul3A_2, %add3A_296 : i32
    %dma_start3A_298 = arith.constant 0 : i32
    %dma_start3A_299 = arith.constant 0 : i32
    %dma_start3A_300 = arith.constant 0 : i32
    %dma_start3A_301 = tpu.memref_slice %arg17[%dma_start3A_298, %dma_start3A_299, %dma_start3A_300] : memref<2x16x1024xf32, #tpu.memory_space<vmem>> -> memref<1x16x1024xf32, #tpu.memory_space<vmem>>
    %dma_start3A_302 = tpu.memref_squeeze %dma_start3A_301 : memref<1x16x1024xf32, #tpu.memory_space<vmem>> -> memref<16x1024xf32, #tpu.memory_space<vmem>>
    %dma_start3A_303 = arith.constant 0 : i32
    %dma_start3A_304 = tpu.memref_slice %arg2[%add3A_297, %dma_start3A_303] : memref<4096x1024xf32, #tpu.memory_space<hbm>> -> memref<16x1024xf32, #tpu.memory_space<hbm>>
    %dma_start3A_305 = arith.constant 0 : i32
    %dma_start3A_306 = arith.constant 0 : i32
    %dma_start3A_307 = tpu.memref_slice %arg17[%dma_start3A_298, %dma_start3A_305, %dma_start3A_306] : memref<2x16x1024xf32, #tpu.memory_space<vmem>> -> memref<1x16x1024xf32, #tpu.memory_space<vmem>>
    %dma_start3A_308 = tpu.memref_squeeze %dma_start3A_307 : memref<1x16x1024xf32, #tpu.memory_space<vmem>> -> memref<16x1024xf32, #tpu.memory_space<vmem>>
    %dma_start3A_309 = arith.constant 0 : i32
    %dma_start3A_310 = tpu.memref_slice %arg2[%add3A_297, %dma_start3A_309] : memref<4096x1024xf32, #tpu.memory_space<hbm>> -> memref<16x1024xf32, #tpu.memory_space<hbm>>
    tpu.enqueue_dma source(%dma_start3A_310 : memref<16x1024xf32, #tpu.memory_space<hbm>>) target(%dma_start3A_308 : memref<16x1024xf32, #tpu.memory_space<vmem>>) target_semaphore(%arg18 : memref<!tpu.dma_semaphore, #tpu.memory_space<semaphore_mem>>)
    %dma_wait3A_311 = arith.constant 1 : i32
    %dma_wait3A_312 = arith.constant 0 : i32
    %dma_wait3A_313 = arith.constant 0 : i32
    %dma_wait3A_314 = tpu.memref_slice %arg17[%dma_wait3A_311, %dma_wait3A_312, %dma_wait3A_313] : memref<2x16x1024xf32, #tpu.memory_space<vmem>> -> memref<1x16x1024xf32, #tpu.memory_space<vmem>>
    %dma_wait3A_315 = tpu.memref_squeeze %dma_wait3A_314 : memref<1x16x1024xf32, #tpu.memory_space<vmem>> -> memref<16x1024xf32, #tpu.memory_space<vmem>>
    %dma_wait3A_316 = arith.constant 0 : i32
    %dma_wait3A_317 = tpu.memref_slice %arg2[%add3A_252, %dma_wait3A_316] : memref<4096x1024xf32, #tpu.memory_space<hbm>> -> memref<16x1024xf32, #tpu.memory_space<hbm>>
    %dma_wait3A_318 = arith.constant 0 : i32
    %dma_wait3A_319 = arith.constant 0 : i32
    %dma_wait3A_320 = tpu.memref_slice %arg17[%dma_wait3A_311, %dma_wait3A_318, %dma_wait3A_319] : memref<2x16x1024xf32, #tpu.memory_space<vmem>> -> memref<1x16x1024xf32, #tpu.memory_space<vmem>>
    %dma_wait3A_321 = tpu.memref_squeeze %dma_wait3A_320 : memref<1x16x1024xf32, #tpu.memory_space<vmem>> -> memref<16x1024xf32, #tpu.memory_space<vmem>>
    %dma_wait3A_322 = arith.constant 0 : i32
    %dma_wait3A_323 = tpu.memref_slice %arg2[%add3A_252, %dma_wait3A_322] : memref<4096x1024xf32, #tpu.memory_space<hbm>> -> memref<16x1024xf32, #tpu.memory_space<hbm>>
    tpu.wait_dma2 semaphore(%arg19 : memref<!tpu.dma_semaphore, #tpu.memory_space<semaphore_mem>>) src(%dma_wait3A_323 : memref<16x1024xf32, #tpu.memory_space<hbm>>) dst(%dma_wait3A_321 : memref<16x1024xf32, #tpu.memory_space<vmem>>)
    %get3A_324 = arith.constant 16 : index
    %get3A_325 = tpu.vector_load %arg16[%get3A_324] {strides = array<i32>} : memref<128xi32, #tpu.memory_space<vmem>>, vector<16xi32>,
    %dma_start3A_326 = arith.constant 1 : i32
    %dma_start3A_327 = arith.constant 0 : i32
    %dma_start3A_328 = arith.constant 0 : i32
    %dma_start3A_329 = tpu.memref_slice %arg17[%dma_start3A_326, %dma_start3A_327, %dma_start3A_328] : memref<2x16x1024xf32, #tpu.memory_space<vmem>> -> memref<1x16x1024xf32, #tpu.memory_space<vmem>>
    %dma_start3A_330 = tpu.memref_squeeze %dma_start3A_329 : memref<1x16x1024xf32, #tpu.memory_space<vmem>> -> memref<16x1024xf32, #tpu.memory_space<vmem>>
    %dma_start3A_331 = arith.constant 0 : i32
    %dma_start3A_332 = arith.constant 0 : i32
    %dma_start3A_333 = tpu.memref_slice %arg6[%dma_start3A_331, %dma_start3A_332] : memref<8192x1024xf32, #tpu.memory_space<hbm>> -> memref<8192x1024xf32, #tpu.memory_space<hbm>>
    tpu.enqueue_indirect_dma source(%dma_start3A_330 : memref<16x1024xf32, #tpu.memory_space<vmem>>) target(%dma_start3A_333 : memref<8192x1024xf32, #tpu.memory_space<hbm>>) offsets(%get3A_325 : vector<16xi32>) semaphore(%arg21 : memref<!tpu.dma_semaphore, #tpu.memory_space<semaphore_mem>>)
    %dma_wait3A_334 = arith.constant 1 : i32
    %dma_wait3A_335 = arith.constant 0 : i32
    %dma_wait3A_336 = arith.constant 0 : i32
    %dma_wait3A_337 = tpu.memref_slice %arg17[%dma_wait3A_334, %dma_wait3A_335, %dma_wait3A_336] : memref<2x16x1024xf32, #tpu.memory_space<vmem>> -> memref<1x16x1024xf32, #tpu.memory_space<vmem>>
    %dma_wait3A_338 = tpu.memref_squeeze %dma_wait3A_337 : memref<1x16x1024xf32, #tpu.memory_space<vmem>> -> memref<16x1024xf32, #tpu.memory_space<vmem>>
    %dma_wait3A_339 = arith.constant 0 : i32
    %dma_wait3A_340 = arith.constant 0 : i32
    %dma_wait3A_341 = tpu.memref_slice %arg6[%dma_wait3A_339, %dma_wait3A_340] : memref<8192x1024xf32, #tpu.memory_space<hbm>> -> memref<8192x1024xf32, #tpu.memory_space<hbm>>
    tpu.wait_indirect_dma semaphore(%arg21 : memref<!tpu.dma_semaphore, #tpu.memory_space<semaphore_mem>>) src(%dma_wait3A_338 : memref<16x1024xf32, #tpu.memory_space<vmem>>) dst(%dma_wait3A_341 : memref<8192x1024xf32, #tpu.memory_space<hbm>>)
    %add3A_342 = arith.constant 48 : i32
    %add3A_343 = arith.addi %mul3A_2, %add3A_342 : i32
    %dma_start3A_344 = arith.constant 1 : i32
    %dma_start3A_345 = arith.constant 0 : i32
    %dma_start3A_346 = arith.constant 0 : i32
    %dma_start3A_347 = tpu.memref_slice %arg17[%dma_start3A_344, %dma_start3A_345, %dma_start3A_346] : memref<2x16x1024xf32, #tpu.memory_space<vmem>> -> memref<1x16x1024xf32, #tpu.memory_space<vmem>>
    %dma_start3A_348 = tpu.memref_squeeze %dma_start3A_347 : memref<1x16x1024xf32, #tpu.memory_space<vmem>> -> memref<16x1024xf32, #tpu.memory_space<vmem>>
    %dma_start3A_349 = arith.constant 0 : i32
    %dma_start3A_350 = tpu.memref_slice %arg2[%add3A_343, %dma_start3A_349] : memref<4096x1024xf32, #tpu.memory_space<hbm>> -> memref<16x1024xf32, #tpu.memory_space<hbm>>
    %dma_start3A_351 = arith.constant 0 : i32
    %dma_start3A_352 = arith.constant 0 : i32
    %dma_start3A_353 = tpu.memref_slice %arg17[%dma_start3A_344, %dma_start3A_351, %dma_start3A_352] : memref<2x16x1024xf32, #tpu.memory_space<vmem>> -> memref<1x16x1024xf32, #tpu.memory_space<vmem>>
    %dma_start3A_354 = tpu.memref_squeeze %dma_start3A_353 : memref<1x16x1024xf32, #tpu.memory_space<vmem>> -> memref<16x1024xf32, #tpu.memory_space<vmem>>
    %dma_start3A_355 = arith.constant 0 : i32
    %dma_start3A_356 = tpu.memref_slice %arg2[%add3A_343, %dma_start3A_355] : memref<4096x1024xf32, #tpu.memory_space<hbm>> -> memref<16x1024xf32, #tpu.memory_space<hbm>>
    tpu.enqueue_dma source(%dma_start3A_356 : memref<16x1024xf32, #tpu.memory_space<hbm>>) target(%dma_start3A_354 : memref<16x1024xf32, #tpu.memory_space<vmem>>) target_semaphore(%arg19 : memref<!tpu.dma_semaphore, #tpu.memory_space<semaphore_mem>>)
    %dma_wait3A_357 = arith.constant 0 : i32
    %dma_wait3A_358 = arith.constant 0 : i32
    %dma_wait3A_359 = arith.constant 0 : i32
    %dma_wait3A_360 = tpu.memref_slice %arg17[%dma_wait3A_357, %dma_wait3A_358, %dma_wait3A_359] : memref<2x16x1024xf32, #tpu.memory_space<vmem>> -> memref<1x16x1024xf32, #tpu.memory_space<vmem>>
    %dma_wait3A_361 = tpu.memref_squeeze %dma_wait3A_360 : memref<1x16x1024xf32, #tpu.memory_space<vmem>> -> memref<16x1024xf32, #tpu.memory_space<vmem>>
    %dma_wait3A_362 = arith.constant 0 : i32
    %dma_wait3A_363 = tpu.memref_slice %arg2[%add3A_297, %dma_wait3A_362] : memref<4096x1024xf32, #tpu.memory_space<hbm>> -> memref<16x1024xf32, #tpu.memory_space<hbm>>
    %dma_wait3A_364 = arith.constant 0 : i32
    %dma_wait3A_365 = arith.constant 0 : i32
    %dma_wait3A_366 = tpu.memref_slice %arg17[%dma_wait3A_357, %dma_wait3A_364, %dma_wait3A_365] : memref<2x16x1024xf32, #tpu.memory_space<vmem>> -> memref<1x16x1024xf32, #tpu.memory_space<vmem>>
    %dma_wait3A_367 = tpu.memref_squeeze %dma_wait3A_366 : memref<1x16x1024xf32, #tpu.memory_space<vmem>> -> memref<16x1024xf32, #tpu.memory_space<vmem>>
    %dma_wait3A_368 = arith.constant 0 : i32
    %dma_wait3A_369 = tpu.memref_slice %arg2[%add3A_297, %dma_wait3A_368] : memref<4096x1024xf32, #tpu.memory_space<hbm>> -> memref<16x1024xf32, #tpu.memory_space<hbm>>
    tpu.wait_dma2 semaphore(%arg18 : memref<!tpu.dma_semaphore, #tpu.memory_space<semaphore_mem>>) src(%dma_wait3A_369 : memref<16x1024xf32, #tpu.memory_space<hbm>>) dst(%dma_wait3A_367 : memref<16x1024xf32, #tpu.memory_space<vmem>>)
    %get3A_370 = arith.constant 32 : index
    %get3A_371 = tpu.vector_load %arg16[%get3A_370] {strides = array<i32>} : memref<128xi32, #tpu.memory_space<vmem>>, vector<16xi32>,
    %dma_start3A_372 = arith.constant 0 : i32
    %dma_start3A_373 = arith.constant 0 : i32
    %dma_start3A_374 = arith.constant 0 : i32
    %dma_start3A_375 = tpu.memref_slice %arg17[%dma_start3A_372, %dma_start3A_373, %dma_start3A_374] : memref<2x16x1024xf32, #tpu.memory_space<vmem>> -> memref<1x16x1024xf32, #tpu.memory_space<vmem>>
    %dma_start3A_376 = tpu.memref_squeeze %dma_start3A_375 : memref<1x16x1024xf32, #tpu.memory_space<vmem>> -> memref<16x1024xf32, #tpu.memory_space<vmem>>
    %dma_start3A_377 = arith.constant 0 : i32
    %dma_start3A_378 = arith.constant 0 : i32
    %dma_start3A_379 = tpu.memref_slice %arg6[%dma_start3A_377, %dma_start3A_378] : memref<8192x1024xf32, #tpu.memory_space<hbm>> -> memref<8192x1024xf32, #tpu.memory_space<hbm>>
    tpu.enqueue_indirect_dma source(%dma_start3A_376 : memref<16x1024xf32, #tpu.memory_space<vmem>>) target(%dma_start3A_379 : memref<8192x1024xf32, #tpu.memory_space<hbm>>) offsets(%get3A_371 : vector<16xi32>) semaphore(%arg20 : memref<!tpu.dma_semaphore, #tpu.memory_space<semaphore_mem>>)
    %dma_wait3A_380 = arith.constant 0 : i32
    %dma_wait3A_381 = arith.constant 0 : i32
    %dma_wait3A_382 = arith.constant 0 : i32
    %dma_wait3A_383 = tpu.memref_slice %arg17[%dma_wait3A_380, %dma_wait3A_381, %dma_wait3A_382] : memref<2x16x1024xf32, #tpu.memory_space<vmem>> -> memref<1x16x1024xf32, #tpu.memory_space<vmem>>
    %dma_wait3A_384 = tpu.memref_squeeze %dma_wait3A_383 : memref<1x16x1024xf32, #tpu.memory_space<vmem>> -> memref<16x1024xf32, #tpu.memory_space<vmem>>
    %dma_wait3A_385 = arith.constant 0 : i32
    %dma_wait3A_386 = arith.constant 0 : i32
    %dma_wait3A_387 = tpu.memref_slice %arg6[%dma_wait3A_385, %dma_wait3A_386] : memref<8192x1024xf32, #tpu.memory_space<hbm>> -> memref<8192x1024xf32, #tpu.memory_space<hbm>>
    tpu.wait_indirect_dma semaphore(%arg20 : memref<!tpu.dma_semaphore, #tpu.memory_space<semaphore_mem>>) src(%dma_wait3A_384 : memref<16x1024xf32, #tpu.memory_space<vmem>>) dst(%dma_wait3A_387 : memref<8192x1024xf32, #tpu.memory_space<hbm>>)
    %add3A_388 = arith.constant 64 : i32
    %add3A_389 = arith.addi %mul3A_2, %add3A_388 : i32
    %dma_start3A_390 = arith.constant 0 : i32
    %dma_start3A_391 = arith.constant 0 : i32
    %dma_start3A_392 = arith.constant 0 : i32
    %dma_start3A_393 = tpu.memref_slice %arg17[%dma_start3A_390, %dma_start3A_391, %dma_start3A_392] : memref<2x16x1024xf32, #tpu.memory_space<vmem>> -> memref<1x16x1024xf32, #tpu.memory_space<vmem>>
    %dma_start3A_394 = tpu.memref_squeeze %dma_start3A_393 : memref<1x16x1024xf32, #tpu.memory_space<vmem>> -> memref<16x1024xf32, #tpu.memory_space<vmem>>
    %dma_start3A_395 = arith.constant 0 : i32
    %dma_start3A_396 = tpu.memref_slice %arg2[%add3A_389, %dma_start3A_395] : memref<4096x1024xf32, #tpu.memory_space<hbm>> -> memref<16x1024xf32, #tpu.memory_space<hbm>>
    %dma_start3A_397 = arith.constant 0 : i32
    %dma_start3A_398 = arith.constant 0 : i32
    %dma_start3A_399 = tpu.memref_slice %arg17[%dma_start3A_390, %dma_start3A_397, %dma_start3A_398] : memref<2x16x1024xf32, #tpu.memory_space<vmem>> -> memref<1x16x1024xf32, #tpu.memory_space<vmem>>
    %dma_start3A_400 = tpu.memref_squeeze %dma_start3A_399 : memref<1x16x1024xf32, #tpu.memory_space<vmem>> -> memref<16x1024xf32, #tpu.memory_space<vmem>>
    %dma_start3A_401 = arith.constant 0 : i32
    %dma_start3A_402 = tpu.memref_slice %arg2[%add3A_389, %dma_start3A_401] : memref<4096x1024xf32, #tpu.memory_space<hbm>> -> memref<16x1024xf32, #tpu.memory_space<hbm>>
    tpu.enqueue_dma source(%dma_start3A_402 : memref<16x1024xf32, #tpu.memory_space<hbm>>) target(%dma_start3A_400 : memref<16x1024xf32, #tpu.memory_space<vmem>>) target_semaphore(%arg18 : memref<!tpu.dma_semaphore, #tpu.memory_space<semaphore_mem>>)
    %dma_wait3A_403 = arith.constant 1 : i32
    %dma_wait3A_404 = arith.constant 0 : i32
    %dma_wait3A_405 = arith.constant 0 : i32
    %dma_wait3A_406 = tpu.memref_slice %arg17[%dma_wait3A_403, %dma_wait3A_404, %dma_wait3A_405] : memref<2x16x1024xf32, #tpu.memory_space<vmem>> -> memref<1x16x1024xf32, #tpu.memory_space<vmem>>
    %dma_wait3A_407 = tpu.memref_squeeze %dma_wait3A_406 : memref<1x16x1024xf32, #tpu.memory_space<vmem>> -> memref<16x1024xf32, #tpu.memory_space<vmem>>
    %dma_wait3A_408 = arith.constant 0 : i32
    %dma_wait3A_409 = tpu.memref_slice %arg2[%add3A_343, %dma_wait3A_408] : memref<4096x1024xf32, #tpu.memory_space<hbm>> -> memref<16x1024xf32, #tpu.memory_space<hbm>>
    %dma_wait3A_410 = arith.constant 0 : i32
    %dma_wait3A_411 = arith.constant 0 : i32
    %dma_wait3A_412 = tpu.memref_slice %arg17[%dma_wait3A_403, %dma_wait3A_410, %dma_wait3A_411] : memref<2x16x1024xf32, #tpu.memory_space<vmem>> -> memref<1x16x1024xf32, #tpu.memory_space<vmem>>
    %dma_wait3A_413 = tpu.memref_squeeze %dma_wait3A_412 : memref<1x16x1024xf32, #tpu.memory_space<vmem>> -> memref<16x1024xf32, #tpu.memory_space<vmem>>
    %dma_wait3A_414 = arith.constant 0 : i32
    %dma_wait3A_415 = tpu.memref_slice %arg2[%add3A_343, %dma_wait3A_414] : memref<4096x1024xf32, #tpu.memory_space<hbm>> -> memref<16x1024xf32, #tpu.memory_space<hbm>>
    tpu.wait_dma2 semaphore(%arg19 : memref<!tpu.dma_semaphore, #tpu.memory_space<semaphore_mem>>) src(%dma_wait3A_415 : memref<16x1024xf32, #tpu.memory_space<hbm>>) dst(%dma_wait3A_413 : memref<16x1024xf32, #tpu.memory_space<vmem>>)
    %get3A_416 = arith.constant 48 : index
    %get3A_417 = tpu.vector_load %arg16[%get3A_416] {strides = array<i32>} : memref<128xi32, #tpu.memory_space<vmem>>, vector<16xi32>,
    %dma_start3A_418 = arith.constant 1 : i32
    %dma_start3A_419 = arith.constant 0 : i32
    %dma_start3A_420 = arith.constant 0 : i32
    %dma_start3A_421 = tpu.memref_slice %arg17[%dma_start3A_418, %dma_start3A_419, %dma_start3A_420] : memref<2x16x1024xf32, #tpu.memory_space<vmem>> -> memref<1x16x1024xf32, #tpu.memory_space<vmem>>
    %dma_start3A_422 = tpu.memref_squeeze %dma_start3A_421 : memref<1x16x1024xf32, #tpu.memory_space<vmem>> -> memref<16x1024xf32, #tpu.memory_space<vmem>>
    %dma_start3A_423 = arith.constant 0 : i32
    %dma_start3A_424 = arith.constant 0 : i32
    %dma_start3A_425 = tpu.memref_slice %arg6[%dma_start3A_423, %dma_start3A_424] : memref<8192x1024xf32, #tpu.memory_space<hbm>> -> memref<8192x1024xf32, #tpu.memory_space<hbm>>
    tpu.enqueue_indirect_dma source(%dma_start3A_422 : memref<16x1024xf32, #tpu.memory_space<vmem>>) target(%dma_start3A_425 : memref<8192x1024xf32, #tpu.memory_space<hbm>>) offsets(%get3A_417 : vector<16xi32>) semaphore(%arg21 : memref<!tpu.dma_semaphore, #tpu.memory_space<semaphore_mem>>)
    %dma_wait3A_426 = arith.constant 1 : i32
    %dma_wait3A_427 = arith.constant 0 : i32
    %dma_wait3A_428 = arith.constant 0 : i32
    %dma_wait3A_429 = tpu.memref_slice %arg17[%dma_wait3A_426, %dma_wait3A_427, %dma_wait3A_428] : memref<2x16x1024xf32, #tpu.memory_space<vmem>> -> memref<1x16x1024xf32, #tpu.memory_space<vmem>>
    %dma_wait3A_430 = tpu.memref_squeeze %dma_wait3A_429 : memref<1x16x1024xf32, #tpu.memory_space<vmem>> -> memref<16x1024xf32, #tpu.memory_space<vmem>>
    %dma_wait3A_431 = arith.constant 0 : i32
    %dma_wait3A_432 = arith.constant 0 : i32
    %dma_wait3A_433 = tpu.memref_slice %arg6[%dma_wait3A_431, %dma_wait3A_432] : memref<8192x1024xf32, #tpu.memory_space<hbm>> -> memref<8192x1024xf32, #tpu.memory_space<hbm>>
    tpu.wait_indirect_dma semaphore(%arg21 : memref<!tpu.dma_semaphore, #tpu.memory_space<semaphore_mem>>) src(%dma_wait3A_430 : memref<16x1024xf32, #tpu.memory_space<vmem>>) dst(%dma_wait3A_433 : memref<8192x1024xf32, #tpu.memory_space<hbm>>)
    %add3A_434 = arith.constant 80 : i32
    %add3A_435 = arith.addi %mul3A_2, %add3A_434 : i32
    %dma_start3A_436 = arith.constant 1 : i32
    %dma_start3A_437 = arith.constant 0 : i32
    %dma_start3A_438 = arith.constant 0 : i32
    %dma_start3A_439 = tpu.memref_slice %arg17[%dma_start3A_436, %dma_start3A_437, %dma_start3A_438] : memref<2x16x1024xf32, #tpu.memory_space<vmem>> -> memref<1x16x1024xf32, #tpu.memory_space<vmem>>
    %dma_start3A_440 = tpu.memref_squeeze %dma_start3A_439 : memref<1x16x1024xf32, #tpu.memory_space<vmem>> -> memref<16x1024xf32, #tpu.memory_space<vmem>>
    %dma_start3A_441 = arith.constant 0 : i32
    %dma_start3A_442 = tpu.memref_slice %arg2[%add3A_435, %dma_start3A_441] : memref<4096x1024xf32, #tpu.memory_space<hbm>> -> memref<16x1024xf32, #tpu.memory_space<hbm>>
    %dma_start3A_443 = arith.constant 0 : i32
    %dma_start3A_444 = arith.constant 0 : i32
    %dma_start3A_445 = tpu.memref_slice %arg17[%dma_start3A_436, %dma_start3A_443, %dma_start3A_444] : memref<2x16x1024xf32, #tpu.memory_space<vmem>> -> memref<1x16x1024xf32, #tpu.memory_space<vmem>>
    %dma_start3A_446 = tpu.memref_squeeze %dma_start3A_445 : memref<1x16x1024xf32, #tpu.memory_space<vmem>> -> memref<16x1024xf32, #tpu.memory_space<vmem>>
    %dma_start3A_447 = arith.constant 0 : i32
    %dma_start3A_448 = tpu.memref_slice %arg2[%add3A_435, %dma_start3A_447] : memref<4096x1024xf32, #tpu.memory_space<hbm>> -> memref<16x1024xf32, #tpu.memory_space<hbm>>
    tpu.enqueue_dma source(%dma_start3A_448 : memref<16x1024xf32, #tpu.memory_space<hbm>>) target(%dma_start3A_446 : memref<16x1024xf32, #tpu.memory_space<vmem>>) target_semaphore(%arg19 : memref<!tpu.dma_semaphore, #tpu.memory_space<semaphore_mem>>)
    %dma_wait3A_449 = arith.constant 0 : i32
    %dma_wait3A_450 = arith.constant 0 : i32
    %dma_wait3A_451 = arith.constant 0 : i32
    %dma_wait3A_452 = tpu.memref_slice %arg17[%dma_wait3A_449, %dma_wait3A_450, %dma_wait3A_451] : memref<2x16x1024xf32, #tpu.memory_space<vmem>> -> memref<1x16x1024xf32, #tpu.memory_space<vmem>>
    %dma_wait3A_453 = tpu.memref_squeeze %dma_wait3A_452 : memref<1x16x1024xf32, #tpu.memory_space<vmem>> -> memref<16x1024xf32, #tpu.memory_space<vmem>>
    %dma_wait3A_454 = arith.constant 0 : i32
    %dma_wait3A_455 = tpu.memref_slice %arg2[%add3A_389, %dma_wait3A_454] : memref<4096x1024xf32, #tpu.memory_space<hbm>> -> memref<16x1024xf32, #tpu.memory_space<hbm>>
    %dma_wait3A_456 = arith.constant 0 : i32
    %dma_wait3A_457 = arith.constant 0 : i32
    %dma_wait3A_458 = tpu.memref_slice %arg17[%dma_wait3A_449, %dma_wait3A_456, %dma_wait3A_457] : memref<2x16x1024xf32, #tpu.memory_space<vmem>> -> memref<1x16x1024xf32, #tpu.memory_space<vmem>>
    %dma_wait3A_459 = tpu.memref_squeeze %dma_wait3A_458 : memref<1x16x1024xf32, #tpu.memory_space<vmem>> -> memref<16x1024xf32, #tpu.memory_space<vmem>>
    %dma_wait3A_460 = arith.constant 0 : i32
    %dma_wait3A_461 = tpu.memref_slice %arg2[%add3A_389, %dma_wait3A_460] : memref<4096x1024xf32, #tpu.memory_space<hbm>> -> memref<16x1024xf32, #tpu.memory_space<hbm>>
    tpu.wait_dma2 semaphore(%arg18 : memref<!tpu.dma_semaphore, #tpu.memory_space<semaphore_mem>>) src(%dma_wait3A_461 : memref<16x1024xf32, #tpu.memory_space<hbm>>) dst(%dma_wait3A_459 : memref<16x1024xf32, #tpu.memory_space<vmem>>)
    %get3A_462 = arith.constant 64 : index
    %get3A_463 = tpu.vector_load %arg16[%get3A_462] {strides = array<i32>} : memref<128xi32, #tpu.memory_space<vmem>>, vector<16xi32>,
    %dma_start3A_464 = arith.constant 0 : i32
    %dma_start3A_465 = arith.constant 0 : i32
    %dma_start3A_466 = arith.constant 0 : i32
    %dma_start3A_467 = tpu.memref_slice %arg17[%dma_start3A_464, %dma_start3A_465, %dma_start3A_466] : memref<2x16x1024xf32, #tpu.memory_space<vmem>> -> memref<1x16x1024xf32, #tpu.memory_space<vmem>>
    %dma_start3A_468 = tpu.memref_squeeze %dma_start3A_467 : memref<1x16x1024xf32, #tpu.memory_space<vmem>> -> memref<16x1024xf32, #tpu.memory_space<vmem>>
    %dma_start3A_469 = arith.constant 0 : i32
    %dma_start3A_470 = arith.constant 0 : i32
    %dma_start3A_471 = tpu.memref_slice %arg6[%dma_start3A_469, %dma_start3A_470] : memref<8192x1024xf32, #tpu.memory_space<hbm>> -> memref<8192x1024xf32, #tpu.memory_space<hbm>>
    tpu.enqueue_indirect_dma source(%dma_start3A_468 : memref<16x1024xf32, #tpu.memory_space<vmem>>) target(%dma_start3A_471 : memref<8192x1024xf32, #tpu.memory_space<hbm>>) offsets(%get3A_463 : vector<16xi32>) semaphore(%arg20 : memref<!tpu.dma_semaphore, #tpu.memory_space<semaphore_mem>>)
    %dma_wait3A_472 = arith.constant 0 : i32
    %dma_wait3A_473 = arith.constant 0 : i32
    %dma_wait3A_474 = arith.constant 0 : i32
    %dma_wait3A_475 = tpu.memref_slice %arg17[%dma_wait3A_472, %dma_wait3A_473, %dma_wait3A_474] : memref<2x16x1024xf32, #tpu.memory_space<vmem>> -> memref<1x16x1024xf32, #tpu.memory_space<vmem>>
    %dma_wait3A_476 = tpu.memref_squeeze %dma_wait3A_475 : memref<1x16x1024xf32, #tpu.memory_space<vmem>> -> memref<16x1024xf32, #tpu.memory_space<vmem>>
    %dma_wait3A_477 = arith.constant 0 : i32
    %dma_wait3A_478 = arith.constant 0 : i32
    %dma_wait3A_479 = tpu.memref_slice %arg6[%dma_wait3A_477, %dma_wait3A_478] : memref<8192x1024xf32, #tpu.memory_space<hbm>> -> memref<8192x1024xf32, #tpu.memory_space<hbm>>
    tpu.wait_indirect_dma semaphore(%arg20 : memref<!tpu.dma_semaphore, #tpu.memory_space<semaphore_mem>>) src(%dma_wait3A_476 : memref<16x1024xf32, #tpu.memory_space<vmem>>) dst(%dma_wait3A_479 : memref<8192x1024xf32, #tpu.memory_space<hbm>>)
    %add3A_480 = arith.constant 96 : i32
    %add3A_481 = arith.addi %mul3A_2, %add3A_480 : i32
    %dma_start3A_482 = arith.constant 0 : i32
    %dma_start3A_483 = arith.constant 0 : i32
    %dma_start3A_484 = arith.constant 0 : i32
    %dma_start3A_485 = tpu.memref_slice %arg17[%dma_start3A_482, %dma_start3A_483, %dma_start3A_484] : memref<2x16x1024xf32, #tpu.memory_space<vmem>> -> memref<1x16x1024xf32, #tpu.memory_space<vmem>>
    %dma_start3A_486 = tpu.memref_squeeze %dma_start3A_485 : memref<1x16x1024xf32, #tpu.memory_space<vmem>> -> memref<16x1024xf32, #tpu.memory_space<vmem>>
    %dma_start3A_487 = arith.constant 0 : i32
    %dma_start3A_488 = tpu.memref_slice %arg2[%add3A_481, %dma_start3A_487] : memref<4096x1024xf32, #tpu.memory_space<hbm>> -> memref<16x1024xf32, #tpu.memory_space<hbm>>
    %dma_start3A_489 = arith.constant 0 : i32
    %dma_start3A_490 = arith.constant 0 : i32
    %dma_start3A_491 = tpu.memref_slice %arg17[%dma_start3A_482, %dma_start3A_489, %dma_start3A_490] : memref<2x16x1024xf32, #tpu.memory_space<vmem>> -> memref<1x16x1024xf32, #tpu.memory_space<vmem>>
    %dma_start3A_492 = tpu.memref_squeeze %dma_start3A_491 : memref<1x16x1024xf32, #tpu.memory_space<vmem>> -> memref<16x1024xf32, #tpu.memory_space<vmem>>
    %dma_start3A_493 = arith.constant 0 : i32
    %dma_start3A_494 = tpu.memref_slice %arg2[%add3A_481, %dma_start3A_493] : memref<4096x1024xf32, #tpu.memory_space<hbm>> -> memref<16x1024xf32, #tpu.memory_space<hbm>>
    tpu.enqueue_dma source(%dma_start3A_494 : memref<16x1024xf32, #tpu.memory_space<hbm>>) target(%dma_start3A_492 : memref<16x1024xf32, #tpu.memory_space<vmem>>) target_semaphore(%arg18 : memref<!tpu.dma_semaphore, #tpu.memory_space<semaphore_mem>>)
    %dma_wait3A_495 = arith.constant 1 : i32
    %dma_wait3A_496 = arith.constant 0 : i32
    %dma_wait3A_497 = arith.constant 0 : i32
    %dma_wait3A_498 = tpu.memref_slice %arg17[%dma_wait3A_495, %dma_wait3A_496, %dma_wait3A_497] : memref<2x16x1024xf32, #tpu.memory_space<vmem>> -> memref<1x16x1024xf32, #tpu.memory_space<vmem>>
    %dma_wait3A_499 = tpu.memref_squeeze %dma_wait3A_498 : memref<1x16x1024xf32, #tpu.memory_space<vmem>> -> memref<16x1024xf32, #tpu.memory_space<vmem>>
    %dma_wait3A_500 = arith.constant 0 : i32
    %dma_wait3A_501 = tpu.memref_slice %arg2[%add3A_435, %dma_wait3A_500] : memref<4096x1024xf32, #tpu.memory_space<hbm>> -> memref<16x1024xf32, #tpu.memory_space<hbm>>
    %dma_wait3A_502 = arith.constant 0 : i32
    %dma_wait3A_503 = arith.constant 0 : i32
    %dma_wait3A_504 = tpu.memref_slice %arg17[%dma_wait3A_495, %dma_wait3A_502, %dma_wait3A_503] : memref<2x16x1024xf32, #tpu.memory_space<vmem>> -> memref<1x16x1024xf32, #tpu.memory_space<vmem>>
    %dma_wait3A_505 = tpu.memref_squeeze %dma_wait3A_504 : memref<1x16x1024xf32, #tpu.memory_space<vmem>> -> memref<16x1024xf32, #tpu.memory_space<vmem>>
    %dma_wait3A_506 = arith.constant 0 : i32
    %dma_wait3A_507 = tpu.memref_slice %arg2[%add3A_435, %dma_wait3A_506] : memref<4096x1024xf32, #tpu.memory_space<hbm>> -> memref<16x1024xf32, #tpu.memory_space<hbm>>
    tpu.wait_dma2 semaphore(%arg19 : memref<!tpu.dma_semaphore, #tpu.memory_space<semaphore_mem>>) src(%dma_wait3A_507 : memref<16x1024xf32, #tpu.memory_space<hbm>>) dst(%dma_wait3A_505 : memref<16x1024xf32, #tpu.memory_space<vmem>>)
    %get3A_508 = arith.constant 80 : index
    %get3A_509 = tpu.vector_load %arg16[%get3A_508] {strides = array<i32>} : memref<128xi32, #tpu.memory_space<vmem>>, vector<16xi32>,
    %dma_start3A_510 = arith.constant 1 : i32
    %dma_start3A_511 = arith.constant 0 : i32
    %dma_start3A_512 = arith.constant 0 : i32
    %dma_start3A_513 = tpu.memref_slice %arg17[%dma_start3A_510, %dma_start3A_511, %dma_start3A_512] : memref<2x16x1024xf32, #tpu.memory_space<vmem>> -> memref<1x16x1024xf32, #tpu.memory_space<vmem>>
    %dma_start3A_514 = tpu.memref_squeeze %dma_start3A_513 : memref<1x16x1024xf32, #tpu.memory_space<vmem>> -> memref<16x1024xf32, #tpu.memory_space<vmem>>
    %dma_start3A_515 = arith.constant 0 : i32
    %dma_start3A_516 = arith.constant 0 : i32
    %dma_start3A_517 = tpu.memref_slice %arg6[%dma_start3A_515, %dma_start3A_516] : memref<8192x1024xf32, #tpu.memory_space<hbm>> -> memref<8192x1024xf32, #tpu.memory_space<hbm>>
    tpu.enqueue_indirect_dma source(%dma_start3A_514 : memref<16x1024xf32, #tpu.memory_space<vmem>>) target(%dma_start3A_517 : memref<8192x1024xf32, #tpu.memory_space<hbm>>) offsets(%get3A_509 : vector<16xi32>) semaphore(%arg21 : memref<!tpu.dma_semaphore, #tpu.memory_space<semaphore_mem>>)
    %dma_wait3A_518 = arith.constant 1 : i32
    %dma_wait3A_519 = arith.constant 0 : i32
    %dma_wait3A_520 = arith.constant 0 : i32
    %dma_wait3A_521 = tpu.memref_slice %arg17[%dma_wait3A_518, %dma_wait3A_519, %dma_wait3A_520] : memref<2x16x1024xf32, #tpu.memory_space<vmem>> -> memref<1x16x1024xf32, #tpu.memory_space<vmem>>
    %dma_wait3A_522 = tpu.memref_squeeze %dma_wait3A_521 : memref<1x16x1024xf32, #tpu.memory_space<vmem>> -> memref<16x1024xf32, #tpu.memory_space<vmem>>
    %dma_wait3A_523 = arith.constant 0 : i32
    %dma_wait3A_524 = arith.constant 0 : i32
    %dma_wait3A_525 = tpu.memref_slice %arg6[%dma_wait3A_523, %dma_wait3A_524] : memref<8192x1024xf32, #tpu.memory_space<hbm>> -> memref<8192x1024xf32, #tpu.memory_space<hbm>>
    tpu.wait_indirect_dma semaphore(%arg21 : memref<!tpu.dma_semaphore, #tpu.memory_space<semaphore_mem>>) src(%dma_wait3A_522 : memref<16x1024xf32, #tpu.memory_space<vmem>>) dst(%dma_wait3A_525 : memref<8192x1024xf32, #tpu.memory_space<hbm>>)
    %add3A_526 = arith.constant 112 : i32
    %add3A_527 = arith.addi %mul3A_2, %add3A_526 : i32
    %dma_start3A_528 = arith.constant 1 : i32
    %dma_start3A_529 = arith.constant 0 : i32
    %dma_start3A_530 = arith.constant 0 : i32
    %dma_start3A_531 = tpu.memref_slice %arg17[%dma_start3A_528, %dma_start3A_529, %dma_start3A_530] : memref<2x16x1024xf32, #tpu.memory_space<vmem>> -> memref<1x16x1024xf32, #tpu.memory_space<vmem>>
    %dma_start3A_532 = tpu.memref_squeeze %dma_start3A_531 : memref<1x16x1024xf32, #tpu.memory_space<vmem>> -> memref<16x1024xf32, #tpu.memory_space<vmem>>
    %dma_start3A_533 = arith.constant 0 : i32
    %dma_start3A_534 = tpu.memref_slice %arg2[%add3A_527, %dma_start3A_533] : memref<4096x1024xf32, #tpu.memory_space<hbm>> -> memref<16x1024xf32, #tpu.memory_space<hbm>>
    %dma_start3A_535 = arith.constant 0 : i32
    %dma_start3A_536 = arith.constant 0 : i32
    %dma_start3A_537 = tpu.memref_slice %arg17[%dma_start3A_528, %dma_start3A_535, %dma_start3A_536] : memref<2x16x1024xf32, #tpu.memory_space<vmem>> -> memref<1x16x1024xf32, #tpu.memory_space<vmem>>
    %dma_start3A_538 = tpu.memref_squeeze %dma_start3A_537 : memref<1x16x1024xf32, #tpu.memory_space<vmem>> -> memref<16x1024xf32, #tpu.memory_space<vmem>>
    %dma_start3A_539 = arith.constant 0 : i32
    %dma_start3A_540 = tpu.memref_slice %arg2[%add3A_527, %dma_start3A_539] : memref<4096x1024xf32, #tpu.memory_space<hbm>> -> memref<16x1024xf32, #tpu.memory_space<hbm>>
    tpu.enqueue_dma source(%dma_start3A_540 : memref<16x1024xf32, #tpu.memory_space<hbm>>) target(%dma_start3A_538 : memref<16x1024xf32, #tpu.memory_space<vmem>>) target_semaphore(%arg19 : memref<!tpu.dma_semaphore, #tpu.memory_space<semaphore_mem>>)
    %dma_wait3A_541 = arith.constant 0 : i32
    %dma_wait3A_542 = arith.constant 0 : i32
    %dma_wait3A_543 = arith.constant 0 : i32
    %dma_wait3A_544 = tpu.memref_slice %arg17[%dma_wait3A_541, %dma_wait3A_542, %dma_wait3A_543] : memref<2x16x1024xf32, #tpu.memory_space<vmem>> -> memref<1x16x1024xf32, #tpu.memory_space<vmem>>
    %dma_wait3A_545 = tpu.memref_squeeze %dma_wait3A_544 : memref<1x16x1024xf32, #tpu.memory_space<vmem>> -> memref<16x1024xf32, #tpu.memory_space<vmem>>
    %dma_wait3A_546 = arith.constant 0 : i32
    %dma_wait3A_547 = tpu.memref_slice %arg2[%add3A_481, %dma_wait3A_546] : memref<4096x1024xf32, #tpu.memory_space<hbm>> -> memref<16x1024xf32, #tpu.memory_space<hbm>>
    %dma_wait3A_548 = arith.constant 0 : i32
    %dma_wait3A_549 = arith.constant 0 : i32
    %dma_wait3A_550 = tpu.memref_slice %arg17[%dma_wait3A_541, %dma_wait3A_548, %dma_wait3A_549] : memref<2x16x1024xf32, #tpu.memory_space<vmem>> -> memref<1x16x1024xf32, #tpu.memory_space<vmem>>
    %dma_wait3A_551 = tpu.memref_squeeze %dma_wait3A_550 : memref<1x16x1024xf32, #tpu.memory_space<vmem>> -> memref<16x1024xf32, #tpu.memory_space<vmem>>
    %dma_wait3A_552 = arith.constant 0 : i32
    %dma_wait3A_553 = tpu.memref_slice %arg2[%add3A_481, %dma_wait3A_552] : memref<4096x1024xf32, #tpu.memory_space<hbm>> -> memref<16x1024xf32, #tpu.memory_space<hbm>>
    tpu.wait_dma2 semaphore(%arg18 : memref<!tpu.dma_semaphore, #tpu.memory_space<semaphore_mem>>) src(%dma_wait3A_553 : memref<16x1024xf32, #tpu.memory_space<hbm>>) dst(%dma_wait3A_551 : memref<16x1024xf32, #tpu.memory_space<vmem>>)
    %get3A_554 = arith.constant 96 : index
    %get3A_555 = tpu.vector_load %arg16[%get3A_554] {strides = array<i32>} : memref<128xi32, #tpu.memory_space<vmem>>, vector<16xi32>,
    %dma_start3A_556 = arith.constant 0 : i32
    %dma_start3A_557 = arith.constant 0 : i32
    %dma_start3A_558 = arith.constant 0 : i32
    %dma_start3A_559 = tpu.memref_slice %arg17[%dma_start3A_556, %dma_start3A_557, %dma_start3A_558] : memref<2x16x1024xf32, #tpu.memory_space<vmem>> -> memref<1x16x1024xf32, #tpu.memory_space<vmem>>
    %dma_start3A_560 = tpu.memref_squeeze %dma_start3A_559 : memref<1x16x1024xf32, #tpu.memory_space<vmem>> -> memref<16x1024xf32, #tpu.memory_space<vmem>>
    %dma_start3A_561 = arith.constant 0 : i32
    %dma_start3A_562 = arith.constant 0 : i32
    %dma_start3A_563 = tpu.memref_slice %arg6[%dma_start3A_561, %dma_start3A_562] : memref<8192x1024xf32, #tpu.memory_space<hbm>> -> memref<8192x1024xf32, #tpu.memory_space<hbm>>
    tpu.enqueue_indirect_dma source(%dma_start3A_560 : memref<16x1024xf32, #tpu.memory_space<vmem>>) target(%dma_start3A_563 : memref<8192x1024xf32, #tpu.memory_space<hbm>>) offsets(%get3A_555 : vector<16xi32>) semaphore(%arg20 : memref<!tpu.dma_semaphore, #tpu.memory_space<semaphore_mem>>)
    %dma_wait3A_564 = arith.constant 1 : i32
    %dma_wait3A_565 = arith.constant 0 : i32
    %dma_wait3A_566 = arith.constant 0 : i32
    %dma_wait3A_567 = tpu.memref_slice %arg17[%dma_wait3A_564, %dma_wait3A_565, %dma_wait3A_566] : memref<2x16x1024xf32, #tpu.memory_space<vmem>> -> memref<1x16x1024xf32, #tpu.memory_space<vmem>>
    %dma_wait3A_568 = tpu.memref_squeeze %dma_wait3A_567 : memref<1x16x1024xf32, #tpu.memory_space<vmem>> -> memref<16x1024xf32, #tpu.memory_space<vmem>>
    %dma_wait3A_569 = arith.constant 0 : i32
    %dma_wait3A_570 = tpu.memref_slice %arg2[%add3A_527, %dma_wait3A_569] : memref<4096x1024xf32, #tpu.memory_space<hbm>> -> memref<16x1024xf32, #tpu.memory_space<hbm>>
    %dma_wait3A_571 = arith.constant 0 : i32
    %dma_wait3A_572 = arith.constant 0 : i32
    %dma_wait3A_573 = tpu.memref_slice %arg17[%dma_wait3A_564, %dma_wait3A_571, %dma_wait3A_572] : memref<2x16x1024xf32, #tpu.memory_space<vmem>> -> memref<1x16x1024xf32, #tpu.memory_space<vmem>>
    %dma_wait3A_574 = tpu.memref_squeeze %dma_wait3A_573 : memref<1x16x1024xf32, #tpu.memory_space<vmem>> -> memref<16x1024xf32, #tpu.memory_space<vmem>>
    %dma_wait3A_575 = arith.constant 0 : i32
    %dma_wait3A_576 = tpu.memref_slice %arg2[%add3A_527, %dma_wait3A_575] : memref<4096x1024xf32, #tpu.memory_space<hbm>> -> memref<16x1024xf32, #tpu.memory_space<hbm>>
    tpu.wait_dma2 semaphore(%arg19 : memref<!tpu.dma_semaphore, #tpu.memory_space<semaphore_mem>>) src(%dma_wait3A_576 : memref<16x1024xf32, #tpu.memory_space<hbm>>) dst(%dma_wait3A_574 : memref<16x1024xf32, #tpu.memory_space<vmem>>)
    %get3A_577 = arith.constant 112 : index
    %get3A_578 = tpu.vector_load %arg16[%get3A_577] {strides = array<i32>} : memref<128xi32, #tpu.memory_space<vmem>>, vector<16xi32>,
    %dma_start3A_579 = arith.constant 1 : i32
    %dma_start3A_580 = arith.constant 0 : i32
    %dma_start3A_581 = arith.constant 0 : i32
    %dma_start3A_582 = tpu.memref_slice %arg17[%dma_start3A_579, %dma_start3A_580, %dma_start3A_581] : memref<2x16x1024xf32, #tpu.memory_space<vmem>> -> memref<1x16x1024xf32, #tpu.memory_space<vmem>>
    %dma_start3A_583 = tpu.memref_squeeze %dma_start3A_582 : memref<1x16x1024xf32, #tpu.memory_space<vmem>> -> memref<16x1024xf32, #tpu.memory_space<vmem>>
    %dma_start3A_584 = arith.constant 0 : i32
    %dma_start3A_585 = arith.constant 0 : i32
    %dma_start3A_586 = tpu.memref_slice %arg6[%dma_start3A_584, %dma_start3A_585] : memref<8192x1024xf32, #tpu.memory_space<hbm>> -> memref<8192x1024xf32, #tpu.memory_space<hbm>>
    tpu.enqueue_indirect_dma source(%dma_start3A_583 : memref<16x1024xf32, #tpu.memory_space<vmem>>) target(%dma_start3A_586 : memref<8192x1024xf32, #tpu.memory_space<hbm>>) offsets(%get3A_578 : vector<16xi32>) semaphore(%arg21 : memref<!tpu.dma_semaphore, #tpu.memory_space<semaphore_mem>>)
    %dma_wait3A_587 = arith.constant 0 : i32
    %dma_wait3A_588 = arith.constant 0 : i32
    %dma_wait3A_589 = arith.constant 0 : i32
    %dma_wait3A_590 = tpu.memref_slice %arg17[%dma_wait3A_587, %dma_wait3A_588, %dma_wait3A_589] : memref<2x16x1024xf32, #tpu.memory_space<vmem>> -> memref<1x16x1024xf32, #tpu.memory_space<vmem>>
    %dma_wait3A_591 = tpu.memref_squeeze %dma_wait3A_590 : memref<1x16x1024xf32, #tpu.memory_space<vmem>> -> memref<16x1024xf32, #tpu.memory_space<vmem>>
    %dma_wait3A_592 = arith.constant 0 : i32
    %dma_wait3A_593 = arith.constant 0 : i32
    %dma_wait3A_594 = tpu.memref_slice %arg6[%dma_wait3A_592, %dma_wait3A_593] : memref<8192x1024xf32, #tpu.memory_space<hbm>> -> memref<8192x1024xf32, #tpu.memory_space<hbm>>
    tpu.wait_indirect_dma semaphore(%arg20 : memref<!tpu.dma_semaphore, #tpu.memory_space<semaphore_mem>>) src(%dma_wait3A_591 : memref<16x1024xf32, #tpu.memory_space<vmem>>) dst(%dma_wait3A_594 : memref<8192x1024xf32, #tpu.memory_space<hbm>>)
    %dma_wait3A_595 = arith.constant 1 : i32
    %dma_wait3A_596 = arith.constant 0 : i32
    %dma_wait3A_597 = arith.constant 0 : i32
    %dma_wait3A_598 = tpu.memref_slice %arg17[%dma_wait3A_595, %dma_wait3A_596, %dma_wait3A_597] : memref<2x16x1024xf32, #tpu.memory_space<vmem>> -> memref<1x16x1024xf32, #tpu.memory_space<vmem>>
    %dma_wait3A_599 = tpu.memref_squeeze %dma_wait3A_598 : memref<1x16x1024xf32, #tpu.memory_space<vmem>> -> memref<16x1024xf32, #tpu.memory_space<vmem>>
    %dma_wait3A_600 = arith.constant 0 : i32
    %dma_wait3A_601 = arith.constant 0 : i32
    %dma_wait3A_602 = tpu.memref_slice %arg6[%dma_wait3A_600, %dma_wait3A_601] : memref<8192x1024xf32, #tpu.memory_space<hbm>> -> memref<8192x1024xf32, #tpu.memory_space<hbm>>
    tpu.wait_indirect_dma semaphore(%arg21 : memref<!tpu.dma_semaphore, #tpu.memory_space<semaphore_mem>>) src(%dma_wait3A_599 : memref<16x1024xf32, #tpu.memory_space<vmem>>) dst(%dma_wait3A_602 : memref<8192x1024xf32, #tpu.memory_space<hbm>>)
    return
  }
}

#map = affine_map<(d0, d1) -> (0, 0)>
#map1 = affine_map<(d0, d1) -> (0)>
module attributes {stable_mosaic.version = 14 : i64} {
  func.func @_combine(%arg0: i32, %arg1: i32, %arg2: memref<8192x1024xf32, #tpu.memory_space<hbm>>, %arg3: memref<4096xi32, #tpu.memory_space<hbm>>, %arg4: memref<4096x1024xf32, #tpu.memory_space<hbm>>, %arg5: memref<128xi32, #tpu.memory_space<vmem>>, %arg6: memref<2x16x1024xf32, #tpu.memory_space<vmem>>, %arg7: memref<!tpu.dma_semaphore, #tpu.memory_space<semaphore_mem>>, %arg8: memref<!tpu.dma_semaphore, #tpu.memory_space<semaphore_mem>>, %arg9: memref<!tpu.dma_semaphore, #tpu.memory_space<semaphore_mem>>, %arg10: memref<!tpu.dma_semaphore, #tpu.memory_space<semaphore_mem>>) attributes {dimension_semantics = [#tpu.dimension_semantics<core_parallel>, #tpu.dimension_semantics<subcore_parallel>], iteration_bounds = array<i64: 2, 16>, scalar_prefetch = 0 : i64, scratch_operands = 6 : i64, tpu.core_type = #tpu.core_type<sc_vector_subcore>, window_params = [{transform_indices = #map}, {transform_indices = #map1}, {transform_indices = #map}]} {
    %mul3A = arith.constant 2 : i32
    %mul3A_0 = arith.muli %arg1, %mul3A : i32
    %add3A = arith.addi %mul3A_0, %arg0 : i32
    %mul3A_1 = arith.constant 128 : i32
    %mul3A_2 = arith.muli %add3A, %mul3A_1 : i32
    "tpu.region"() ({
      %run_scoped3A = tpu.sem_alloc : memref<!tpu.dma_semaphore, #tpu.memory_space<semaphore_mem>>
      %dma_start3A_368 = tpu.memref_slice %arg3[%mul3A_2] : memref<4096xi32, #tpu.memory_space<hbm>> -> memref<128xi32, #tpu.memory_space<hbm>>
      %dma_start3A_369 = tpu.memref_slice %arg3[%mul3A_2] : memref<4096xi32, #tpu.memory_space<hbm>> -> memref<128xi32, #tpu.memory_space<hbm>>
      tpu.enqueue_dma source(%dma_start3A_369 : memref<128xi32, #tpu.memory_space<hbm>>) target(%arg5 : memref<128xi32, #tpu.memory_space<vmem>>) target_semaphore(%run_scoped3A : memref<!tpu.dma_semaphore, #tpu.memory_space<semaphore_mem>>)
      %dma_wait3A_370 = tpu.memref_slice %arg3[%mul3A_2] : memref<4096xi32, #tpu.memory_space<hbm>> -> memref<128xi32, #tpu.memory_space<hbm>>
      %dma_wait3A_371 = tpu.memref_slice %arg3[%mul3A_2] : memref<4096xi32, #tpu.memory_space<hbm>> -> memref<128xi32, #tpu.memory_space<hbm>>
      tpu.wait_dma2 semaphore(%run_scoped3A : memref<!tpu.dma_semaphore, #tpu.memory_space<semaphore_mem>>) src(%dma_wait3A_371 : memref<128xi32, #tpu.memory_space<hbm>>) dst(%arg5 : memref<128xi32, #tpu.memory_space<vmem>>)
      tpu.yield
    }) : () -> ()
    %get3A = arith.constant 0 : index
    %get3A_3 = tpu.vector_load %arg5[%get3A] {strides = array<i32>} : memref<128xi32, #tpu.memory_space<vmem>>, vector<16xi32>,
    %dma_start3A = arith.constant 0 : i32
    %dma_start3A_4 = arith.constant 0 : i32
    %dma_start3A_5 = arith.constant 0 : i32
    %dma_start3A_6 = tpu.memref_slice %arg6[%dma_start3A, %dma_start3A_4, %dma_start3A_5] : memref<2x16x1024xf32, #tpu.memory_space<vmem>> -> memref<1x16x1024xf32, #tpu.memory_space<vmem>>
    %dma_start3A_7 = tpu.memref_squeeze %dma_start3A_6 : memref<1x16x1024xf32, #tpu.memory_space<vmem>> -> memref<16x1024xf32, #tpu.memory_space<vmem>>
    %dma_start3A_8 = arith.constant 0 : i32
    %dma_start3A_9 = arith.constant 0 : i32
    %dma_start3A_10 = tpu.memref_slice %arg2[%dma_start3A_8, %dma_start3A_9] : memref<8192x1024xf32, #tpu.memory_space<hbm>> -> memref<8192x1024xf32, #tpu.memory_space<hbm>>
    tpu.enqueue_indirect_dma source(%dma_start3A_10 : memref<8192x1024xf32, #tpu.memory_space<hbm>>) target(%dma_start3A_7 : memref<16x1024xf32, #tpu.memory_space<vmem>>) offsets(%get3A_3 : vector<16xi32>) semaphore(%arg7 : memref<!tpu.dma_semaphore, #tpu.memory_space<semaphore_mem>>)
    %get3A_11 = arith.constant 16 : index
    %get3A_12 = tpu.vector_load %arg5[%get3A_11] {strides = array<i32>} : memref<128xi32, #tpu.memory_space<vmem>>, vector<16xi32>,
    %dma_start3A_13 = arith.constant 1 : i32
    %dma_start3A_14 = arith.constant 0 : i32
    %dma_start3A_15 = arith.constant 0 : i32
    %dma_start3A_16 = tpu.memref_slice %arg6[%dma_start3A_13, %dma_start3A_14, %dma_start3A_15] : memref<2x16x1024xf32, #tpu.memory_space<vmem>> -> memref<1x16x1024xf32, #tpu.memory_space<vmem>>
    %dma_start3A_17 = tpu.memref_squeeze %dma_start3A_16 : memref<1x16x1024xf32, #tpu.memory_space<vmem>> -> memref<16x1024xf32, #tpu.memory_space<vmem>>
    %dma_start3A_18 = arith.constant 0 : i32
    %dma_start3A_19 = arith.constant 0 : i32
    %dma_start3A_20 = tpu.memref_slice %arg2[%dma_start3A_18, %dma_start3A_19] : memref<8192x1024xf32, #tpu.memory_space<hbm>> -> memref<8192x1024xf32, #tpu.memory_space<hbm>>
    tpu.enqueue_indirect_dma source(%dma_start3A_20 : memref<8192x1024xf32, #tpu.memory_space<hbm>>) target(%dma_start3A_17 : memref<16x1024xf32, #tpu.memory_space<vmem>>) offsets(%get3A_12 : vector<16xi32>) semaphore(%arg8 : memref<!tpu.dma_semaphore, #tpu.memory_space<semaphore_mem>>)
    %dma_wait3A = arith.constant 0 : i32
    %dma_wait3A_21 = arith.constant 0 : i32
    %dma_wait3A_22 = arith.constant 0 : i32
    %dma_wait3A_23 = tpu.memref_slice %arg6[%dma_wait3A, %dma_wait3A_21, %dma_wait3A_22] : memref<2x16x1024xf32, #tpu.memory_space<vmem>> -> memref<1x16x1024xf32, #tpu.memory_space<vmem>>
    %dma_wait3A_24 = tpu.memref_squeeze %dma_wait3A_23 : memref<1x16x1024xf32, #tpu.memory_space<vmem>> -> memref<16x1024xf32, #tpu.memory_space<vmem>>
    %dma_wait3A_25 = arith.constant 0 : i32
    %dma_wait3A_26 = arith.constant 0 : i32
    %dma_wait3A_27 = tpu.memref_slice %arg2[%dma_wait3A_25, %dma_wait3A_26] : memref<8192x1024xf32, #tpu.memory_space<hbm>> -> memref<8192x1024xf32, #tpu.memory_space<hbm>>
    tpu.wait_indirect_dma semaphore(%arg7 : memref<!tpu.dma_semaphore, #tpu.memory_space<semaphore_mem>>) src(%dma_wait3A_27 : memref<8192x1024xf32, #tpu.memory_space<hbm>>) dst(%dma_wait3A_24 : memref<16x1024xf32, #tpu.memory_space<vmem>>)
    %add3A_28 = arith.constant 0 : i32
    %add3A_29 = arith.addi %mul3A_2, %add3A_28 : i32
    %dma_start3A_30 = arith.constant 0 : i32
    %dma_start3A_31 = arith.constant 0 : i32
    %dma_start3A_32 = arith.constant 0 : i32
    %dma_start3A_33 = tpu.memref_slice %arg6[%dma_start3A_30, %dma_start3A_31, %dma_start3A_32] : memref<2x16x1024xf32, #tpu.memory_space<vmem>> -> memref<1x16x1024xf32, #tpu.memory_space<vmem>>
    %dma_start3A_34 = tpu.memref_squeeze %dma_start3A_33 : memref<1x16x1024xf32, #tpu.memory_space<vmem>> -> memref<16x1024xf32, #tpu.memory_space<vmem>>
    %dma_start3A_35 = arith.constant 0 : i32
    %dma_start3A_36 = tpu.memref_slice %arg4[%add3A_29, %dma_start3A_35] : memref<4096x1024xf32, #tpu.memory_space<hbm>> -> memref<16x1024xf32, #tpu.memory_space<hbm>>
    %dma_start3A_37 = arith.constant 0 : i32
    %dma_start3A_38 = tpu.memref_slice %arg4[%add3A_29, %dma_start3A_37] : memref<4096x1024xf32, #tpu.memory_space<hbm>> -> memref<16x1024xf32, #tpu.memory_space<hbm>>
    %dma_start3A_39 = arith.constant 0 : i32
    %dma_start3A_40 = arith.constant 0 : i32
    %dma_start3A_41 = tpu.memref_slice %arg6[%dma_start3A_30, %dma_start3A_39, %dma_start3A_40] : memref<2x16x1024xf32, #tpu.memory_space<vmem>> -> memref<1x16x1024xf32, #tpu.memory_space<vmem>>
    %dma_start3A_42 = tpu.memref_squeeze %dma_start3A_41 : memref<1x16x1024xf32, #tpu.memory_space<vmem>> -> memref<16x1024xf32, #tpu.memory_space<vmem>>
    tpu.enqueue_dma source(%dma_start3A_42 : memref<16x1024xf32, #tpu.memory_space<vmem>>) target(%dma_start3A_38 : memref<16x1024xf32, #tpu.memory_space<hbm>>) target_semaphore(%arg9 : memref<!tpu.dma_semaphore, #tpu.memory_space<semaphore_mem>>)
    %dma_wait3A_43 = arith.constant 0 : i32
    %dma_wait3A_44 = arith.constant 0 : i32
    %dma_wait3A_45 = arith.constant 0 : i32
    %dma_wait3A_46 = tpu.memref_slice %arg6[%dma_wait3A_43, %dma_wait3A_44, %dma_wait3A_45] : memref<2x16x1024xf32, #tpu.memory_space<vmem>> -> memref<1x16x1024xf32, #tpu.memory_space<vmem>>
    %dma_wait3A_47 = tpu.memref_squeeze %dma_wait3A_46 : memref<1x16x1024xf32, #tpu.memory_space<vmem>> -> memref<16x1024xf32, #tpu.memory_space<vmem>>
    %dma_wait3A_48 = arith.constant 0 : i32
    %dma_wait3A_49 = tpu.memref_slice %arg4[%add3A_29, %dma_wait3A_48] : memref<4096x1024xf32, #tpu.memory_space<hbm>> -> memref<16x1024xf32, #tpu.memory_space<hbm>>
    %dma_wait3A_50 = arith.constant 0 : i32
    %dma_wait3A_51 = tpu.memref_slice %arg4[%add3A_29, %dma_wait3A_50] : memref<4096x1024xf32, #tpu.memory_space<hbm>> -> memref<16x1024xf32, #tpu.memory_space<hbm>>
    %dma_wait3A_52 = arith.constant 0 : i32
    %dma_wait3A_53 = arith.constant 0 : i32
    %dma_wait3A_54 = tpu.memref_slice %arg6[%dma_wait3A_43, %dma_wait3A_52, %dma_wait3A_53] : memref<2x16x1024xf32, #tpu.memory_space<vmem>> -> memref<1x16x1024xf32, #tpu.memory_space<vmem>>
    %dma_wait3A_55 = tpu.memref_squeeze %dma_wait3A_54 : memref<1x16x1024xf32, #tpu.memory_space<vmem>> -> memref<16x1024xf32, #tpu.memory_space<vmem>>
    tpu.wait_dma2 semaphore(%arg9 : memref<!tpu.dma_semaphore, #tpu.memory_space<semaphore_mem>>) src(%dma_wait3A_55 : memref<16x1024xf32, #tpu.memory_space<vmem>>) dst(%dma_wait3A_51 : memref<16x1024xf32, #tpu.memory_space<hbm>>)
    %get3A_56 = arith.constant 32 : index
    %get3A_57 = tpu.vector_load %arg5[%get3A_56] {strides = array<i32>} : memref<128xi32, #tpu.memory_space<vmem>>, vector<16xi32>,
    %dma_start3A_58 = arith.constant 0 : i32
    %dma_start3A_59 = arith.constant 0 : i32
    %dma_start3A_60 = arith.constant 0 : i32
    %dma_start3A_61 = tpu.memref_slice %arg6[%dma_start3A_58, %dma_start3A_59, %dma_start3A_60] : memref<2x16x1024xf32, #tpu.memory_space<vmem>> -> memref<1x16x1024xf32, #tpu.memory_space<vmem>>
    %dma_start3A_62 = tpu.memref_squeeze %dma_start3A_61 : memref<1x16x1024xf32, #tpu.memory_space<vmem>> -> memref<16x1024xf32, #tpu.memory_space<vmem>>
    %dma_start3A_63 = arith.constant 0 : i32
    %dma_start3A_64 = arith.constant 0 : i32
    %dma_start3A_65 = tpu.memref_slice %arg2[%dma_start3A_63, %dma_start3A_64] : memref<8192x1024xf32, #tpu.memory_space<hbm>> -> memref<8192x1024xf32, #tpu.memory_space<hbm>>
    tpu.enqueue_indirect_dma source(%dma_start3A_65 : memref<8192x1024xf32, #tpu.memory_space<hbm>>) target(%dma_start3A_62 : memref<16x1024xf32, #tpu.memory_space<vmem>>) offsets(%get3A_57 : vector<16xi32>) semaphore(%arg7 : memref<!tpu.dma_semaphore, #tpu.memory_space<semaphore_mem>>)
    %dma_wait3A_66 = arith.constant 1 : i32
    %dma_wait3A_67 = arith.constant 0 : i32
    %dma_wait3A_68 = arith.constant 0 : i32
    %dma_wait3A_69 = tpu.memref_slice %arg6[%dma_wait3A_66, %dma_wait3A_67, %dma_wait3A_68] : memref<2x16x1024xf32, #tpu.memory_space<vmem>> -> memref<1x16x1024xf32, #tpu.memory_space<vmem>>
    %dma_wait3A_70 = tpu.memref_squeeze %dma_wait3A_69 : memref<1x16x1024xf32, #tpu.memory_space<vmem>> -> memref<16x1024xf32, #tpu.memory_space<vmem>>
    %dma_wait3A_71 = arith.constant 0 : i32
    %dma_wait3A_72 = arith.constant 0 : i32
    %dma_wait3A_73 = tpu.memref_slice %arg2[%dma_wait3A_71, %dma_wait3A_72] : memref<8192x1024xf32, #tpu.memory_space<hbm>> -> memref<8192x1024xf32, #tpu.memory_space<hbm>>
    tpu.wait_indirect_dma semaphore(%arg8 : memref<!tpu.dma_semaphore, #tpu.memory_space<semaphore_mem>>) src(%dma_wait3A_73 : memref<8192x1024xf32, #tpu.memory_space<hbm>>) dst(%dma_wait3A_70 : memref<16x1024xf32, #tpu.memory_space<vmem>>)
    %add3A_74 = arith.constant 16 : i32
    %add3A_75 = arith.addi %mul3A_2, %add3A_74 : i32
    %dma_start3A_76 = arith.constant 1 : i32
    %dma_start3A_77 = arith.constant 0 : i32
    %dma_start3A_78 = arith.constant 0 : i32
    %dma_start3A_79 = tpu.memref_slice %arg6[%dma_start3A_76, %dma_start3A_77, %dma_start3A_78] : memref<2x16x1024xf32, #tpu.memory_space<vmem>> -> memref<1x16x1024xf32, #tpu.memory_space<vmem>>
    %dma_start3A_80 = tpu.memref_squeeze %dma_start3A_79 : memref<1x16x1024xf32, #tpu.memory_space<vmem>> -> memref<16x1024xf32, #tpu.memory_space<vmem>>
    %dma_start3A_81 = arith.constant 0 : i32
    %dma_start3A_82 = tpu.memref_slice %arg4[%add3A_75, %dma_start3A_81] : memref<4096x1024xf32, #tpu.memory_space<hbm>> -> memref<16x1024xf32, #tpu.memory_space<hbm>>
    %dma_start3A_83 = arith.constant 0 : i32
    %dma_start3A_84 = tpu.memref_slice %arg4[%add3A_75, %dma_start3A_83] : memref<4096x1024xf32, #tpu.memory_space<hbm>> -> memref<16x1024xf32, #tpu.memory_space<hbm>>
    %dma_start3A_85 = arith.constant 0 : i32
    %dma_start3A_86 = arith.constant 0 : i32
    %dma_start3A_87 = tpu.memref_slice %arg6[%dma_start3A_76, %dma_start3A_85, %dma_start3A_86] : memref<2x16x1024xf32, #tpu.memory_space<vmem>> -> memref<1x16x1024xf32, #tpu.memory_space<vmem>>
    %dma_start3A_88 = tpu.memref_squeeze %dma_start3A_87 : memref<1x16x1024xf32, #tpu.memory_space<vmem>> -> memref<16x1024xf32, #tpu.memory_space<vmem>>
    tpu.enqueue_dma source(%dma_start3A_88 : memref<16x1024xf32, #tpu.memory_space<vmem>>) target(%dma_start3A_84 : memref<16x1024xf32, #tpu.memory_space<hbm>>) target_semaphore(%arg10 : memref<!tpu.dma_semaphore, #tpu.memory_space<semaphore_mem>>)
    %dma_wait3A_89 = arith.constant 1 : i32
    %dma_wait3A_90 = arith.constant 0 : i32
    %dma_wait3A_91 = arith.constant 0 : i32
    %dma_wait3A_92 = tpu.memref_slice %arg6[%dma_wait3A_89, %dma_wait3A_90, %dma_wait3A_91] : memref<2x16x1024xf32, #tpu.memory_space<vmem>> -> memref<1x16x1024xf32, #tpu.memory_space<vmem>>
    %dma_wait3A_93 = tpu.memref_squeeze %dma_wait3A_92 : memref<1x16x1024xf32, #tpu.memory_space<vmem>> -> memref<16x1024xf32, #tpu.memory_space<vmem>>
    %dma_wait3A_94 = arith.constant 0 : i32
    %dma_wait3A_95 = tpu.memref_slice %arg4[%add3A_75, %dma_wait3A_94] : memref<4096x1024xf32, #tpu.memory_space<hbm>> -> memref<16x1024xf32, #tpu.memory_space<hbm>>
    %dma_wait3A_96 = arith.constant 0 : i32
    %dma_wait3A_97 = tpu.memref_slice %arg4[%add3A_75, %dma_wait3A_96] : memref<4096x1024xf32, #tpu.memory_space<hbm>> -> memref<16x1024xf32, #tpu.memory_space<hbm>>
    %dma_wait3A_98 = arith.constant 0 : i32
    %dma_wait3A_99 = arith.constant 0 : i32
    %dma_wait3A_100 = tpu.memref_slice %arg6[%dma_wait3A_89, %dma_wait3A_98, %dma_wait3A_99] : memref<2x16x1024xf32, #tpu.memory_space<vmem>> -> memref<1x16x1024xf32, #tpu.memory_space<vmem>>
    %dma_wait3A_101 = tpu.memref_squeeze %dma_wait3A_100 : memref<1x16x1024xf32, #tpu.memory_space<vmem>> -> memref<16x1024xf32, #tpu.memory_space<vmem>>
    tpu.wait_dma2 semaphore(%arg10 : memref<!tpu.dma_semaphore, #tpu.memory_space<semaphore_mem>>) src(%dma_wait3A_101 : memref<16x1024xf32, #tpu.memory_space<vmem>>) dst(%dma_wait3A_97 : memref<16x1024xf32, #tpu.memory_space<hbm>>)
    %get3A_102 = arith.constant 48 : index
    %get3A_103 = tpu.vector_load %arg5[%get3A_102] {strides = array<i32>} : memref<128xi32, #tpu.memory_space<vmem>>, vector<16xi32>,
    %dma_start3A_104 = arith.constant 1 : i32
    %dma_start3A_105 = arith.constant 0 : i32
    %dma_start3A_106 = arith.constant 0 : i32
    %dma_start3A_107 = tpu.memref_slice %arg6[%dma_start3A_104, %dma_start3A_105, %dma_start3A_106] : memref<2x16x1024xf32, #tpu.memory_space<vmem>> -> memref<1x16x1024xf32, #tpu.memory_space<vmem>>
    %dma_start3A_108 = tpu.memref_squeeze %dma_start3A_107 : memref<1x16x1024xf32, #tpu.memory_space<vmem>> -> memref<16x1024xf32, #tpu.memory_space<vmem>>
    %dma_start3A_109 = arith.constant 0 : i32
    %dma_start3A_110 = arith.constant 0 : i32
    %dma_start3A_111 = tpu.memref_slice %arg2[%dma_start3A_109, %dma_start3A_110] : memref<8192x1024xf32, #tpu.memory_space<hbm>> -> memref<8192x1024xf32, #tpu.memory_space<hbm>>
    tpu.enqueue_indirect_dma source(%dma_start3A_111 : memref<8192x1024xf32, #tpu.memory_space<hbm>>) target(%dma_start3A_108 : memref<16x1024xf32, #tpu.memory_space<vmem>>) offsets(%get3A_103 : vector<16xi32>) semaphore(%arg8 : memref<!tpu.dma_semaphore, #tpu.memory_space<semaphore_mem>>)
    %dma_wait3A_112 = arith.constant 0 : i32
    %dma_wait3A_113 = arith.constant 0 : i32
    %dma_wait3A_114 = arith.constant 0 : i32
    %dma_wait3A_115 = tpu.memref_slice %arg6[%dma_wait3A_112, %dma_wait3A_113, %dma_wait3A_114] : memref<2x16x1024xf32, #tpu.memory_space<vmem>> -> memref<1x16x1024xf32, #tpu.memory_space<vmem>>
    %dma_wait3A_116 = tpu.memref_squeeze %dma_wait3A_115 : memref<1x16x1024xf32, #tpu.memory_space<vmem>> -> memref<16x1024xf32, #tpu.memory_space<vmem>>
    %dma_wait3A_117 = arith.constant 0 : i32
    %dma_wait3A_118 = arith.constant 0 : i32
    %dma_wait3A_119 = tpu.memref_slice %arg2[%dma_wait3A_117, %dma_wait3A_118] : memref<8192x1024xf32, #tpu.memory_space<hbm>> -> memref<8192x1024xf32, #tpu.memory_space<hbm>>
    tpu.wait_indirect_dma semaphore(%arg7 : memref<!tpu.dma_semaphore, #tpu.memory_space<semaphore_mem>>) src(%dma_wait3A_119 : memref<8192x1024xf32, #tpu.memory_space<hbm>>) dst(%dma_wait3A_116 : memref<16x1024xf32, #tpu.memory_space<vmem>>)
    %add3A_120 = arith.constant 32 : i32
    %add3A_121 = arith.addi %mul3A_2, %add3A_120 : i32
    %dma_start3A_122 = arith.constant 0 : i32
    %dma_start3A_123 = arith.constant 0 : i32
    %dma_start3A_124 = arith.constant 0 : i32
    %dma_start3A_125 = tpu.memref_slice %arg6[%dma_start3A_122, %dma_start3A_123, %dma_start3A_124] : memref<2x16x1024xf32, #tpu.memory_space<vmem>> -> memref<1x16x1024xf32, #tpu.memory_space<vmem>>
    %dma_start3A_126 = tpu.memref_squeeze %dma_start3A_125 : memref<1x16x1024xf32, #tpu.memory_space<vmem>> -> memref<16x1024xf32, #tpu.memory_space<vmem>>
    %dma_start3A_127 = arith.constant 0 : i32
    %dma_start3A_128 = tpu.memref_slice %arg4[%add3A_121, %dma_start3A_127] : memref<4096x1024xf32, #tpu.memory_space<hbm>> -> memref<16x1024xf32, #tpu.memory_space<hbm>>
    %dma_start3A_129 = arith.constant 0 : i32
    %dma_start3A_130 = tpu.memref_slice %arg4[%add3A_121, %dma_start3A_129] : memref<4096x1024xf32, #tpu.memory_space<hbm>> -> memref<16x1024xf32, #tpu.memory_space<hbm>>
    %dma_start3A_131 = arith.constant 0 : i32
    %dma_start3A_132 = arith.constant 0 : i32
    %dma_start3A_133 = tpu.memref_slice %arg6[%dma_start3A_122, %dma_start3A_131, %dma_start3A_132] : memref<2x16x1024xf32, #tpu.memory_space<vmem>> -> memref<1x16x1024xf32, #tpu.memory_space<vmem>>
    %dma_start3A_134 = tpu.memref_squeeze %dma_start3A_133 : memref<1x16x1024xf32, #tpu.memory_space<vmem>> -> memref<16x1024xf32, #tpu.memory_space<vmem>>
    tpu.enqueue_dma source(%dma_start3A_134 : memref<16x1024xf32, #tpu.memory_space<vmem>>) target(%dma_start3A_130 : memref<16x1024xf32, #tpu.memory_space<hbm>>) target_semaphore(%arg9 : memref<!tpu.dma_semaphore, #tpu.memory_space<semaphore_mem>>)
    %dma_wait3A_135 = arith.constant 0 : i32
    %dma_wait3A_136 = arith.constant 0 : i32
    %dma_wait3A_137 = arith.constant 0 : i32
    %dma_wait3A_138 = tpu.memref_slice %arg6[%dma_wait3A_135, %dma_wait3A_136, %dma_wait3A_137] : memref<2x16x1024xf32, #tpu.memory_space<vmem>> -> memref<1x16x1024xf32, #tpu.memory_space<vmem>>
    %dma_wait3A_139 = tpu.memref_squeeze %dma_wait3A_138 : memref<1x16x1024xf32, #tpu.memory_space<vmem>> -> memref<16x1024xf32, #tpu.memory_space<vmem>>
    %dma_wait3A_140 = arith.constant 0 : i32
    %dma_wait3A_141 = tpu.memref_slice %arg4[%add3A_121, %dma_wait3A_140] : memref<4096x1024xf32, #tpu.memory_space<hbm>> -> memref<16x1024xf32, #tpu.memory_space<hbm>>
    %dma_wait3A_142 = arith.constant 0 : i32
    %dma_wait3A_143 = tpu.memref_slice %arg4[%add3A_121, %dma_wait3A_142] : memref<4096x1024xf32, #tpu.memory_space<hbm>> -> memref<16x1024xf32, #tpu.memory_space<hbm>>
    %dma_wait3A_144 = arith.constant 0 : i32
    %dma_wait3A_145 = arith.constant 0 : i32
    %dma_wait3A_146 = tpu.memref_slice %arg6[%dma_wait3A_135, %dma_wait3A_144, %dma_wait3A_145] : memref<2x16x1024xf32, #tpu.memory_space<vmem>> -> memref<1x16x1024xf32, #tpu.memory_space<vmem>>
    %dma_wait3A_147 = tpu.memref_squeeze %dma_wait3A_146 : memref<1x16x1024xf32, #tpu.memory_space<vmem>> -> memref<16x1024xf32, #tpu.memory_space<vmem>>
    tpu.wait_dma2 semaphore(%arg9 : memref<!tpu.dma_semaphore, #tpu.memory_space<semaphore_mem>>) src(%dma_wait3A_147 : memref<16x1024xf32, #tpu.memory_space<vmem>>) dst(%dma_wait3A_143 : memref<16x1024xf32, #tpu.memory_space<hbm>>)
    %get3A_148 = arith.constant 64 : index
    %get3A_149 = tpu.vector_load %arg5[%get3A_148] {strides = array<i32>} : memref<128xi32, #tpu.memory_space<vmem>>, vector<16xi32>,
    %dma_start3A_150 = arith.constant 0 : i32
    %dma_start3A_151 = arith.constant 0 : i32
    %dma_start3A_152 = arith.constant 0 : i32
    %dma_start3A_153 = tpu.memref_slice %arg6[%dma_start3A_150, %dma_start3A_151, %dma_start3A_152] : memref<2x16x1024xf32, #tpu.memory_space<vmem>> -> memref<1x16x1024xf32, #tpu.memory_space<vmem>>
    %dma_start3A_154 = tpu.memref_squeeze %dma_start3A_153 : memref<1x16x1024xf32, #tpu.memory_space<vmem>> -> memref<16x1024xf32, #tpu.memory_space<vmem>>
    %dma_start3A_155 = arith.constant 0 : i32
    %dma_start3A_156 = arith.constant 0 : i32
    %dma_start3A_157 = tpu.memref_slice %arg2[%dma_start3A_155, %dma_start3A_156] : memref<8192x1024xf32, #tpu.memory_space<hbm>> -> memref<8192x1024xf32, #tpu.memory_space<hbm>>
    tpu.enqueue_indirect_dma source(%dma_start3A_157 : memref<8192x1024xf32, #tpu.memory_space<hbm>>) target(%dma_start3A_154 : memref<16x1024xf32, #tpu.memory_space<vmem>>) offsets(%get3A_149 : vector<16xi32>) semaphore(%arg7 : memref<!tpu.dma_semaphore, #tpu.memory_space<semaphore_mem>>)
    %dma_wait3A_158 = arith.constant 1 : i32
    %dma_wait3A_159 = arith.constant 0 : i32
    %dma_wait3A_160 = arith.constant 0 : i32
    %dma_wait3A_161 = tpu.memref_slice %arg6[%dma_wait3A_158, %dma_wait3A_159, %dma_wait3A_160] : memref<2x16x1024xf32, #tpu.memory_space<vmem>> -> memref<1x16x1024xf32, #tpu.memory_space<vmem>>
    %dma_wait3A_162 = tpu.memref_squeeze %dma_wait3A_161 : memref<1x16x1024xf32, #tpu.memory_space<vmem>> -> memref<16x1024xf32, #tpu.memory_space<vmem>>
    %dma_wait3A_163 = arith.constant 0 : i32
    %dma_wait3A_164 = arith.constant 0 : i32
    %dma_wait3A_165 = tpu.memref_slice %arg2[%dma_wait3A_163, %dma_wait3A_164] : memref<8192x1024xf32, #tpu.memory_space<hbm>> -> memref<8192x1024xf32, #tpu.memory_space<hbm>>
    tpu.wait_indirect_dma semaphore(%arg8 : memref<!tpu.dma_semaphore, #tpu.memory_space<semaphore_mem>>) src(%dma_wait3A_165 : memref<8192x1024xf32, #tpu.memory_space<hbm>>) dst(%dma_wait3A_162 : memref<16x1024xf32, #tpu.memory_space<vmem>>)
    %add3A_166 = arith.constant 48 : i32
    %add3A_167 = arith.addi %mul3A_2, %add3A_166 : i32
    %dma_start3A_168 = arith.constant 1 : i32
    %dma_start3A_169 = arith.constant 0 : i32
    %dma_start3A_170 = arith.constant 0 : i32
    %dma_start3A_171 = tpu.memref_slice %arg6[%dma_start3A_168, %dma_start3A_169, %dma_start3A_170] : memref<2x16x1024xf32, #tpu.memory_space<vmem>> -> memref<1x16x1024xf32, #tpu.memory_space<vmem>>
    %dma_start3A_172 = tpu.memref_squeeze %dma_start3A_171 : memref<1x16x1024xf32, #tpu.memory_space<vmem>> -> memref<16x1024xf32, #tpu.memory_space<vmem>>
    %dma_start3A_173 = arith.constant 0 : i32
    %dma_start3A_174 = tpu.memref_slice %arg4[%add3A_167, %dma_start3A_173] : memref<4096x1024xf32, #tpu.memory_space<hbm>> -> memref<16x1024xf32, #tpu.memory_space<hbm>>
    %dma_start3A_175 = arith.constant 0 : i32
    %dma_start3A_176 = tpu.memref_slice %arg4[%add3A_167, %dma_start3A_175] : memref<4096x1024xf32, #tpu.memory_space<hbm>> -> memref<16x1024xf32, #tpu.memory_space<hbm>>
    %dma_start3A_177 = arith.constant 0 : i32
    %dma_start3A_178 = arith.constant 0 : i32
    %dma_start3A_179 = tpu.memref_slice %arg6[%dma_start3A_168, %dma_start3A_177, %dma_start3A_178] : memref<2x16x1024xf32, #tpu.memory_space<vmem>> -> memref<1x16x1024xf32, #tpu.memory_space<vmem>>
    %dma_start3A_180 = tpu.memref_squeeze %dma_start3A_179 : memref<1x16x1024xf32, #tpu.memory_space<vmem>> -> memref<16x1024xf32, #tpu.memory_space<vmem>>
    tpu.enqueue_dma source(%dma_start3A_180 : memref<16x1024xf32, #tpu.memory_space<vmem>>) target(%dma_start3A_176 : memref<16x1024xf32, #tpu.memory_space<hbm>>) target_semaphore(%arg10 : memref<!tpu.dma_semaphore, #tpu.memory_space<semaphore_mem>>)
    %dma_wait3A_181 = arith.constant 1 : i32
    %dma_wait3A_182 = arith.constant 0 : i32
    %dma_wait3A_183 = arith.constant 0 : i32
    %dma_wait3A_184 = tpu.memref_slice %arg6[%dma_wait3A_181, %dma_wait3A_182, %dma_wait3A_183] : memref<2x16x1024xf32, #tpu.memory_space<vmem>> -> memref<1x16x1024xf32, #tpu.memory_space<vmem>>
    %dma_wait3A_185 = tpu.memref_squeeze %dma_wait3A_184 : memref<1x16x1024xf32, #tpu.memory_space<vmem>> -> memref<16x1024xf32, #tpu.memory_space<vmem>>
    %dma_wait3A_186 = arith.constant 0 : i32
    %dma_wait3A_187 = tpu.memref_slice %arg4[%add3A_167, %dma_wait3A_186] : memref<4096x1024xf32, #tpu.memory_space<hbm>> -> memref<16x1024xf32, #tpu.memory_space<hbm>>
    %dma_wait3A_188 = arith.constant 0 : i32
    %dma_wait3A_189 = tpu.memref_slice %arg4[%add3A_167, %dma_wait3A_188] : memref<4096x1024xf32, #tpu.memory_space<hbm>> -> memref<16x1024xf32, #tpu.memory_space<hbm>>
    %dma_wait3A_190 = arith.constant 0 : i32
    %dma_wait3A_191 = arith.constant 0 : i32
    %dma_wait3A_192 = tpu.memref_slice %arg6[%dma_wait3A_181, %dma_wait3A_190, %dma_wait3A_191] : memref<2x16x1024xf32, #tpu.memory_space<vmem>> -> memref<1x16x1024xf32, #tpu.memory_space<vmem>>
    %dma_wait3A_193 = tpu.memref_squeeze %dma_wait3A_192 : memref<1x16x1024xf32, #tpu.memory_space<vmem>> -> memref<16x1024xf32, #tpu.memory_space<vmem>>
    tpu.wait_dma2 semaphore(%arg10 : memref<!tpu.dma_semaphore, #tpu.memory_space<semaphore_mem>>) src(%dma_wait3A_193 : memref<16x1024xf32, #tpu.memory_space<vmem>>) dst(%dma_wait3A_189 : memref<16x1024xf32, #tpu.memory_space<hbm>>)
    %get3A_194 = arith.constant 80 : index
    %get3A_195 = tpu.vector_load %arg5[%get3A_194] {strides = array<i32>} : memref<128xi32, #tpu.memory_space<vmem>>, vector<16xi32>,
    %dma_start3A_196 = arith.constant 1 : i32
    %dma_start3A_197 = arith.constant 0 : i32
    %dma_start3A_198 = arith.constant 0 : i32
    %dma_start3A_199 = tpu.memref_slice %arg6[%dma_start3A_196, %dma_start3A_197, %dma_start3A_198] : memref<2x16x1024xf32, #tpu.memory_space<vmem>> -> memref<1x16x1024xf32, #tpu.memory_space<vmem>>
    %dma_start3A_200 = tpu.memref_squeeze %dma_start3A_199 : memref<1x16x1024xf32, #tpu.memory_space<vmem>> -> memref<16x1024xf32, #tpu.memory_space<vmem>>
    %dma_start3A_201 = arith.constant 0 : i32
    %dma_start3A_202 = arith.constant 0 : i32
    %dma_start3A_203 = tpu.memref_slice %arg2[%dma_start3A_201, %dma_start3A_202] : memref<8192x1024xf32, #tpu.memory_space<hbm>> -> memref<8192x1024xf32, #tpu.memory_space<hbm>>
    tpu.enqueue_indirect_dma source(%dma_start3A_203 : memref<8192x1024xf32, #tpu.memory_space<hbm>>) target(%dma_start3A_200 : memref<16x1024xf32, #tpu.memory_space<vmem>>) offsets(%get3A_195 : vector<16xi32>) semaphore(%arg8 : memref<!tpu.dma_semaphore, #tpu.memory_space<semaphore_mem>>)
    %dma_wait3A_204 = arith.constant 0 : i32
    %dma_wait3A_205 = arith.constant 0 : i32
    %dma_wait3A_206 = arith.constant 0 : i32
    %dma_wait3A_207 = tpu.memref_slice %arg6[%dma_wait3A_204, %dma_wait3A_205, %dma_wait3A_206] : memref<2x16x1024xf32, #tpu.memory_space<vmem>> -> memref<1x16x1024xf32, #tpu.memory_space<vmem>>
    %dma_wait3A_208 = tpu.memref_squeeze %dma_wait3A_207 : memref<1x16x1024xf32, #tpu.memory_space<vmem>> -> memref<16x1024xf32, #tpu.memory_space<vmem>>
    %dma_wait3A_209 = arith.constant 0 : i32
    %dma_wait3A_210 = arith.constant 0 : i32
    %dma_wait3A_211 = tpu.memref_slice %arg2[%dma_wait3A_209, %dma_wait3A_210] : memref<8192x1024xf32, #tpu.memory_space<hbm>> -> memref<8192x1024xf32, #tpu.memory_space<hbm>>
    tpu.wait_indirect_dma semaphore(%arg7 : memref<!tpu.dma_semaphore, #tpu.memory_space<semaphore_mem>>) src(%dma_wait3A_211 : memref<8192x1024xf32, #tpu.memory_space<hbm>>) dst(%dma_wait3A_208 : memref<16x1024xf32, #tpu.memory_space<vmem>>)
    %add3A_212 = arith.constant 64 : i32
    %add3A_213 = arith.addi %mul3A_2, %add3A_212 : i32
    %dma_start3A_214 = arith.constant 0 : i32
    %dma_start3A_215 = arith.constant 0 : i32
    %dma_start3A_216 = arith.constant 0 : i32
    %dma_start3A_217 = tpu.memref_slice %arg6[%dma_start3A_214, %dma_start3A_215, %dma_start3A_216] : memref<2x16x1024xf32, #tpu.memory_space<vmem>> -> memref<1x16x1024xf32, #tpu.memory_space<vmem>>
    %dma_start3A_218 = tpu.memref_squeeze %dma_start3A_217 : memref<1x16x1024xf32, #tpu.memory_space<vmem>> -> memref<16x1024xf32, #tpu.memory_space<vmem>>
    %dma_start3A_219 = arith.constant 0 : i32
    %dma_start3A_220 = tpu.memref_slice %arg4[%add3A_213, %dma_start3A_219] : memref<4096x1024xf32, #tpu.memory_space<hbm>> -> memref<16x1024xf32, #tpu.memory_space<hbm>>
    %dma_start3A_221 = arith.constant 0 : i32
    %dma_start3A_222 = tpu.memref_slice %arg4[%add3A_213, %dma_start3A_221] : memref<4096x1024xf32, #tpu.memory_space<hbm>> -> memref<16x1024xf32, #tpu.memory_space<hbm>>
    %dma_start3A_223 = arith.constant 0 : i32
    %dma_start3A_224 = arith.constant 0 : i32
    %dma_start3A_225 = tpu.memref_slice %arg6[%dma_start3A_214, %dma_start3A_223, %dma_start3A_224] : memref<2x16x1024xf32, #tpu.memory_space<vmem>> -> memref<1x16x1024xf32, #tpu.memory_space<vmem>>
    %dma_start3A_226 = tpu.memref_squeeze %dma_start3A_225 : memref<1x16x1024xf32, #tpu.memory_space<vmem>> -> memref<16x1024xf32, #tpu.memory_space<vmem>>
    tpu.enqueue_dma source(%dma_start3A_226 : memref<16x1024xf32, #tpu.memory_space<vmem>>) target(%dma_start3A_222 : memref<16x1024xf32, #tpu.memory_space<hbm>>) target_semaphore(%arg9 : memref<!tpu.dma_semaphore, #tpu.memory_space<semaphore_mem>>)
    %dma_wait3A_227 = arith.constant 0 : i32
    %dma_wait3A_228 = arith.constant 0 : i32
    %dma_wait3A_229 = arith.constant 0 : i32
    %dma_wait3A_230 = tpu.memref_slice %arg6[%dma_wait3A_227, %dma_wait3A_228, %dma_wait3A_229] : memref<2x16x1024xf32, #tpu.memory_space<vmem>> -> memref<1x16x1024xf32, #tpu.memory_space<vmem>>
    %dma_wait3A_231 = tpu.memref_squeeze %dma_wait3A_230 : memref<1x16x1024xf32, #tpu.memory_space<vmem>> -> memref<16x1024xf32, #tpu.memory_space<vmem>>
    %dma_wait3A_232 = arith.constant 0 : i32
    %dma_wait3A_233 = tpu.memref_slice %arg4[%add3A_213, %dma_wait3A_232] : memref<4096x1024xf32, #tpu.memory_space<hbm>> -> memref<16x1024xf32, #tpu.memory_space<hbm>>
    %dma_wait3A_234 = arith.constant 0 : i32
    %dma_wait3A_235 = tpu.memref_slice %arg4[%add3A_213, %dma_wait3A_234] : memref<4096x1024xf32, #tpu.memory_space<hbm>> -> memref<16x1024xf32, #tpu.memory_space<hbm>>
    %dma_wait3A_236 = arith.constant 0 : i32
    %dma_wait3A_237 = arith.constant 0 : i32
    %dma_wait3A_238 = tpu.memref_slice %arg6[%dma_wait3A_227, %dma_wait3A_236, %dma_wait3A_237] : memref<2x16x1024xf32, #tpu.memory_space<vmem>> -> memref<1x16x1024xf32, #tpu.memory_space<vmem>>
    %dma_wait3A_239 = tpu.memref_squeeze %dma_wait3A_238 : memref<1x16x1024xf32, #tpu.memory_space<vmem>> -> memref<16x1024xf32, #tpu.memory_space<vmem>>
    tpu.wait_dma2 semaphore(%arg9 : memref<!tpu.dma_semaphore, #tpu.memory_space<semaphore_mem>>) src(%dma_wait3A_239 : memref<16x1024xf32, #tpu.memory_space<vmem>>) dst(%dma_wait3A_235 : memref<16x1024xf32, #tpu.memory_space<hbm>>)
    %get3A_240 = arith.constant 96 : index
    %get3A_241 = tpu.vector_load %arg5[%get3A_240] {strides = array<i32>} : memref<128xi32, #tpu.memory_space<vmem>>, vector<16xi32>,
    %dma_start3A_242 = arith.constant 0 : i32
    %dma_start3A_243 = arith.constant 0 : i32
    %dma_start3A_244 = arith.constant 0 : i32
    %dma_start3A_245 = tpu.memref_slice %arg6[%dma_start3A_242, %dma_start3A_243, %dma_start3A_244] : memref<2x16x1024xf32, #tpu.memory_space<vmem>> -> memref<1x16x1024xf32, #tpu.memory_space<vmem>>
    %dma_start3A_246 = tpu.memref_squeeze %dma_start3A_245 : memref<1x16x1024xf32, #tpu.memory_space<vmem>> -> memref<16x1024xf32, #tpu.memory_space<vmem>>
    %dma_start3A_247 = arith.constant 0 : i32
    %dma_start3A_248 = arith.constant 0 : i32
    %dma_start3A_249 = tpu.memref_slice %arg2[%dma_start3A_247, %dma_start3A_248] : memref<8192x1024xf32, #tpu.memory_space<hbm>> -> memref<8192x1024xf32, #tpu.memory_space<hbm>>
    tpu.enqueue_indirect_dma source(%dma_start3A_249 : memref<8192x1024xf32, #tpu.memory_space<hbm>>) target(%dma_start3A_246 : memref<16x1024xf32, #tpu.memory_space<vmem>>) offsets(%get3A_241 : vector<16xi32>) semaphore(%arg7 : memref<!tpu.dma_semaphore, #tpu.memory_space<semaphore_mem>>)
    %dma_wait3A_250 = arith.constant 1 : i32
    %dma_wait3A_251 = arith.constant 0 : i32
    %dma_wait3A_252 = arith.constant 0 : i32
    %dma_wait3A_253 = tpu.memref_slice %arg6[%dma_wait3A_250, %dma_wait3A_251, %dma_wait3A_252] : memref<2x16x1024xf32, #tpu.memory_space<vmem>> -> memref<1x16x1024xf32, #tpu.memory_space<vmem>>
    %dma_wait3A_254 = tpu.memref_squeeze %dma_wait3A_253 : memref<1x16x1024xf32, #tpu.memory_space<vmem>> -> memref<16x1024xf32, #tpu.memory_space<vmem>>
    %dma_wait3A_255 = arith.constant 0 : i32
    %dma_wait3A_256 = arith.constant 0 : i32
    %dma_wait3A_257 = tpu.memref_slice %arg2[%dma_wait3A_255, %dma_wait3A_256] : memref<8192x1024xf32, #tpu.memory_space<hbm>> -> memref<8192x1024xf32, #tpu.memory_space<hbm>>
    tpu.wait_indirect_dma semaphore(%arg8 : memref<!tpu.dma_semaphore, #tpu.memory_space<semaphore_mem>>) src(%dma_wait3A_257 : memref<8192x1024xf32, #tpu.memory_space<hbm>>) dst(%dma_wait3A_254 : memref<16x1024xf32, #tpu.memory_space<vmem>>)
    %add3A_258 = arith.constant 80 : i32
    %add3A_259 = arith.addi %mul3A_2, %add3A_258 : i32
    %dma_start3A_260 = arith.constant 1 : i32
    %dma_start3A_261 = arith.constant 0 : i32
    %dma_start3A_262 = arith.constant 0 : i32
    %dma_start3A_263 = tpu.memref_slice %arg6[%dma_start3A_260, %dma_start3A_261, %dma_start3A_262] : memref<2x16x1024xf32, #tpu.memory_space<vmem>> -> memref<1x16x1024xf32, #tpu.memory_space<vmem>>
    %dma_start3A_264 = tpu.memref_squeeze %dma_start3A_263 : memref<1x16x1024xf32, #tpu.memory_space<vmem>> -> memref<16x1024xf32, #tpu.memory_space<vmem>>
    %dma_start3A_265 = arith.constant 0 : i32
    %dma_start3A_266 = tpu.memref_slice %arg4[%add3A_259, %dma_start3A_265] : memref<4096x1024xf32, #tpu.memory_space<hbm>> -> memref<16x1024xf32, #tpu.memory_space<hbm>>
    %dma_start3A_267 = arith.constant 0 : i32
    %dma_start3A_268 = tpu.memref_slice %arg4[%add3A_259, %dma_start3A_267] : memref<4096x1024xf32, #tpu.memory_space<hbm>> -> memref<16x1024xf32, #tpu.memory_space<hbm>>
    %dma_start3A_269 = arith.constant 0 : i32
    %dma_start3A_270 = arith.constant 0 : i32
    %dma_start3A_271 = tpu.memref_slice %arg6[%dma_start3A_260, %dma_start3A_269, %dma_start3A_270] : memref<2x16x1024xf32, #tpu.memory_space<vmem>> -> memref<1x16x1024xf32, #tpu.memory_space<vmem>>
    %dma_start3A_272 = tpu.memref_squeeze %dma_start3A_271 : memref<1x16x1024xf32, #tpu.memory_space<vmem>> -> memref<16x1024xf32, #tpu.memory_space<vmem>>
    tpu.enqueue_dma source(%dma_start3A_272 : memref<16x1024xf32, #tpu.memory_space<vmem>>) target(%dma_start3A_268 : memref<16x1024xf32, #tpu.memory_space<hbm>>) target_semaphore(%arg10 : memref<!tpu.dma_semaphore, #tpu.memory_space<semaphore_mem>>)
    %dma_wait3A_273 = arith.constant 1 : i32
    %dma_wait3A_274 = arith.constant 0 : i32
    %dma_wait3A_275 = arith.constant 0 : i32
    %dma_wait3A_276 = tpu.memref_slice %arg6[%dma_wait3A_273, %dma_wait3A_274, %dma_wait3A_275] : memref<2x16x1024xf32, #tpu.memory_space<vmem>> -> memref<1x16x1024xf32, #tpu.memory_space<vmem>>
    %dma_wait3A_277 = tpu.memref_squeeze %dma_wait3A_276 : memref<1x16x1024xf32, #tpu.memory_space<vmem>> -> memref<16x1024xf32, #tpu.memory_space<vmem>>
    %dma_wait3A_278 = arith.constant 0 : i32
    %dma_wait3A_279 = tpu.memref_slice %arg4[%add3A_259, %dma_wait3A_278] : memref<4096x1024xf32, #tpu.memory_space<hbm>> -> memref<16x1024xf32, #tpu.memory_space<hbm>>
    %dma_wait3A_280 = arith.constant 0 : i32
    %dma_wait3A_281 = tpu.memref_slice %arg4[%add3A_259, %dma_wait3A_280] : memref<4096x1024xf32, #tpu.memory_space<hbm>> -> memref<16x1024xf32, #tpu.memory_space<hbm>>
    %dma_wait3A_282 = arith.constant 0 : i32
    %dma_wait3A_283 = arith.constant 0 : i32
    %dma_wait3A_284 = tpu.memref_slice %arg6[%dma_wait3A_273, %dma_wait3A_282, %dma_wait3A_283] : memref<2x16x1024xf32, #tpu.memory_space<vmem>> -> memref<1x16x1024xf32, #tpu.memory_space<vmem>>
    %dma_wait3A_285 = tpu.memref_squeeze %dma_wait3A_284 : memref<1x16x1024xf32, #tpu.memory_space<vmem>> -> memref<16x1024xf32, #tpu.memory_space<vmem>>
    tpu.wait_dma2 semaphore(%arg10 : memref<!tpu.dma_semaphore, #tpu.memory_space<semaphore_mem>>) src(%dma_wait3A_285 : memref<16x1024xf32, #tpu.memory_space<vmem>>) dst(%dma_wait3A_281 : memref<16x1024xf32, #tpu.memory_space<hbm>>)
    %get3A_286 = arith.constant 112 : index
    %get3A_287 = tpu.vector_load %arg5[%get3A_286] {strides = array<i32>} : memref<128xi32, #tpu.memory_space<vmem>>, vector<16xi32>,
    %dma_start3A_288 = arith.constant 1 : i32
    %dma_start3A_289 = arith.constant 0 : i32
    %dma_start3A_290 = arith.constant 0 : i32
    %dma_start3A_291 = tpu.memref_slice %arg6[%dma_start3A_288, %dma_start3A_289, %dma_start3A_290] : memref<2x16x1024xf32, #tpu.memory_space<vmem>> -> memref<1x16x1024xf32, #tpu.memory_space<vmem>>
    %dma_start3A_292 = tpu.memref_squeeze %dma_start3A_291 : memref<1x16x1024xf32, #tpu.memory_space<vmem>> -> memref<16x1024xf32, #tpu.memory_space<vmem>>
    %dma_start3A_293 = arith.constant 0 : i32
    %dma_start3A_294 = arith.constant 0 : i32
    %dma_start3A_295 = tpu.memref_slice %arg2[%dma_start3A_293, %dma_start3A_294] : memref<8192x1024xf32, #tpu.memory_space<hbm>> -> memref<8192x1024xf32, #tpu.memory_space<hbm>>
    tpu.enqueue_indirect_dma source(%dma_start3A_295 : memref<8192x1024xf32, #tpu.memory_space<hbm>>) target(%dma_start3A_292 : memref<16x1024xf32, #tpu.memory_space<vmem>>) offsets(%get3A_287 : vector<16xi32>) semaphore(%arg8 : memref<!tpu.dma_semaphore, #tpu.memory_space<semaphore_mem>>)
    %dma_wait3A_296 = arith.constant 0 : i32
    %dma_wait3A_297 = arith.constant 0 : i32
    %dma_wait3A_298 = arith.constant 0 : i32
    %dma_wait3A_299 = tpu.memref_slice %arg6[%dma_wait3A_296, %dma_wait3A_297, %dma_wait3A_298] : memref<2x16x1024xf32, #tpu.memory_space<vmem>> -> memref<1x16x1024xf32, #tpu.memory_space<vmem>>
    %dma_wait3A_300 = tpu.memref_squeeze %dma_wait3A_299 : memref<1x16x1024xf32, #tpu.memory_space<vmem>> -> memref<16x1024xf32, #tpu.memory_space<vmem>>
    %dma_wait3A_301 = arith.constant 0 : i32
    %dma_wait3A_302 = arith.constant 0 : i32
    %dma_wait3A_303 = tpu.memref_slice %arg2[%dma_wait3A_301, %dma_wait3A_302] : memref<8192x1024xf32, #tpu.memory_space<hbm>> -> memref<8192x1024xf32, #tpu.memory_space<hbm>>
    tpu.wait_indirect_dma semaphore(%arg7 : memref<!tpu.dma_semaphore, #tpu.memory_space<semaphore_mem>>) src(%dma_wait3A_303 : memref<8192x1024xf32, #tpu.memory_space<hbm>>) dst(%dma_wait3A_300 : memref<16x1024xf32, #tpu.memory_space<vmem>>)
    %add3A_304 = arith.constant 96 : i32
    %add3A_305 = arith.addi %mul3A_2, %add3A_304 : i32
    %dma_start3A_306 = arith.constant 0 : i32
    %dma_start3A_307 = arith.constant 0 : i32
    %dma_start3A_308 = arith.constant 0 : i32
    %dma_start3A_309 = tpu.memref_slice %arg6[%dma_start3A_306, %dma_start3A_307, %dma_start3A_308] : memref<2x16x1024xf32, #tpu.memory_space<vmem>> -> memref<1x16x1024xf32, #tpu.memory_space<vmem>>
    %dma_start3A_310 = tpu.memref_squeeze %dma_start3A_309 : memref<1x16x1024xf32, #tpu.memory_space<vmem>> -> memref<16x1024xf32, #tpu.memory_space<vmem>>
    %dma_start3A_311 = arith.constant 0 : i32
    %dma_start3A_312 = tpu.memref_slice %arg4[%add3A_305, %dma_start3A_311] : memref<4096x1024xf32, #tpu.memory_space<hbm>> -> memref<16x1024xf32, #tpu.memory_space<hbm>>
    %dma_start3A_313 = arith.constant 0 : i32
    %dma_start3A_314 = tpu.memref_slice %arg4[%add3A_305, %dma_start3A_313] : memref<4096x1024xf32, #tpu.memory_space<hbm>> -> memref<16x1024xf32, #tpu.memory_space<hbm>>
    %dma_start3A_315 = arith.constant 0 : i32
    %dma_start3A_316 = arith.constant 0 : i32
    %dma_start3A_317 = tpu.memref_slice %arg6[%dma_start3A_306, %dma_start3A_315, %dma_start3A_316] : memref<2x16x1024xf32, #tpu.memory_space<vmem>> -> memref<1x16x1024xf32, #tpu.memory_space<vmem>>
    %dma_start3A_318 = tpu.memref_squeeze %dma_start3A_317 : memref<1x16x1024xf32, #tpu.memory_space<vmem>> -> memref<16x1024xf32, #tpu.memory_space<vmem>>
    tpu.enqueue_dma source(%dma_start3A_318 : memref<16x1024xf32, #tpu.memory_space<vmem>>) target(%dma_start3A_314 : memref<16x1024xf32, #tpu.memory_space<hbm>>) target_semaphore(%arg9 : memref<!tpu.dma_semaphore, #tpu.memory_space<semaphore_mem>>)
    %dma_wait3A_319 = arith.constant 1 : i32
    %dma_wait3A_320 = arith.constant 0 : i32
    %dma_wait3A_321 = arith.constant 0 : i32
    %dma_wait3A_322 = tpu.memref_slice %arg6[%dma_wait3A_319, %dma_wait3A_320, %dma_wait3A_321] : memref<2x16x1024xf32, #tpu.memory_space<vmem>> -> memref<1x16x1024xf32, #tpu.memory_space<vmem>>
    %dma_wait3A_323 = tpu.memref_squeeze %dma_wait3A_322 : memref<1x16x1024xf32, #tpu.memory_space<vmem>> -> memref<16x1024xf32, #tpu.memory_space<vmem>>
    %dma_wait3A_324 = arith.constant 0 : i32
    %dma_wait3A_325 = arith.constant 0 : i32
    %dma_wait3A_326 = tpu.memref_slice %arg2[%dma_wait3A_324, %dma_wait3A_325] : memref<8192x1024xf32, #tpu.memory_space<hbm>> -> memref<8192x1024xf32, #tpu.memory_space<hbm>>
    tpu.wait_indirect_dma semaphore(%arg8 : memref<!tpu.dma_semaphore, #tpu.memory_space<semaphore_mem>>) src(%dma_wait3A_326 : memref<8192x1024xf32, #tpu.memory_space<hbm>>) dst(%dma_wait3A_323 : memref<16x1024xf32, #tpu.memory_space<vmem>>)
    %add3A_327 = arith.constant 112 : i32
    %add3A_328 = arith.addi %mul3A_2, %add3A_327 : i32
    %dma_start3A_329 = arith.constant 1 : i32
    %dma_start3A_330 = arith.constant 0 : i32
    %dma_start3A_331 = arith.constant 0 : i32
    %dma_start3A_332 = tpu.memref_slice %arg6[%dma_start3A_329, %dma_start3A_330, %dma_start3A_331] : memref<2x16x1024xf32, #tpu.memory_space<vmem>> -> memref<1x16x1024xf32, #tpu.memory_space<vmem>>
    %dma_start3A_333 = tpu.memref_squeeze %dma_start3A_332 : memref<1x16x1024xf32, #tpu.memory_space<vmem>> -> memref<16x1024xf32, #tpu.memory_space<vmem>>
    %dma_start3A_334 = arith.constant 0 : i32
    %dma_start3A_335 = tpu.memref_slice %arg4[%add3A_328, %dma_start3A_334] : memref<4096x1024xf32, #tpu.memory_space<hbm>> -> memref<16x1024xf32, #tpu.memory_space<hbm>>
    %dma_start3A_336 = arith.constant 0 : i32
    %dma_start3A_337 = tpu.memref_slice %arg4[%add3A_328, %dma_start3A_336] : memref<4096x1024xf32, #tpu.memory_space<hbm>> -> memref<16x1024xf32, #tpu.memory_space<hbm>>
    %dma_start3A_338 = arith.constant 0 : i32
    %dma_start3A_339 = arith.constant 0 : i32
    %dma_start3A_340 = tpu.memref_slice %arg6[%dma_start3A_329, %dma_start3A_338, %dma_start3A_339] : memref<2x16x1024xf32, #tpu.memory_space<vmem>> -> memref<1x16x1024xf32, #tpu.memory_space<vmem>>
    %dma_start3A_341 = tpu.memref_squeeze %dma_start3A_340 : memref<1x16x1024xf32, #tpu.memory_space<vmem>> -> memref<16x1024xf32, #tpu.memory_space<vmem>>
    tpu.enqueue_dma source(%dma_start3A_341 : memref<16x1024xf32, #tpu.memory_space<vmem>>) target(%dma_start3A_337 : memref<16x1024xf32, #tpu.memory_space<hbm>>) target_semaphore(%arg10 : memref<!tpu.dma_semaphore, #tpu.memory_space<semaphore_mem>>)
    %dma_wait3A_342 = arith.constant 0 : i32
    %dma_wait3A_343 = arith.constant 0 : i32
    %dma_wait3A_344 = arith.constant 0 : i32
    %dma_wait3A_345 = tpu.memref_slice %arg6[%dma_wait3A_342, %dma_wait3A_343, %dma_wait3A_344] : memref<2x16x1024xf32, #tpu.memory_space<vmem>> -> memref<1x16x1024xf32, #tpu.memory_space<vmem>>
    %dma_wait3A_346 = tpu.memref_squeeze %dma_wait3A_345 : memref<1x16x1024xf32, #tpu.memory_space<vmem>> -> memref<16x1024xf32, #tpu.memory_space<vmem>>
    %dma_wait3A_347 = arith.constant 0 : i32
    %dma_wait3A_348 = tpu.memref_slice %arg4[%add3A_305, %dma_wait3A_347] : memref<4096x1024xf32, #tpu.memory_space<hbm>> -> memref<16x1024xf32, #tpu.memory_space<hbm>>
    %dma_wait3A_349 = arith.constant 0 : i32
    %dma_wait3A_350 = tpu.memref_slice %arg4[%add3A_305, %dma_wait3A_349] : memref<4096x1024xf32, #tpu.memory_space<hbm>> -> memref<16x1024xf32, #tpu.memory_space<hbm>>
    %dma_wait3A_351 = arith.constant 0 : i32
    %dma_wait3A_352 = arith.constant 0 : i32
    %dma_wait3A_353 = tpu.memref_slice %arg6[%dma_wait3A_342, %dma_wait3A_351, %dma_wait3A_352] : memref<2x16x1024xf32, #tpu.memory_space<vmem>> -> memref<1x16x1024xf32, #tpu.memory_space<vmem>>
    %dma_wait3A_354 = tpu.memref_squeeze %dma_wait3A_353 : memref<1x16x1024xf32, #tpu.memory_space<vmem>> -> memref<16x1024xf32, #tpu.memory_space<vmem>>
    tpu.wait_dma2 semaphore(%arg9 : memref<!tpu.dma_semaphore, #tpu.memory_space<semaphore_mem>>) src(%dma_wait3A_354 : memref<16x1024xf32, #tpu.memory_space<vmem>>) dst(%dma_wait3A_350 : memref<16x1024xf32, #tpu.memory_space<hbm>>)
    %dma_wait3A_355 = arith.constant 1 : i32
    %dma_wait3A_356 = arith.constant 0 : i32
    %dma_wait3A_357 = arith.constant 0 : i32
    %dma_wait3A_358 = tpu.memref_slice %arg6[%dma_wait3A_355, %dma_wait3A_356, %dma_wait3A_357] : memref<2x16x1024xf32, #tpu.memory_space<vmem>> -> memref<1x16x1024xf32, #tpu.memory_space<vmem>>
    %dma_wait3A_359 = tpu.memref_squeeze %dma_wait3A_358 : memref<1x16x1024xf32, #tpu.memory_space<vmem>> -> memref<16x1024xf32, #tpu.memory_space<vmem>>
    %dma_wait3A_360 = arith.constant 0 : i32
    %dma_wait3A_361 = tpu.memref_slice %arg4[%add3A_328, %dma_wait3A_360] : memref<4096x1024xf32, #tpu.memory_space<hbm>> -> memref<16x1024xf32, #tpu.memory_space<hbm>>
    %dma_wait3A_362 = arith.constant 0 : i32
    %dma_wait3A_363 = tpu.memref_slice %arg4[%add3A_328, %dma_wait3A_362] : memref<4096x1024xf32, #tpu.memory_space<hbm>> -> memref<16x1024xf32, #tpu.memory_space<hbm>>
    %dma_wait3A_364 = arith.constant 0 : i32
    %dma_wait3A_365 = arith.constant 0 : i32
    %dma_wait3A_366 = tpu.memref_slice %arg6[%dma_wait3A_355, %dma_wait3A_364, %dma_wait3A_365] : memref<2x16x1024xf32, #tpu.memory_space<vmem>> -> memref<1x16x1024xf32, #tpu.memory_space<vmem>>
    %dma_wait3A_367 = tpu.memref_squeeze %dma_wait3A_366 : memref<1x16x1024xf32, #tpu.memory_space<vmem>> -> memref<16x1024xf32, #tpu.memory_space<vmem>>
    tpu.wait_dma2 semaphore(%arg10 : memref<!tpu.dma_semaphore, #tpu.memory_space<semaphore_mem>>) src(%dma_wait3A_367 : memref<16x1024xf32, #tpu.memory_space<vmem>>) dst(%dma_wait3A_363 : memref<16x1024xf32, #tpu.memory_space<hbm>>)
    return
  }
}

module attributes {stable_mosaic.version = 14 : i64} {
  func.func @_gate_body(%arg0: i32, %arg1: memref<1024x1024xf32, #tpu.memory_space<vmem>>, %arg2: memref<8x1024xf32, #tpu.memory_space<vmem>>, %arg3: memref<1x8xf32, #tpu.memory_space<vmem>>, %arg4: memref<1024x1xi32, #tpu.memory_space<vmem>>, %arg5: memref<1024x1xi32, #tpu.memory_space<vmem>>, %arg6: memref<1x128xi32, #tpu.memory_space<vmem>>, %arg7: memref<1x1xf32, #tpu.memory_space<vmem>>, %arg8: memref<1x128xf32, #tpu.memory_space<vmem>>, %arg9: memref<1x8xf32, #tpu.memory_space<vmem>>) attributes {dimension_semantics = [#tpu.dimension_semantics<arbitrary>], iteration_bounds = array<i64: 4>, scalar_prefetch = 0 : i64, scratch_operands = 2 : i64, tpu.core_type = #tpu.core_type<tc>, window_params = [{transform_indices = @transform_0, window_bounds = array<i64: 1024, 1024>}, {pipeline_mode = #tpu.pipeline_mode<synchronous>, transform_indices = @transform_1, window_bounds = array<i64: 8, 1024>}, {pipeline_mode = #tpu.pipeline_mode<synchronous>, transform_indices = @transform_2, window_bounds = array<i64: 1, 8>}, {transform_indices = @transform_3, window_bounds = array<i64: 1024, 1>}, {transform_indices = @transform_4, window_bounds = array<i64: 1024, 1>}, {pipeline_mode = #tpu.pipeline_mode<synchronous>, transform_indices = @transform_5, window_bounds = array<i64: 1, 128>}, {pipeline_mode = #tpu.pipeline_mode<synchronous>, transform_indices = @transform_6, window_bounds = array<i64: 1, 1>}]} {
    %eq3A = arith.constant 0 : i32
    %eq3A_0 = arith.cmpi eq, %arg0, %eq3A : i32
    %convert_element_type3A = arith.extui %eq3A_0 : i1 to i32
    %cond3A = arith.constant 0 : i32
    %cond3A_1 = arith.cmpi ne, %convert_element_type3A, %cond3A : i32
    scf.if %cond3A_1 {
      %broadcast_in_dim3A_90 = arith.constant 0.000000e+00 : f32
      %broadcast_in_dim3A_91 = vector.broadcast %broadcast_in_dim3A_90 : f32 to vector<1x128xf32>
      %swap3A_92 = arith.constant 0 : index
      %swap3A_93 = arith.constant 0 : index
      %swap3A_94 = vector.load %arg8[%swap3A_92, %swap3A_93] : memref<1x128xf32, #tpu.memory_space<vmem>>, vector<1x128xf32>
      tpu.vector_store %arg8[%swap3A_92, %swap3A_93], %broadcast_in_dim3A_91 {strides = array<i32>} : memref<1x128xf32, #tpu.memory_space<vmem>>, vector<1x128xf32>,
      %broadcast_in_dim3A_95 = arith.constant 0.000000e+00 : f32
      %broadcast_in_dim3A_96 = vector.broadcast %broadcast_in_dim3A_95 : f32 to vector<1x8xf32>
      %swap3A_97 = arith.constant 0 : index
      %swap3A_98 = arith.constant 0 : index
      %swap3A_99 = vector.load %arg9[%swap3A_97, %swap3A_98] : memref<1x8xf32, #tpu.memory_space<vmem>>, vector<1x8xf32>
      tpu.vector_store %arg9[%swap3A_97, %swap3A_98], %broadcast_in_dim3A_96 {strides = array<i32>} : memref<1x8xf32, #tpu.memory_space<vmem>>, vector<1x8xf32>,
    } else {
    }
    %get3A = arith.constant 0 : index
    %get3A_2 = arith.constant 0 : index
    %get3A_3 = vector.load %arg1[%get3A, %get3A_2] : memref<1024x1024xf32, #tpu.memory_space<vmem>>, vector<1024x1024xf32>
    %get3A_4 = arith.constant 0 : index
    %get3A_5 = arith.constant 0 : index
    %get3A_6 = vector.load %arg2[%get3A_4, %get3A_5] : memref<8x1024xf32, #tpu.memory_space<vmem>>, vector<8x1024xf32>
    %dot_general3A = arith.constant dense<0.000000e+00> : vector<1024x8xf32>
    %dot_general3A_7 = tpu.matmul %get3A_3, %get3A_6, %dot_general3A {dimension_numbers = #tpu.dot_dimension_numbers<[1], [1], [0], [0], [0, 0, 1, 0], [], []>, transpose_lhs_hint = false} : vector<1024x1024xf32>, vector<8x1024xf32>, vector<1024x8xf32> -> vector<1024x8xf32>
    %get3A_8 = arith.constant 0 : index
    %get3A_9 = arith.constant 0 : index
    %get3A_10 = vector.load %arg3[%get3A_8, %get3A_9] : memref<1x8xf32, #tpu.memory_space<vmem>>, vector<1x8xf32>
    %add3A = vector.broadcast %get3A_10 : vector<1x8xf32> to vector<1024x8xf32>
    %add3A_11 = arith.addf %dot_general3A_7, %add3A : vector<1024x8xf32>
    %reduce_max3A = arith.constant dense<0xFF800000> : vector<1024xf32>
    %reduce_max3A_12 = vector.multi_reduction <maximumf>, %add3A_11, %reduce_max3A [1] : vector<1024x8xf32> to vector<1024xf32>
    %broadcast_in_dim3A = vector.shape_cast %reduce_max3A_12 : vector<1024xf32> to vector<1024x1xf32>
    %sub3A = vector.broadcast %broadcast_in_dim3A : vector<1024x1xf32> to vector<1024x8xf32>
    %sub3A_13 = arith.subf %add3A_11, %sub3A : vector<1024x8xf32>
    %exp3A = math.exp %sub3A_13 : vector<1024x8xf32>
    %reduce_sum3A = arith.constant dense<0.000000e+00> : vector<1024xf32>
    %reduce_sum3A_14 = vector.multi_reduction <add>, %exp3A, %reduce_sum3A [1] : vector<1024x8xf32> to vector<1024xf32>
    %broadcast_in_dim3A_15 = vector.shape_cast %reduce_sum3A_14 : vector<1024xf32> to vector<1024x1xf32>
    %div3A = vector.broadcast %broadcast_in_dim3A_15 : vector<1024x1xf32> to vector<1024x8xf32>
    %div3A_16 = arith.divf %exp3A, %div3A : vector<1024x8xf32>
    %argmax3A = tpu.reduce_index %div3A_16 {axis = 1 : i32, kind = #tpu.reduction_kind<arg_max>} : vector<1024x8xf32> -> vector<1024xi32>
    %iota3A = tpu.iota {dimensions = array<i32: 1>} : vector<1024x128xi32>
    %broadcast_in_dim3A_17 = vector.shape_cast %argmax3A : vector<1024xi32> to vector<1024x1xi32>
    %eq3A_18 = vector.broadcast %broadcast_in_dim3A_17 : vector<1024x1xi32> to vector<1024x128xi32>
    %eq3A_19 = arith.cmpi eq, %iota3A, %eq3A_18 : vector<1024x128xi32>
    %convert_element_type3A_20 = arith.extui %eq3A_19 : vector<1024x128xi1> to vector<1024x128xi32>
    %convert_element_type3A_21 = arith.sitofp %convert_element_type3A_20 : vector<1024x128xi32> to vector<1024x128xf32>
    %iota3A_22 = tpu.iota {dimensions = array<i32: 0>} : vector<1024x1024xi32>
    %iota3A_23 = tpu.iota {dimensions = array<i32: 1>} : vector<1024x1024xi32>
    %lt3A = arith.cmpi slt, %iota3A_23, %iota3A_22 : vector<1024x1024xi32>
    %convert_element_type3A_24 = arith.extui %lt3A : vector<1024x1024xi1> to vector<1024x1024xi32>
    %convert_element_type3A_25 = arith.sitofp %convert_element_type3A_24 : vector<1024x1024xi32> to vector<1024x1024xf32>
    %convert_element_type3A_26 = arith.truncf %convert_element_type3A_25 : vector<1024x1024xf32> to vector<1024x1024xbf16>
    %convert_element_type3A_27 = arith.truncf %convert_element_type3A_21 : vector<1024x128xf32> to vector<1024x128xbf16>
    %dot_general3A_28 = arith.constant dense<0.000000e+00> : vector<1024x128xf32>
    %dot_general3A_29 = tpu.matmul %convert_element_type3A_26, %convert_element_type3A_27, %dot_general3A_28 {dimension_numbers = #tpu.dot_dimension_numbers<[1], [0], [0], [1], [0, 0, 1, 1], [], []>, transpose_lhs_hint = false} : vector<1024x1024xbf16>, vector<1024x128xbf16>, vector<1024x128xf32> -> vector<1024x128xf32>
    %get3A_30 = arith.constant 0 : index
    %get3A_31 = arith.constant 0 : index
    %get3A_32 = vector.load %arg8[%get3A_30, %get3A_31] : memref<1x128xf32, #tpu.memory_space<vmem>>, vector<1x128xf32>
    %add3A_33 = vector.broadcast %get3A_32 : vector<1x128xf32> to vector<1024x128xf32>
    %add3A_34 = arith.addf %dot_general3A_29, %add3A_33 : vector<1024x128xf32>
    %mul3A = arith.mulf %add3A_34, %convert_element_type3A_21 : vector<1024x128xf32>
    %reduce_sum3A_35 = arith.constant dense<0.000000e+00> : vector<1024xf32>
    %reduce_sum3A_36 = vector.multi_reduction <add>, %mul3A, %reduce_sum3A_35 [1] : vector<1024x128xf32> to vector<1024xf32>
    %broadcast_in_dim3A_37 = vector.shape_cast %argmax3A : vector<1024xi32> to vector<1024x1xi32>
    %swap3A = arith.constant 0 : index
    %swap3A_38 = arith.constant 0 : index
    %swap3A_39 = vector.load %arg4[%swap3A, %swap3A_38] : memref<1024x1xi32, #tpu.memory_space<vmem>>, vector<1024x1xi32>
    tpu.vector_store %arg4[%swap3A, %swap3A_38], %broadcast_in_dim3A_37 {strides = array<i32>} : memref<1024x1xi32, #tpu.memory_space<vmem>>, vector<1024x1xi32>,
    %convert_element_type3A_40 = arith.fptosi %reduce_sum3A_36 : vector<1024xf32> to vector<1024xi32>
    %broadcast_in_dim3A_41 = vector.shape_cast %convert_element_type3A_40 : vector<1024xi32> to vector<1024x1xi32>
    %swap3A_42 = arith.constant 0 : index
    %swap3A_43 = arith.constant 0 : index
    %swap3A_44 = vector.load %arg5[%swap3A_42, %swap3A_43] : memref<1024x1xi32, #tpu.memory_space<vmem>>, vector<1024x1xi32>
    tpu.vector_store %arg5[%swap3A_42, %swap3A_43], %broadcast_in_dim3A_41 {strides = array<i32>} : memref<1024x1xi32, #tpu.memory_space<vmem>>, vector<1024x1xi32>,
    %get3A_45 = arith.constant 0 : index
    %get3A_46 = arith.constant 0 : index
    %get3A_47 = vector.load %arg9[%get3A_45, %get3A_46] : memref<1x8xf32, #tpu.memory_space<vmem>>, vector<1x8xf32>
    %reduce_sum3A_48 = arith.constant dense<0.000000e+00> : vector<8xf32>
    %reduce_sum3A_49 = vector.multi_reduction <add>, %div3A_16, %reduce_sum3A_48 [0] : vector<1024x8xf32> to vector<8xf32>
    %broadcast_in_dim3A_50 = vector.shape_cast %reduce_sum3A_49 : vector<8xf32> to vector<1x8xf32>
    %add3A_51 = arith.addf %get3A_47, %broadcast_in_dim3A_50 : vector<1x8xf32>
    %swap3A_52 = arith.constant 0 : index
    %swap3A_53 = arith.constant 0 : index
    %swap3A_54 = vector.load %arg9[%swap3A_52, %swap3A_53] : memref<1x8xf32, #tpu.memory_space<vmem>>, vector<1x8xf32>
    tpu.vector_store %arg9[%swap3A_52, %swap3A_53], %add3A_51 {strides = array<i32>} : memref<1x8xf32, #tpu.memory_space<vmem>>, vector<1x8xf32>,
    %get3A_55 = arith.constant 0 : index
    %get3A_56 = arith.constant 0 : index
    %get3A_57 = vector.load %arg8[%get3A_55, %get3A_56] : memref<1x128xf32, #tpu.memory_space<vmem>>, vector<1x128xf32>
    %reduce_sum3A_58 = arith.constant dense<0.000000e+00> : vector<128xf32>
    %reduce_sum3A_59 = vector.multi_reduction <add>, %convert_element_type3A_21, %reduce_sum3A_58 [0] : vector<1024x128xf32> to vector<128xf32>
    %broadcast_in_dim3A_60 = vector.shape_cast %reduce_sum3A_59 : vector<128xf32> to vector<1x128xf32>
    %add3A_61 = arith.addf %get3A_57, %broadcast_in_dim3A_60 : vector<1x128xf32>
    %swap3A_62 = arith.constant 0 : index
    %swap3A_63 = arith.constant 0 : index
    %swap3A_64 = vector.load %arg8[%swap3A_62, %swap3A_63] : memref<1x128xf32, #tpu.memory_space<vmem>>, vector<1x128xf32>
    tpu.vector_store %arg8[%swap3A_62, %swap3A_63], %add3A_61 {strides = array<i32>} : memref<1x128xf32, #tpu.memory_space<vmem>>, vector<1x128xf32>,
    %convert_element_type3A_65 = arith.fptosi %add3A_61 : vector<1x128xf32> to vector<1x128xi32>
    %swap3A_66 = arith.constant 0 : index
    %swap3A_67 = arith.constant 0 : index
    %swap3A_68 = vector.load %arg6[%swap3A_66, %swap3A_67] : memref<1x128xi32, #tpu.memory_space<vmem>>, vector<1x128xi32>
    tpu.vector_store %arg6[%swap3A_66, %swap3A_67], %convert_element_type3A_65 {strides = array<i32>} : memref<1x128xi32, #tpu.memory_space<vmem>>, vector<1x128xi32>,
    %get3A_69 = arith.constant 0 : index
    %get3A_70 = arith.constant 0 : index
    %get3A_71 = vector.load %arg9[%get3A_69, %get3A_70] : memref<1x8xf32, #tpu.memory_space<vmem>>, vector<1x8xf32>
    %div3A_72 = arith.constant 4.096000e+03 : f32
    %div3A_73 = vector.broadcast %div3A_72 : f32 to vector<1x8xf32>
    %div3A_74 = arith.divf %get3A_71, %div3A_73 : vector<1x8xf32>
    %slice3A = vector.extract_strided_slice %add3A_61 {offsets = [0, 0], sizes = [1, 8], strides = [1, 1]} : vector<1x128xf32> to vector<1x8xf32>
    %div3A_75 = arith.constant 4.096000e+03 : f32
    %div3A_76 = vector.broadcast %div3A_75 : f32 to vector<1x8xf32>
    %div3A_77 = arith.divf %slice3A, %div3A_76 : vector<1x8xf32>
    %mul3A_78 = arith.constant 8.000000e+00 : f32
    %mul3A_79 = vector.broadcast %mul3A_78 : f32 to vector<1x8xf32>
    %mul3A_80 = arith.mulf %mul3A_79, %div3A_74 : vector<1x8xf32>
    %mul3A_81 = arith.mulf %mul3A_80, %div3A_77 : vector<1x8xf32>
    %reduce_sum3A_82 = vector.shape_cast %mul3A_81 : vector<1x8xf32> to vector<1x1x8xf32>
    %reduce_sum3A_83 = arith.constant dense<0.000000e+00> : vector<1xf32>
    %reduce_sum3A_84 = vector.multi_reduction <add>, %reduce_sum3A_82, %reduce_sum3A_83 [1, 2] : vector<1x1x8xf32> to vector<1xf32>
    %reduce_sum3A_85 = vector.shape_cast %reduce_sum3A_84 : vector<1xf32> to vector<1x1x1xf32>
    %reduce_sum3A_86 = vector.extract %reduce_sum3A_85[0, 0, 0] : f32 from vector<1x1x1xf32>
    %reshape3A = vector.broadcast %reduce_sum3A_86 : f32 to vector<1x1xf32>
    %swap3A_87 = arith.constant 0 : index
    %swap3A_88 = arith.constant 0 : index
    %swap3A_89 = vector.load %arg7[%swap3A_87, %swap3A_88] : memref<1x1xf32, #tpu.memory_space<vmem>>, vector<1x1xf32>
    tpu.vector_store %arg7[%swap3A_87, %swap3A_88], %reshape3A {strides = array<i32>} : memref<1x1xf32, #tpu.memory_space<vmem>>, vector<1x1xf32>,
    return
  }
  func.func @transform_0(%arg0: i32) -> (i32, i32) {
    %c0_i32 = arith.constant 0 : i32
    %c0_i32_0 = arith.constant 0 : i32
    return %arg0, %c0_i32 : i32, i32
  }
  func.func @transform_1(%arg0: i32) -> (i32, i32) {
    %c0_i32 = arith.constant 0 : i32
    %c0_i32_0 = arith.constant 0 : i32
    %c0_i32_1 = arith.constant 0 : i32
    return %c0_i32, %c0_i32_0 : i32, i32
  }
  func.func @transform_2(%arg0: i32) -> (i32, i32) {
    %c0_i32 = arith.constant 0 : i32
    %c0_i32_0 = arith.constant 0 : i32
    %c0_i32_1 = arith.constant 0 : i32
    return %c0_i32, %c0_i32_0 : i32, i32
  }
  func.func @transform_3(%arg0: i32) -> (i32, i32) {
    %c0_i32 = arith.constant 0 : i32
    %c0_i32_0 = arith.constant 0 : i32
    return %arg0, %c0_i32 : i32, i32
  }
  func.func @transform_4(%arg0: i32) -> (i32, i32) {
    %c0_i32 = arith.constant 0 : i32
    %c0_i32_0 = arith.constant 0 : i32
    return %arg0, %c0_i32 : i32, i32
  }
  func.func @transform_5(%arg0: i32) -> (i32, i32) {
    %c0_i32 = arith.constant 0 : i32
    %c0_i32_0 = arith.constant 0 : i32
    %c0_i32_1 = arith.constant 0 : i32
    return %c0_i32, %c0_i32_0 : i32, i32
  }
  func.func @transform_6(%arg0: i32) -> (i32, i32) {
    %c0_i32 = arith.constant 0 : i32
    %c0_i32_0 = arith.constant 0 : i32
    %c0_i32_1 = arith.constant 0 : i32
    return %c0_i32, %c0_i32_0 : i32, i32
  }
}

module attributes {stable_mosaic.version = 14 : i64} {
  func.func @_ffn_body(%arg0: i32, %arg1: i32, %arg2: memref<16xi32, #tpu.memory_space<smem>>, %arg3: memref<16xi32, #tpu.memory_space<smem>>, %arg4: memref<512x1024xf32, #tpu.memory_space<vmem>>, %arg5: memref<1x2048x1024xf32, #tpu.memory_space<vmem>>, %arg6: memref<1x1x2048xf32, #tpu.memory_space<vmem>>, %arg7: memref<1x1024x2048xf32, #tpu.memory_space<vmem>>, %arg8: memref<1x1x1024xf32, #tpu.memory_space<vmem>>, %arg9: memref<512x1024xf32, #tpu.memory_space<vmem>>) attributes {dimension_semantics = [#tpu.dimension_semantics<arbitrary>, #tpu.dimension_semantics<arbitrary>], iteration_bounds = array<i64: 16, 2>, scalar_prefetch = 2 : i64, scratch_operands = 0 : i64, tpu.core_type = #tpu.core_type<tc>, window_params = [{transform_indices = @transform_0, window_bounds = array<i64: 512, 1024>}, {transform_indices = @transform_1, window_bounds = array<i64: 1, 2048, 1024>}, {transform_indices = @transform_2, window_bounds = array<i64: 1, 1, 2048>}, {transform_indices = @transform_3, window_bounds = array<i64: 1, 1024, 2048>}, {transform_indices = @transform_4, window_bounds = array<i64: 1, 1, 1024>}, {transform_indices = @transform_5, window_bounds = array<i64: 512, 1024>}]} {
    %get3A = arith.constant 0 : index
    %get3A_0 = memref.load %arg3[%get3A] : memref<16xi32, #tpu.memory_space<smem>>
    %lt3A = arith.cmpi slt, %arg0, %get3A_0 : i32
    %convert_element_type3A = arith.extui %lt3A : i1 to i32
    %cond3A = arith.constant 0 : i32
    %cond3A_1 = arith.cmpi ne, %convert_element_type3A, %cond3A : i32
    scf.if %cond3A_1 {
      %get3A_2 = arith.constant 0 : index
      %get3A_3 = arith.constant 0 : index
      %get3A_4 = vector.load %arg4[%get3A_2, %get3A_3] : memref<512x1024xf32, #tpu.memory_space<vmem>>, vector<512x1024xf32>
      %get3A_5 = arith.constant 0 : index
      %get3A_6 = arith.constant 0 : index
      %get3A_7 = arith.constant 0 : index
      %get3A_8 = vector.load %arg5[%get3A_5, %get3A_6, %get3A_7] : memref<1x2048x1024xf32, #tpu.memory_space<vmem>>, vector<1x2048x1024xf32>
      %get3A_9 = vector.shape_cast %get3A_8 : vector<1x2048x1024xf32> to vector<2048x1024xf32>
      %dot_general3A = arith.constant dense<0.000000e+00> : vector<512x2048xf32>
      %dot_general3A_10 = tpu.matmul %get3A_4, %get3A_9, %dot_general3A {dimension_numbers = #tpu.dot_dimension_numbers<[1], [1], [0], [0], [0, 0, 1, 0], [], []>, transpose_lhs_hint = false} : vector<512x1024xf32>, vector<2048x1024xf32>, vector<512x2048xf32> -> vector<512x2048xf32>
      %get3A_11 = arith.constant 0 : index
      %get3A_12 = arith.constant 0 : index
      %get3A_13 = arith.constant 0 : index
      %get3A_14 = vector.load %arg6[%get3A_11, %get3A_12, %get3A_13] : memref<1x1x2048xf32, #tpu.memory_space<vmem>>, vector<1x1x2048xf32>
      %get3A_15 = vector.shape_cast %get3A_14 : vector<1x1x2048xf32> to vector<1x2048xf32>
      %add3A = vector.broadcast %get3A_15 : vector<1x2048xf32> to vector<512x2048xf32>
      %add3A_16 = arith.addf %dot_general3A_10, %add3A : vector<512x2048xf32>
      %logistic3A = arith.negf %add3A_16 : vector<512x2048xf32>
      %logistic3A_17 = math.exp %logistic3A : vector<512x2048xf32>
      %logistic3A_18 = arith.constant 1.000000e+00 : f32
      %logistic3A_19 = vector.broadcast %logistic3A_18 : f32 to vector<512x2048xf32>
      %logistic3A_20 = arith.addf %logistic3A_19, %logistic3A_17 : vector<512x2048xf32>
      %logistic3A_21 = arith.divf %logistic3A_19, %logistic3A_20 : vector<512x2048xf32>
      %mul3A = arith.mulf %add3A_16, %logistic3A_21 : vector<512x2048xf32>
      %get3A_22 = arith.constant 0 : index
      %get3A_23 = arith.constant 0 : index
      %get3A_24 = arith.constant 0 : index
      %get3A_25 = vector.load %arg7[%get3A_22, %get3A_23, %get3A_24] : memref<1x1024x2048xf32, #tpu.memory_space<vmem>>, vector<1x1024x2048xf32>
      %get3A_26 = vector.shape_cast %get3A_25 : vector<1x1024x2048xf32> to vector<1024x2048xf32>
      %dot_general3A_27 = arith.constant dense<0.000000e+00> : vector<512x1024xf32>
      %dot_general3A_28 = tpu.matmul %mul3A, %get3A_26, %dot_general3A_27 {dimension_numbers = #tpu.dot_dimension_numbers<[1], [1], [0], [0], [0, 0, 1, 0], [], []>, transpose_lhs_hint = false} : vector<512x2048xf32>, vector<1024x2048xf32>, vector<512x1024xf32> -> vector<512x1024xf32>
      %eq3A = arith.constant 0 : i32
      %eq3A_29 = arith.cmpi eq, %arg1, %eq3A : i32
      %convert_element_type3A_30 = arith.extui %eq3A_29 : i1 to i32
      %cond3A_31 = arith.constant 0 : i32
      %cond3A_32 = arith.cmpi ne, %convert_element_type3A_30, %cond3A_31 : i32
      scf.if %cond3A_32 {
        %get3A_37 = arith.constant 0 : index
        %get3A_38 = arith.constant 0 : index
        %get3A_39 = arith.constant 0 : index
        %get3A_40 = vector.load %arg8[%get3A_37, %get3A_38, %get3A_39] : memref<1x1x1024xf32, #tpu.memory_space<vmem>>, vector<1x1x1024xf32>
        %get3A_41 = vector.shape_cast %get3A_40 : vector<1x1x1024xf32> to vector<1x1024xf32>
        %add3A_42 = vector.broadcast %get3A_41 : vector<1x1024xf32> to vector<512x1024xf32>
        %add3A_43 = arith.addf %dot_general3A_28, %add3A_42 : vector<512x1024xf32>
        %swap3A = arith.constant 0 : index
        %swap3A_44 = arith.constant 0 : index
        %swap3A_45 = vector.load %arg9[%swap3A, %swap3A_44] : memref<512x1024xf32, #tpu.memory_space<vmem>>, vector<512x1024xf32>
        tpu.vector_store %arg9[%swap3A, %swap3A_44], %add3A_43 {strides = array<i32>} : memref<512x1024xf32, #tpu.memory_space<vmem>>, vector<512x1024xf32>,
      } else {
      }
      %ne3A = arith.constant 0 : i32
      %ne3A_33 = arith.cmpi ne, %arg1, %ne3A : i32
      %convert_element_type3A_34 = arith.extui %ne3A_33 : i1 to i32
      %cond3A_35 = arith.constant 0 : i32
      %cond3A_36 = arith.cmpi ne, %convert_element_type3A_34, %cond3A_35 : i32
      scf.if %cond3A_36 {
        %get3A_37 = arith.constant 0 : index
        %get3A_38 = arith.constant 0 : index
        %get3A_39 = vector.load %arg9[%get3A_37, %get3A_38] : memref<512x1024xf32, #tpu.memory_space<vmem>>, vector<512x1024xf32>
        %add3A_40 = arith.addf %get3A_39, %dot_general3A_28 : vector<512x1024xf32>
        %swap3A = arith.constant 0 : index
        %swap3A_41 = arith.constant 0 : index
        %swap3A_42 = vector.load %arg9[%swap3A, %swap3A_41] : memref<512x1024xf32, #tpu.memory_space<vmem>>, vector<512x1024xf32>
        tpu.vector_store %arg9[%swap3A, %swap3A_41], %add3A_40 {strides = array<i32>} : memref<512x1024xf32, #tpu.memory_space<vmem>>, vector<512x1024xf32>,
      } else {
      }
    } else {
    }
    return
  }
  func.func @transform_0(%arg0: i32, %arg1: i32, %arg2: memref<16xi32, #tpu.memory_space<smem>>, %arg3: memref<16xi32, #tpu.memory_space<smem>>) -> (i32, i32) {
    %get3A = arith.constant 0 : index
    %get3A_0 = memref.load %arg3[%get3A] : memref<16xi32, #tpu.memory_space<smem>>
    %lt3A = arith.cmpi slt, %arg0, %get3A_0 : i32
    %jit3A = arith.constant 0 : i32
    %select_n3A = arith.select %lt3A, %arg0, %jit3A : i32
    %c0_i32 = arith.constant 0 : i32
    %c0_i32_1 = arith.constant 0 : i32
    return %select_n3A, %c0_i32 : i32, i32
  }
  func.func @transform_1(%arg0: i32, %arg1: i32, %arg2: memref<16xi32, #tpu.memory_space<smem>>, %arg3: memref<16xi32, #tpu.memory_space<smem>>) -> (i32, i32, i32) {
    %get3A = arith.index_cast %arg0 : i32 to index
    %get3A_0 = memref.load %arg2[%get3A] : memref<16xi32, #tpu.memory_space<smem>>
    %get3A_1 = arith.constant 0 : index
    %get3A_2 = memref.load %arg3[%get3A_1] : memref<16xi32, #tpu.memory_space<smem>>
    %lt3A = arith.cmpi slt, %arg0, %get3A_2 : i32
    %jit3A = arith.constant 1 : i32
    %select_n3A = arith.select %lt3A, %arg1, %jit3A : i32
    %c0_i32 = arith.constant 0 : i32
    %c0_i32_3 = arith.constant 0 : i32
    return %get3A_0, %select_n3A, %c0_i32 : i32, i32, i32
  }
  func.func @transform_2(%arg0: i32, %arg1: i32, %arg2: memref<16xi32, #tpu.memory_space<smem>>, %arg3: memref<16xi32, #tpu.memory_space<smem>>) -> (i32, i32, i32) {
    %get3A = arith.index_cast %arg0 : i32 to index
    %get3A_0 = memref.load %arg2[%get3A] : memref<16xi32, #tpu.memory_space<smem>>
    %get3A_1 = arith.constant 0 : index
    %get3A_2 = memref.load %arg3[%get3A_1] : memref<16xi32, #tpu.memory_space<smem>>
    %lt3A = arith.cmpi slt, %arg0, %get3A_2 : i32
    %jit3A = arith.constant 1 : i32
    %select_n3A = arith.select %lt3A, %arg1, %jit3A : i32
    %c0_i32 = arith.constant 0 : i32
    %c0_i32_3 = arith.constant 0 : i32
    return %get3A_0, %c0_i32, %select_n3A : i32, i32, i32
  }
  func.func @transform_3(%arg0: i32, %arg1: i32, %arg2: memref<16xi32, #tpu.memory_space<smem>>, %arg3: memref<16xi32, #tpu.memory_space<smem>>) -> (i32, i32, i32) {
    %get3A = arith.index_cast %arg0 : i32 to index
    %get3A_0 = memref.load %arg2[%get3A] : memref<16xi32, #tpu.memory_space<smem>>
    %get3A_1 = arith.constant 0 : index
    %get3A_2 = memref.load %arg3[%get3A_1] : memref<16xi32, #tpu.memory_space<smem>>
    %lt3A = arith.cmpi slt, %arg0, %get3A_2 : i32
    %jit3A = arith.constant 1 : i32
    %select_n3A = arith.select %lt3A, %arg1, %jit3A : i32
    %c0_i32 = arith.constant 0 : i32
    %c0_i32_3 = arith.constant 0 : i32
    return %get3A_0, %c0_i32, %select_n3A : i32, i32, i32
  }
  func.func @transform_4(%arg0: i32, %arg1: i32, %arg2: memref<16xi32, #tpu.memory_space<smem>>, %arg3: memref<16xi32, #tpu.memory_space<smem>>) -> (i32, i32, i32) {
    %get3A = arith.index_cast %arg0 : i32 to index
    %get3A_0 = memref.load %arg2[%get3A] : memref<16xi32, #tpu.memory_space<smem>>
    %c0_i32 = arith.constant 0 : i32
    %c0_i32_1 = arith.constant 0 : i32
    %c0_i32_2 = arith.constant 0 : i32
    return %get3A_0, %c0_i32, %c0_i32_1 : i32, i32, i32
  }
  func.func @transform_5(%arg0: i32, %arg1: i32, %arg2: memref<16xi32, #tpu.memory_space<smem>>, %arg3: memref<16xi32, #tpu.memory_space<smem>>) -> (i32, i32) {
    %get3A = arith.constant 0 : index
    %get3A_0 = memref.load %arg3[%get3A] : memref<16xi32, #tpu.memory_space<smem>>
    %sub3A = arith.constant 1 : i32
    %sub3A_1 = arith.subi %get3A_0, %sub3A : i32
    %min3A = arith.minsi %arg0, %sub3A_1 : i32
    %c0_i32 = arith.constant 0 : i32
    %c0_i32_2 = arith.constant 0 : i32
    return %min3A, %c0_i32 : i32, i32
  }
}

</mosaic_0001>

<sc_bundles>
// kernel: kernel.6.cloned.1.call-start
scs
__scs_entry_jumppad:
0x0: {  	(pc) =	sbr.rel $0x88, $3  }
0x1: {  	(tag) =	ssettag $0x0;
	lr =	simm.s32 $0x1  }
0x2: {  	[smem:$0x3F9A] =	sst lr;
	_ =	strace $0xD0000000  }
0x3: {  	_ = 	snop  }
0x4: {  	_ = 	snop  }
0x5: {  	_ = 	snop  }
0x6: {  	_ = 	snop  }
0x7: {  	_ = 	snop  }
__scs_overlays_trampoline_lowered:
0x8: {  	[smem:$0x3FA9] =	sst s0  }
0x9: {  	[smem:$0x3FAA] =	sst s1  }
0xa: {  	[smem:$0x3FAB] =	sst s2  }
0xb: {  	[smem:$0x3FAC] =	sst s3  }
0xc: {  	[smem:$0x3FAD] =	sst s4  }
0xd: {  	[smem:$0x3FAE] =	sst s5  }
0xe: {  	[smem:$0x3FAF] =	sst s6  }
0xf: {  	[smem:$0x3FB0] =	sst s7  }
0x10: {  	[smem:$0x3FB1] =	sst s8  }
0x11: {  	[smem:$0x3FB2] =	sst s9;
	s0 =	simm.s32 @!p0 $0x0  }
0x12: {  	s1 =	sld [smem:$0x3F98];
	s0 =	simm.s32 @p0 $0x1  }
0x13: {  	[smem:$0x3FB3] =	sst s0;
	s0 =	simm.s32 @!p1 $0x0  }
0x14: {  	s2 =	sld [smem:$0x3F97];
	s0 =	simm.s32 @p1 $0x1  }
0x15: {  	[smem:$0x3FB4] =	sst s0;
	s0 =	simm.s32 @!p2 $0x0  }
0x16: {  	s3 =	sld [smem:$0x3FDB];
	s0 =	simm.s32 @p2 $0x1  }
0x17: {  	s4 =	simm.s32 $0x1BF5;
	[smem:$0x3FB6] =	sst s0  }
0x18: {  	s0 =	sld [smem:$0x3F99];
	_ =	swait.ge [sflag:s4], $0x0  }
0x19: {  	s7 =	sld [smem:$0x3F9A]  }
0x1a: {  	s8 =	sadd.s32 $0xFFFFE003, lr  }
0x1b: {  	s9 =	sadd.s32 $0xFFFFFEF7, lr;
	s5 =	simm.s32 $0xFFFFFFFF;
	p2 =	slt.u32 s8, $0xFFFFF086  }
0x1c: {  	p1 =	slt.u32 s9, $0xF7A;
	s5 =	simm.s32 @!p2 $0x0  }
0x1d: {  	s5 =	simm.s32 @p1 $0x1;
	p0 =	seq.s32 s7, s2  }
0x1e: {  	s7 =	smul.u32 @!p0 $0xF7A, s2;
	p2 =	seq.s32 @!p0 s5, $0x0  }
0x1f: {  	s9 =	smul.u32 $0xF7A, s1;
	s8 =	simm.s32 @!p0 $0x1BF5;
	p2 =	por !p2, p0  }
0x20: {  	[sflag:s8] =	ssyncset.s32 @!p0 $0xFFFFF086;
	s6 =	sadd.s32 @!p0 s3, s7;
	s7 =	simm.s32 @!p0 $0x108  }
0x21: {  	s3 =	sadd.s32 s3, s9;
	s6 =	sadd.s32 @!p0 $0x88, s6;
	s7 =	simm.s32 @p2 $0x1082  }
0x22: {  	[simem:s7], [sflag:s8] =	dma.local @!p0 [hbm:s6], $0xF7A  }
0x23: {  	s9 =	sor.u32 $0xD0000000, s2;
	s6 =	simm.s32 $0x108;
	_ =	swait.ge @!p0 [sflag:s8], $0x0  }
0x24: {  	s3 =	sadd.s32 $0x88, s3;
	s6 =	simm.s32 @!p1 $0x1082;
	[sflag:s4] =	ssyncset.s32 $0xFFFFF086  }
0x25: {  	[simem:s6], [sflag:s4] =	dma.local [hbm:s3], $0xF7A  }
0x26: {  	[smem:$0x3F9A] =	sst s1;
	(tag) =	ssettag s2;
	_ =	strace s9  }
0x27: {  	s1 =	sld [smem:$0x3FAA]  }
0x28: {  	s2 =	sld [smem:$0x3FAB]  }
0x29: {  	s4 =	sld [smem:$0x3FAD]  }
0x2a: {  	p0 =	seq.s32 s5, $0x0;
	s5 =	sld [smem:$0x3FAE]  }
0x2b: {  	s6 =	sld [smem:$0x3FAF]  }
0x2c: {  	s7 =	sld [smem:$0x3FB0]  }
0x2d: {  	s3 =	simm.s32 $0x108;
	s8 =	sld [smem:$0x3FB1]  }
0x2e: {  	s3 =	simm.s32 @!p0 $0x1082;
	s9 =	sld [smem:$0x3FB2]  }
0x2f: {  	lr =	sadd.s32 s0, s3;
	s0 =	sld [smem:$0x3FA9]  }
0x30: {  	s3 =	sld [smem:$0x3FAC]  }
0x31: {  	[smem:$0x3FB5] =	sst s10  }
0x32: {  	s10 =	sld [smem:$0x3FB3];
	_ =	sdelay $0x3  }
0x33: {  	p0 =	seq.s32 s10, $0x1;
	s10 =	sld [smem:$0x3FB5];
	_ =	sdelay $0x3  }
0x34: {  	[smem:$0x3FB5] =	sst s10  }
0x35: {  	s10 =	sld [smem:$0x3FB4];
	_ =	sdelay $0x3  }
0x36: {  	p1 =	seq.s32 s10, $0x1;
	s10 =	sld [smem:$0x3FB5];
	_ =	sdelay $0x3  }
0x37: {  	[smem:$0x3FB5] =	sst s10  }
0x38: {  	s10 =	sld [smem:$0x3FB6]  }
0x39: {  	_ = 	snop;
	(pc) =	sbr.ind lr, $3  }
0x3a: {  	_ = 	snop  }
0x3b: {  	_ = 	snop  }
0x3c: {  	p2 =	seq.s32 s10, $0x1;
	s10 =	sld [smem:$0x3FB5]  }
0x3d: {  	_ =	shalt  }
0x3e: {  	_ =	shalt  }
0x3f: {  	_ =	shalt  }
0x40: {  	_ =	shalt  }
0x41: {  	_ =	shalt  }
0x42: {  	_ =	shalt  }
0x43: {  	_ =	shalt  }
0x44: {  	_ =	shalt  }
0x45: {  	_ =	shalt  }
0x46: {  	_ =	shalt  }
0x47: {  	_ =	shalt  }
0x48: {  	_ =	shalt  }
0x49: {  	_ =	shalt  }
0x4a: {  	_ =	shalt  }
0x4b: {  	_ =	shalt  }
0x4c: {  	_ =	shalt  }
0x4d: {  	_ =	shalt  }
0x4e: {  	_ =	shalt  }
0x4f: {  	_ =	shalt  }
0x50: {  	_ =	shalt  }
0x51: {  	_ =	shalt  }
0x52: {  	_ =	shalt  }
0x53: {  	_ =	shalt  }
0x54: {  	_ =	shalt  }
0x55: {  	_ =	shalt  }
0x56: {  	_ =	shalt  }
0x57: {  	_ =	shalt  }
0x58: {  	_ =	shalt  }
0x59: {  	_ =	shalt  }
0x5a: {  	_ =	shalt  }
0x5b: {  	_ =	shalt  }
0x5c: {  	_ =	shalt  }
0x5d: {  	_ =	shalt  }
0x5e: {  	_ =	shalt  }
0x5f: {  	_ =	shalt  }
0x60: {  	_ =	shalt  }
0x61: {  	_ =	shalt  }
0x62: {  	_ =	shalt  }
0x63: {  	_ =	shalt  }
0x64: {  	_ =	shalt  }
0x65: {  	_ =	shalt  }
0x66: {  	_ =	shalt  }
0x67: {  	_ =	shalt  }
0x68: {  	_ =	shalt  }
0x69: {  	_ =	shalt  }
0x6a: {  	_ =	shalt  }
0x6b: {  	_ =	shalt  }
0x6c: {  	_ =	shalt  }
0x6d: {  	_ =	shalt  }
0x6e: {  	_ =	shalt  }
0x6f: {  	_ =	shalt  }
0x70: {  	_ =	shalt  }
0x71: {  	_ =	shalt  }
0x72: {  	_ =	shalt  }
0x73: {  	_ =	shalt  }
0x74: {  	_ =	shalt  }
0x75: {  	_ =	shalt  }
0x76: {  	_ =	shalt  }
0x77: {  	_ =	shalt  }
0x78: {  	_ =	shalt  }
0x79: {  	_ =	shalt  }
0x7a: {  	_ =	shalt  }
0x7b: {  	_ =	shalt  }
0x7c: {  	_ =	shalt  }
0x7d: {  	_ =	shalt  }
0x7e: {  	_ =	shalt  }
0x7f: {  	_ =	shalt  }
0x80: {  	_ =	shalt  }
0x81: {  	_ =	shalt  }
0x82: {  	_ =	shalt  }
0x83: {  	_ =	shalt  }
0x84: {  	_ =	shalt  }
0x85: {  	_ =	shalt  }
0x86: {  	_ =	shalt  }
0x87: {  	_ =	shalt  }
.Lfunc_end0:
.L_simem_size_0:
called_computation_lowered:
.L_overlay_start_0:
0x88: {  	s2 =	sld [smem:$0x3FD9]  }
0x89: {  	s3 =	sld [smem:$0x3FFE];
	_ =	sdelay $0x1  }
0x8a: {  	s1 =	srdreg.scid  }
0x8b: {  	s0 =	sand.u32 $0x1, s1  }
0x8c: {  	s17 =	sshll.u32 s0, $0xA;
	s2 =	sadd.s32 s3, s2  }
0x8d: {  	s2 =	sadd.s32 s2, s17  }
0x8e: {  	[smem:$0x3FC1] =	sst s2  }
0x8f: {  	_ = 	snop  }
0x90: {  	s2 =	sld [smem:$0x3FC9];
	(tm) =	ssettm $0x1  }
0x91: {  	s18 =	sld [smem:$0x3FFB];
	_ =	sdelay $0x3  }
0x92: {  	_ =	strace s18  }
0x93: {  	s3 =	sld [smem:$0x3FFC];
	_ =	sdelay $0x3  }
0x94: {  	_ =	strace s3  }
0x95: {  	s3 =	sld [smem:$0x3FFD];
	_ =	sdelay $0x3  }
0x96: {  	_ =	strace s3  }
0x97: {  	_ =	strace $0x8FFFFFFF  }
0x98: {  	s19 =	sld [smem:$0x3FDB];
	_ =	sdelay $0x1  }
0x99: {  	s4 =	simm.s32 $_scs_section_size  }
0x9a: {  	s5 =	simm.s32 $_size__tile_overlayer_lowered;
	s6 =	simm.s32 $_tile_overlayer_lowered  }
0x9b: {  	s22 =	simm.s32 $0x1BFF;
	s21 =	sshll.u32 s6, $0x1;
	s3 =	sadd.s32 s4, s19  }
0x9c: {  	s7 =	simm.s32 $0x0;
	s20 =	sshll.u32 s5, $0x1;
	s5 =	sadd.s32 s21, s3  }
0x9d: {  	[timem:s7], [sflag:s22] =	dma.local [hbm:s5], s20  }
0x9e: {  	_ =	swait.ge [sflag:s22], s20  }
0x9f: {  	s4 =	ssub.s32 $0x0, s20;
	[sflag:s22] =	ssyncset.done $0x0  }
0xa0: {  	[sflag:s22] =	ssyncadd.s32 s4;
	_ =	sdelay $0x1  }
0xa1: {  	s23 =	simm.s32 $0x1B8B  }
0xa2: {  	_ =	swait.ge [sflag:s23], $0x1  }
0xa3: {  	[sflag:s23] =	ssyncset.done $0x0  }
0xa4: {  	s25 =	simm.s32 $0x1B8E;
	s24 =	sld [smem:$0x3FFE];
	[sflag:s23] =	ssyncadd.s32 $0xFFFFFFFF  }
0xa5: {  	s26 =	simm.s32 $execute0_lowered;
	[smem:$0x3FD2] =	sst s25  }
0xa6: {  	s5 =	sshll.u32 s26, $0x1;
	_ =	strace $0x80000046;
	[dreg:$0x1] =	wrdreg $0xFFFFFFFF  }
0xa7: {  	s28 =	simm.s32 $_size_execute0_lowered;
	s3 =	sadd.s32 s3, s5;
	[dreg:$0x0] =	wrdreg $0x0  }
0xa8: {  	s5 =	sshll.u32 s28, $0x1;
	[dreg:$0x2] =	wrdreg s3  }
0xa9: {  	[dreg:$0x3] =	wrdreg s5  }
0xaa: {  	[dreg:$0x4] =	wrdreg $0xC0  }
0xab: {  	_ =	task [dreg:s7], $0x5FFFF  }
0xac: {  	[dreg:$0x1] =	wrdreg $0xFFFFFFFF  }
0xad: {  	[dreg:$0x0] =	wrdreg $0x60  }
0xae: {  	[dreg:$0x2] =	wrdreg s2  }
0xaf: {  	[dreg:$0x3] =	wrdreg s24  }
0xb0: {  	[dreg:$0x4] =	wrdreg $0x9  }
0xb1: {  	_ =	task.clear_ibuf [dreg:s7], $0x5FFFF;
	_ =	strace $0x90000046  }
0xb2: {  	s29 =	simm.s32 $0x9;
	_ =	strace $0x80000048  }
0xb3: {  	_ =	swait.ge [sflag:s29], $0x1  }
0xb4: {  	[sflag:s29] =	ssyncadd.s32 $0xFFFFFFFF  }
0xb5: {  	_ =	strace $0x90000048  }
0xb6: {  	_ =	sfence  }
0xb7: {  	s30 =	sld [smem:$0x0];
	_ =	sdelay $0x2  }
0xb8: {  	s31 =	sshll.u32 s1, $0xD;
	s1 =	sshrl.u32 s1, $0x2  }
0xb9: {  	s3 =	sand.u32 $0x4000, s31;
	s1 =	sadd.s32 s1, s30  }
0xba: {  	s0 =	sor.u32 s3, s0;
	s1 =	sshll.u32 s1, $0x11  }
0xbb: {  	s0 =	sor.u32 s1, s0  }
0xbc: {  	s0 =	sadd.s32 $0x8F2B, s0  }
0xbd: {  	[sflag:s0] =	ssyncadd.remote.s32 $0x1  }
0xbe: {  	_ =	sfence.sel $0xFFFF  }
0xbf: {  	[dreg:$0x0] =	wrdreg $0xFFFFFFFF;
	(pc) =	sbr.abs _section_cstart, $3  }
0xc0: {  	[dreg:$0x1] =	wrdreg $0xFFFFFFFF  }
0xc1: {  	_ =	task.clear_ibuf [dreg:s7], $0x2FFFF;
	_ =	strace $0x9FFFFFFF  }
0xc2: {  	(tm) =	ssettm $0x7FFFFFFF  }
0xc3: {  	_ =	shalt  }
tec
execute0_lowered:
.L_overlay_start_1:
0x0: {  	(tag) =	ssettag $0x1  }
0x1: {  	s0 =	rddreg [dreg:$0x0]  }
0x2: {  	s1 =	rddreg [dreg:$0x1];
	s2 =	simm.s32 $0x0  }
0x3: {  	s3 =	srdreg.scid;
	s4 =	stileid.u32;
	s29 =	simm.s32 $0x380  }
0x4: {  	s30 =	simm.s32 $0x4380;
	s31 =	simm.s32 $0x1;
	s28 =	simm.s32 $0x3  }
0x5: {  	s11 =	simm.s32 $0x6380;
	s15 =	simm.s32 $0x6B80;
	[smem:$0x7FF] =	sst s2  }
0x6: {  	s3 =	sand.u32 $0x1, s3;
	s4 =	sshll.u32 s4, $0x1;
	s7 =	sadd.s32 $0x101400, s1  }
0x7: {  	s5 =	sadd.s32 $0x1200, s1;
	s8 =	sadd.s32 $0x101600, s1;
	s12 =	sadd.s32 $0x1500, s1  }
0x8: {  	s13 =	sadd.s32 $0x1600, s1;
	s14 =	sadd.s32 $0x1700, s1;
	_ =	strace $0x80000047  }
0x9: {  	[dreg:$0x5] =	wrdreg s5;
	s16 =	sor.u32 s3, s4;
	s4 =	sadd.s32 $0x1400, s1  }
0xa: {  	s3 =	ssub.s32 $0x2, s3;
	[dreg:$0x3] =	wrdreg s7;
	s6 =	sshll.u32 s16, $0x4  }
0xb: {  	[dreg:$0x4] =	wrdreg s8;
	s5 =	simm.s32 $0x5380;
	s6 =	sadd.s32 s6, s1  }
0xc: {  	s7 =	simm.s32 $0x5B80;
	s17 =	sshrl.u32 s3, $0x1;
	s19 =	sadd.s32 $0xE00, s6  }
0xd: {  	s18 =	sshll.u32 s16, $0xE;
	s20 =	sadd.s32 $0x1000, s6;
	[dreg:$0x6] =	wrdreg s19  }
0xe: {  	s0 =	sadd.s32 s0, s18;
	s6 =	sadd.s32 $0x101800, s6;
	[dreg:$0x7] =	wrdreg s20  }
0xf: {  	p0 =	sne.s32 s16, $0x0;
	s21 =	sadd.s32 $0x800, s0;
	[dreg:$0x8] =	wrdreg s6  }
0x10: {  	s16 =	simm.s32 $0x7380;
	s22 =	sadd.s32 $0x1000, s0;
	[dreg:$0xd] =	wrdreg s21  }
0x11: {  	s3 =	ssub.s32 s3, s17;
	s23 =	sadd.s32 $0x1800, s0;
	[dreg:$0x9] =	wrdreg s22  }
0x12: {  	v0 =	vimm.s32 $0x0;
	s17 =	simm.s32 $0x7B80;
	s24 =	sadd.s32 $0x2000, s0;
	[dreg:$0xa] =	wrdreg s23  }
.Ltmp0:
0x13: {  	vm0 =	vcmask $0x1B20;
	v1 =	vlaneseq.u32;
	vm1 =	vmmov $0x1;
	s25 =	sadd.s32 $0x2800, s0;
	[dreg:$0xb] =	wrdreg s24;
	(pc) =	sbr.rel .LBB2_1-.Ltmp0, $4  }
0x14: {  	vm2 =	vcmask $0x308;
	vm3 =	vcmask $0x70C;
	vm4 =	vcmask $0xB10;
	s18 =	simm.s32 $0x4;
	s26 =	sadd.s32 $0x3000, s0;
	[dreg:$0xc] =	wrdreg s25  }
0x15: {  	vm5 =	vcmask $0xF14;
	vm6 =	vcmask $0x1318;
	vm7 =	vcmask $0x171C;
	s8 =	sadd.s32 $0x3800, s0;
	[dreg:$0xe] =	wrdreg s26;
	s21 =	smax.u32 s3, $0x1  }
0x16: {  	vm8 =	vmmov $0xffff;
	v2 =	vadd.s32 $0x1, v1;
	v4 =	vshrl.u32 v1, $0x3;
	s22 =	simm.s32 $0x5;
	s26 =	simm.s32 $0x200;
	s3 =	simm.s32 $0x2  }
0x17: {  	v3 =	vand.u32 $0x7, v1;
	v5 =	vor.u32 $0x8, v1;
	v4 =	vmul.u32 $0x8, v4;
	s6 =	simm.s32 $0x3380;
	s23 =	simm.s32 $0x3B80;
	s24 =	simm.s32 $0x4B80  }
.LBB2_3:
0x18: {  	v6 =	vld [tilespmem:$0x0];
	_ =	sdelay $0x5  }
0x19: {  	v7 =	vld [tilespmem:$0x10]  }
0x1a: {  	v8 =	vld [tilespmem:$0x80]  }
0x1b: {  	v6 =	vld.idx.msk [tilespmem:v6+s26+$0x0], $0xffff;
	_ =	sdelay $0x4  }
0x1c: {  	v6 =	vadd.s32 v6, v8  }
0x1d: {  	[tilespmem:$0x300] =	vst v6  }
0x1e: {  	v6 =	vld.idx.msk [tilespmem:v7+s26+$0x0], $0xffff  }
0x1f: {  	v7 =	vld [tilespmem:$0x20]  }
0x20: {  	v58 =	vld [tilespmem:$0x90];
	_ =	sdelay $0x4  }
0x21: {  	v6 =	vadd.s32 v6, v58  }
0x22: {  	[tilespmem:$0x310] =	vst v6  }
0x23: {  	v6 =	vld.idx.msk [tilespmem:v7+s26+$0x0], $0xffff  }
0x24: {  	v7 =	vld [tilespmem:$0x30]  }
0x25: {  	v59 =	vld [tilespmem:$0xA0];
	_ =	sdelay $0x4  }
0x26: {  	v6 =	vadd.s32 v6, v59  }
0x27: {  	[tilespmem:$0x320] =	vst v6  }
0x28: {  	v6 =	vld.idx.msk [tilespmem:v7+s26+$0x0], $0xffff  }
0x29: {  	v7 =	vld [tilespmem:$0x40]  }
0x2a: {  	v60 =	vld [tilespmem:$0xB0];
	_ =	sdelay $0x4  }
0x2b: {  	v6 =	vadd.s32 v6, v60  }
0x2c: {  	[tilespmem:$0x330] =	vst v6  }
0x2d: {  	v6 =	vld.idx.msk [tilespmem:v7+s26+$0x0], $0xffff  }
0x2e: {  	v7 =	vld [tilespmem:$0x50]  }
0x2f: {  	v61 =	vld [tilespmem:$0xC0];
	_ =	sdelay $0x4  }
0x30: {  	v6 =	vadd.s32 v6, v61  }
0x31: {  	[tilespmem:$0x340] =	vst v6  }
0x32: {  	v6 =	vld.idx.msk [tilespmem:v7+s26+$0x0], $0xffff  }
0x33: {  	v7 =	vld [tilespmem:$0x60]  }
0x34: {  	v62 =	vld [tilespmem:$0xD0];
	_ =	sdelay $0x4  }
0x35: {  	v6 =	vadd.s32 v6, v62  }
0x36: {  	[tilespmem:$0x350] =	vst v6  }
0x37: {  	v6 =	vld.idx.msk [tilespmem:v7+s26+$0x0], $0xffff  }
0x38: {  	v7 =	vld [tilespmem:$0x70]  }
0x39: {  	v63 =	vld [tilespmem:$0xE0];
	_ =	sdelay $0x4  }
0x3a: {  	v6 =	vadd.s32 v6, v63  }
0x3b: {  	[tilespmem:$0x360] =	vst v6  }
0x3c: {  	v6 =	vld.idx.msk [tilespmem:v7+s26+$0x0], $0xffff  }
0x3d: {  	v7 =	vld [tilespmem:$0xF0];
	_ =	sdelay $0x4  }
0x3e: {  	v6 =	vadd.s32 v6, v7  }
0x3f: {  	s10 =	simm.s32 $0x300;
	s1 =	rddreg [dreg:$0x8];
	[tilespmem:$0x370] =	vst v6  }
0x40: {  	[hbm4b:s1+s2] =	stream.linear.scatter [tilespmem:s10], [sflag:$0x5], $0x80, $0x38;
	[tilespmem:$0x8380] =	vst v63  }
0x41: {  	_ =	swait.ge [sflag:s22], $0x80  }
0x42: {  	[sflag:s22] =	ssyncset.done $0x0  }
0x43: {  	[sflag:s22] =	ssyncadd.s32 $0xFFFFFF80  }
0x44: {  	[tilespmem:s29], [sflag:$0x1] =	stream.linear.gather [hbm4b:s0+s2], $0x4000, $0x38;
	[tilespmem:$0x8380] =	vst v63  }
0x45: {  	s25 =	rddreg [dreg:$0xd]  }
0x46: {  	[tilespmem:s30], [sflag:$0x2] =	stream.linear.gather [hbm4b:s25+s2], $0x4000, $0x38;
	[tilespmem:$0x8380] =	vst v63  }
0x47: {  	_ =	swait.ge [sflag:s31], $0x4000  }
0x48: {  	[sflag:s31] =	ssyncset.done $0x0  }
0x49: {  	[sflag:s31] =	ssyncadd.s32 $0xFFFFC000  }
0x4a: {  	v6 =	vld [tilespmem:$0x300];
	_ =	sdelay $0x4  }
0x4b: {  	v7 =	vshll.u32 v6, $0x3  }
0x4c: {  	v6 =	vand.u32 $0x7, v6;
	v7 =	vand.u32 $0xFFFFFFC0, v7  }
0x4d: {  	v6 =	vor.u32 v6, v7  }
0x4e: {  	v7 =	vperm.xlane v6, v3;
	_ =	sdelay $0x1  }
0x4f: {  	v7 =	vadd.s32 v4, v7;
	_ =	sdelay $0x4  }
0x50: {  	[hbm4b:s4+s2] =	stream.indirect_vreg.scatter [tilespmem:s29], [sflag:$0x3], $0x80, v7, vm8, $0xb8;
	[tilespmem:$0x8380] =	vst v63  }
0x51: {  	s10 =	simm.s32 $0xB80;
	v6 =	vperm.xlane v6, v5  }
0x52: {  	[hbm4b:s12+s2] =	stream.indirect_vreg.scatter [tilespmem:s10], [sflag:$0x3], $0x80, v7, vm8, $0xb8;
	[tilespmem:$0x8380] =	vst v63  }
0x53: {  	s19 =	simm.s32 $0x1380;
	v6 =	vadd.s32 v4, v6  }
0x54: {  	[hbm4b:s13+s2] =	stream.indirect_vreg.scatter [tilespmem:s19], [sflag:$0x3], $0x80, v7, vm8, $0xb8;
	[tilespmem:$0x8380] =	vst v63  }
0x55: {  	s20 =	simm.s32 $0x1B80  }
0x56: {  	[hbm4b:s14+s2] =	stream.indirect_vreg.scatter [tilespmem:s20], [sflag:$0x3], $0x80, v7, vm8, $0xb8;
	[tilespmem:$0x8380] =	vst v63  }
0x57: {  	s9 =	simm.s32 $0x2380  }
0x58: {  	[hbm4b:s4+s2] =	stream.indirect_vreg.scatter [tilespmem:s9], [sflag:$0x3], $0x80, v6, vm8, $0xb8;
	[tilespmem:$0x8380] =	vst v63  }
0x59: {  	s1 =	simm.s32 $0x2B80  }
0x5a: {  	[hbm4b:s12+s2] =	stream.indirect_vreg.scatter [tilespmem:s1], [sflag:$0x3], $0x80, v6, vm8, $0xb8;
	[tilespmem:$0x8380] =	vst v63  }
0x5b: {  	_ = 	snop  }
0x5c: {  	[hbm4b:s13+s2] =	stream.indirect_vreg.scatter [tilespmem:s6], [sflag:$0x3], $0x80, v6, vm8, $0xb8;
	[tilespmem:$0x8380] =	vst v63  }
0x5d: {  	_ = 	snop  }
0x5e: {  	[hbm4b:s14+s2] =	stream.indirect_vreg.scatter [tilespmem:s23], [sflag:$0x3], $0x80, v6, vm8, $0xb8;
	[tilespmem:$0x8380] =	vst v63  }
0x5f: {  	_ =	swait.ge [sflag:s28], $0x4000  }
0x60: {  	[sflag:s28] =	ssyncset.done $0x0  }
0x61: {  	s25 =	rddreg [dreg:$0x9];
	[sflag:s28] =	ssyncadd.s32 $0xFFFFC000  }
0x62: {  	[tilespmem:s29], [sflag:$0x1] =	stream.linear.gather [hbm4b:s25+s2], $0x4000, $0x38;
	[tilespmem:$0x8380] =	vst v63  }
0x63: {  	_ =	swait.ge [sflag:s3], $0x4000  }
0x64: {  	[sflag:s3] =	ssyncset.done $0x0  }
0x65: {  	[sflag:s3] =	ssyncadd.s32 $0xFFFFC000  }
0x66: {  	v6 =	vld [tilespmem:$0x310];
	_ =	sdelay $0x4  }
0x67: {  	v7 =	vshll.u32 v6, $0x3  }
0x68: {  	v6 =	vand.u32 $0x7, v6;
	v7 =	vand.u32 $0xFFFFFFC0, v7  }
0x69: {  	v6 =	vor.u32 v6, v7  }
0x6a: {  	v7 =	vperm.xlane v6, v3;
	_ =	sdelay $0x1  }
0x6b: {  	v7 =	vadd.s32 v4, v7;
	_ =	sdelay $0x4  }
0x6c: {  	[hbm4b:s4+s2] =	stream.indirect_vreg.scatter [tilespmem:s30], [sflag:$0x4], $0x80, v7, vm8, $0xb8;
	[tilespmem:$0x8380] =	vst v63  }
0x6d: {  	v6 =	vperm.xlane v6, v5  }
0x6e: {  	[hbm4b:s12+s2] =	stream.indirect_vreg.scatter [tilespmem:s24], [sflag:$0x4], $0x80, v7, vm8, $0xb8;
	[tilespmem:$0x8380] =	vst v63  }
0x6f: {  	v6 =	vadd.s32 v4, v6  }
0x70: {  	[hbm4b:s13+s2] =	stream.indirect_vreg.scatter [tilespmem:s5], [sflag:$0x4], $0x80, v7, vm8, $0xb8;
	[tilespmem:$0x8380] =	vst v63  }
0x71: {  	_ = 	snop  }
0x72: {  	[hbm4b:s14+s2] =	stream.indirect_vreg.scatter [tilespmem:s7], [sflag:$0x4], $0x80, v7, vm8, $0xb8;
	[tilespmem:$0x8380] =	vst v63  }
0x73: {  	_ = 	snop  }
0x74: {  	[hbm4b:s4+s2] =	stream.indirect_vreg.scatter [tilespmem:s11], [sflag:$0x4], $0x80, v6, vm8, $0xb8;
	[tilespmem:$0x8380] =	vst v63  }
0x75: {  	_ = 	snop  }
0x76: {  	[hbm4b:s12+s2] =	stream.indirect_vreg.scatter [tilespmem:s15], [sflag:$0x4], $0x80, v6, vm8, $0xb8;
	[tilespmem:$0x8380] =	vst v63  }
0x77: {  	_ = 	snop  }
0x78: {  	[hbm4b:s13+s2] =	stream.indirect_vreg.scatter [tilespmem:s16], [sflag:$0x4], $0x80, v6, vm8, $0xb8;
	[tilespmem:$0x8380] =	vst v63  }
0x79: {  	_ = 	snop  }
0x7a: {  	[hbm4b:s14+s2] =	stream.indirect_vreg.scatter [tilespmem:s17], [sflag:$0x4], $0x80, v6, vm8, $0xb8;
	[tilespmem:$0x8380] =	vst v63  }
0x7b: {  	_ =	swait.ge [sflag:s18], $0x4000  }
0x7c: {  	[sflag:s18] =	ssyncset.done $0x0  }
0x7d: {  	s25 =	rddreg [dreg:$0xa];
	[sflag:s18] =	ssyncadd.s32 $0xFFFFC000  }
0x7e: {  	[tilespmem:s30], [sflag:$0x2] =	stream.linear.gather [hbm4b:s25+s2], $0x4000, $0x38;
	[tilespmem:$0x8380] =	vst v63  }
0x7f: {  	_ =	swait.ge [sflag:s31], $0x4000  }
0x80: {  	[sflag:s31] =	ssyncset.done $0x0  }
0x81: {  	[sflag:s31] =	ssyncadd.s32 $0xFFFFC000  }
0x82: {  	v6 =	vld [tilespmem:$0x320];
	_ =	sdelay $0x4  }
0x83: {  	v7 =	vshll.u32 v6, $0x3  }
0x84: {  	v6 =	vand.u32 $0x7, v6;
	v7 =	vand.u32 $0xFFFFFFC0, v7  }
0x85: {  	v6 =	vor.u32 v6, v7  }
0x86: {  	v7 =	vperm.xlane v6, v3;
	_ =	sdelay $0x1  }
0x87: {  	v7 =	vadd.s32 v4, v7;
	_ =	sdelay $0x4  }
0x88: {  	[hbm4b:s4+s2] =	stream.indirect_vreg.scatter [tilespmem:s29], [sflag:$0x3], $0x80, v7, vm8, $0xb8;
	[tilespmem:$0x8380] =	vst v63  }
0x89: {  	v6 =	vperm.xlane v6, v5  }
0x8a: {  	[hbm4b:s12+s2] =	stream.indirect_vreg.scatter [tilespmem:s10], [sflag:$0x3], $0x80, v7, vm8, $0xb8;
	[tilespmem:$0x8380] =	vst v63  }
0x8b: {  	v6 =	vadd.s32 v4, v6  }
0x8c: {  	[hbm4b:s13+s2] =	stream.indirect_vreg.scatter [tilespmem:s19], [sflag:$0x3], $0x80, v7, vm8, $0xb8;
	[tilespmem:$0x8380] =	vst v63  }
0x8d: {  	_ = 	snop  }
0x8e: {  	[hbm4b:s14+s2] =	stream.indirect_vreg.scatter [tilespmem:s20], [sflag:$0x3], $0x80, v7, vm8, $0xb8;
	[tilespmem:$0x8380] =	vst v63  }
0x8f: {  	_ = 	snop  }
0x90: {  	[hbm4b:s4+s2] =	stream.indirect_vreg.scatter [tilespmem:s9], [sflag:$0x3], $0x80, v6, vm8, $0xb8;
	[tilespmem:$0x8380] =	vst v63  }
0x91: {  	_ = 	snop  }
0x92: {  	[hbm4b:s12+s2] =	stream.indirect_vreg.scatter [tilespmem:s1], [sflag:$0x3], $0x80, v6, vm8, $0xb8;
	[tilespmem:$0x8380] =	vst v63  }
0x93: {  	_ = 	snop  }
0x94: {  	[hbm4b:s13+s2] =	stream.indirect_vreg.scatter [tilespmem:s6], [sflag:$0x3], $0x80, v6, vm8, $0xb8;
	[tilespmem:$0x8380] =	vst v63  }
0x95: {  	_ = 	snop  }
0x96: {  	[hbm4b:s14+s2] =	stream.indirect_vreg.scatter [tilespmem:s23], [sflag:$0x3], $0x80, v6, vm8, $0xb8;
	[tilespmem:$0x8380] =	vst v63  }
0x97: {  	_ =	swait.ge [sflag:s28], $0x4000  }
0x98: {  	[sflag:s28] =	ssyncset.done $0x0  }
0x99: {  	s25 =	rddreg [dreg:$0xb];
	[sflag:s28] =	ssyncadd.s32 $0xFFFFC000  }
0x9a: {  	[tilespmem:s29], [sflag:$0x1] =	stream.linear.gather [hbm4b:s25+s2], $0x4000, $0x38;
	[tilespmem:$0x8380] =	vst v63  }
0x9b: {  	_ =	swait.ge [sflag:s3], $0x4000  }
0x9c: {  	[sflag:s3] =	ssyncset.done $0x0  }
0x9d: {  	[sflag:s3] =	ssyncadd.s32 $0xFFFFC000  }
0x9e: {  	v6 =	vld [tilespmem:$0x330];
	_ =	sdelay $0x4  }
0x9f: {  	v7 =	vshll.u32 v6, $0x3  }
0xa0: {  	v6 =	vand.u32 $0x7, v6;
	v7 =	vand.u32 $0xFFFFFFC0, v7  }
0xa1: {  	v6 =	vor.u32 v6, v7  }
0xa2: {  	v7 =	vperm.xlane v6, v3;
	_ =	sdelay $0x1  }
0xa3: {  	v7 =	vadd.s32 v4, v7;
	_ =	sdelay $0x4  }
0xa4: {  	[hbm4b:s4+s2] =	stream.indirect_vreg.scatter [tilespmem:s30], [sflag:$0x4], $0x80, v7, vm8, $0xb8;
	[tilespmem:$0x8380] =	vst v63  }
0xa5: {  	v6 =	vperm.xlane v6, v5  }
0xa6: {  	[hbm4b:s12+s2] =	stream.indirect_vreg.scatter [tilespmem:s24], [sflag:$0x4], $0x80, v7, vm8, $0xb8;
	[tilespmem:$0x8380] =	vst v63  }
0xa7: {  	v6 =	vadd.s32 v4, v6  }
0xa8: {  	[hbm4b:s13+s2] =	stream.indirect_vreg.scatter [tilespmem:s5], [sflag:$0x4], $0x80, v7, vm8, $0xb8;
	[tilespmem:$0x8380] =	vst v63  }
0xa9: {  	_ = 	snop  }
0xaa: {  	[hbm4b:s14+s2] =	stream.indirect_vreg.scatter [tilespmem:s7], [sflag:$0x4], $0x80, v7, vm8, $0xb8;
	[tilespmem:$0x8380] =	vst v63  }
0xab: {  	_ = 	snop  }
0xac: {  	[hbm4b:s4+s2] =	stream.indirect_vreg.scatter [tilespmem:s11], [sflag:$0x4], $0x80, v6, vm8, $0xb8;
	[tilespmem:$0x8380] =	vst v63  }
0xad: {  	_ = 	snop  }
0xae: {  	[hbm4b:s12+s2] =	stream.indirect_vreg.scatter [tilespmem:s15], [sflag:$0x4], $0x80, v6, vm8, $0xb8;
	[tilespmem:$0x8380] =	vst v63  }
0xaf: {  	_ = 	snop  }
0xb0: {  	[hbm4b:s13+s2] =	stream.indirect_vreg.scatter [tilespmem:s16], [sflag:$0x4], $0x80, v6, vm8, $0xb8;
	[tilespmem:$0x8380] =	vst v63  }
0xb1: {  	_ = 	snop  }
0xb2: {  	[hbm4b:s14+s2] =	stream.indirect_vreg.scatter [tilespmem:s17], [sflag:$0x4], $0x80, v6, vm8, $0xb8;
	[tilespmem:$0x8380] =	vst v63  }
0xb3: {  	_ =	swait.ge [sflag:s18], $0x4000  }
0xb4: {  	[sflag:s18] =	ssyncset.done $0x0  }
0xb5: {  	s25 =	rddreg [dreg:$0xc];
	[sflag:s18] =	ssyncadd.s32 $0xFFFFC000  }
0xb6: {  	[tilespmem:s30], [sflag:$0x2] =	stream.linear.gather [hbm4b:s25+s2], $0x4000, $0x38;
	[tilespmem:$0x8380] =	vst v63  }
0xb7: {  	_ =	swait.ge [sflag:s31], $0x4000  }
0xb8: {  	[sflag:s31] =	ssyncset.done $0x0  }
0xb9: {  	[sflag:s31] =	ssyncadd.s32 $0xFFFFC000  }
0xba: {  	v6 =	vld [tilespmem:$0x340];
	_ =	sdelay $0x4  }
0xbb: {  	v7 =	vshll.u32 v6, $0x3  }
0xbc: {  	v6 =	vand.u32 $0x7, v6;
	v7 =	vand.u32 $0xFFFFFFC0, v7  }
0xbd: {  	v6 =	vor.u32 v6, v7  }
0xbe: {  	v7 =	vperm.xlane v6, v3;
	_ =	sdelay $0x1  }
0xbf: {  	v7 =	vadd.s32 v4, v7;
	_ =	sdelay $0x4  }
0xc0: {  	[hbm4b:s4+s2] =	stream.indirect_vreg.scatter [tilespmem:s29], [sflag:$0x3], $0x80, v7, vm8, $0xb8;
	[tilespmem:$0x8380] =	vst v63  }
0xc1: {  	v6 =	vperm.xlane v6, v5  }
0xc2: {  	[hbm4b:s12+s2] =	stream.indirect_vreg.scatter [tilespmem:s10], [sflag:$0x3], $0x80, v7, vm8, $0xb8;
	[tilespmem:$0x8380] =	vst v63  }
0xc3: {  	v6 =	vadd.s32 v4, v6  }
0xc4: {  	[hbm4b:s13+s2] =	stream.indirect_vreg.scatter [tilespmem:s19], [sflag:$0x3], $0x80, v7, vm8, $0xb8;
	[tilespmem:$0x8380] =	vst v63  }
0xc5: {  	_ = 	snop  }
0xc6: {  	[hbm4b:s14+s2] =	stream.indirect_vreg.scatter [tilespmem:s20], [sflag:$0x3], $0x80, v7, vm8, $0xb8;
	[tilespmem:$0x8380] =	vst v63  }
0xc7: {  	_ = 	snop  }
0xc8: {  	[hbm4b:s4+s2] =	stream.indirect_vreg.scatter [tilespmem:s9], [sflag:$0x3], $0x80, v6, vm8, $0xb8;
	[tilespmem:$0x8380] =	vst v63  }
0xc9: {  	_ = 	snop  }
0xca: {  	[hbm4b:s12+s2] =	stream.indirect_vreg.scatter [tilespmem:s1], [sflag:$0x3], $0x80, v6, vm8, $0xb8;
	[tilespmem:$0x8380] =	vst v63  }
0xcb: {  	_ = 	snop  }
0xcc: {  	[hbm4b:s13+s2] =	stream.indirect_vreg.scatter [tilespmem:s6], [sflag:$0x3], $0x80, v6, vm8, $0xb8;
	[tilespmem:$0x8380] =	vst v63  }
0xcd: {  	_ = 	snop  }
0xce: {  	[hbm4b:s14+s2] =	stream.indirect_vreg.scatter [tilespmem:s23], [sflag:$0x3], $0x80, v6, vm8, $0xb8;
	[tilespmem:$0x8380] =	vst v63  }
0xcf: {  	_ =	swait.ge [sflag:s28], $0x4000  }
0xd0: {  	[sflag:s28] =	ssyncset.done $0x0  }
0xd1: {  	s25 =	rddreg [dreg:$0xe];
	[sflag:s28] =	ssyncadd.s32 $0xFFFFC000  }
0xd2: {  	[tilespmem:s29], [sflag:$0x1] =	stream.linear.gather [hbm4b:s25+s2], $0x4000, $0x38;
	[tilespmem:$0x8380] =	vst v63  }
0xd3: {  	_ =	swait.ge [sflag:s3], $0x4000  }
0xd4: {  	[sflag:s3] =	ssyncset.done $0x0  }
0xd5: {  	[sflag:s3] =	ssyncadd.s32 $0xFFFFC000  }
0xd6: {  	v6 =	vld [tilespmem:$0x350];
	_ =	sdelay $0x4  }
0xd7: {  	v7 =	vshll.u32 v6, $0x3  }
0xd8: {  	v6 =	vand.u32 $0x7, v6;
	v7 =	vand.u32 $0xFFFFFFC0, v7  }
0xd9: {  	v6 =	vor.u32 v6, v7  }
0xda: {  	v7 =	vperm.xlane v6, v3;
	_ =	sdelay $0x1  }
0xdb: {  	v7 =	vadd.s32 v4, v7;
	_ =	sdelay $0x4  }
0xdc: {  	[hbm4b:s4+s2] =	stream.indirect_vreg.scatter [tilespmem:s30], [sflag:$0x4], $0x80, v7, vm8, $0xb8;
	[tilespmem:$0x8380] =	vst v63  }
0xdd: {  	v6 =	vperm.xlane v6, v5  }
0xde: {  	[hbm4b:s12+s2] =	stream.indirect_vreg.scatter [tilespmem:s24], [sflag:$0x4], $0x80, v7, vm8, $0xb8;
	[tilespmem:$0x8380] =	vst v63  }
0xdf: {  	v6 =	vadd.s32 v4, v6  }
0xe0: {  	[hbm4b:s13+s2] =	stream.indirect_vreg.scatter [tilespmem:s5], [sflag:$0x4], $0x80, v7, vm8, $0xb8;
	[tilespmem:$0x8380] =	vst v63  }
0xe1: {  	_ = 	snop  }
0xe2: {  	[hbm4b:s14+s2] =	stream.indirect_vreg.scatter [tilespmem:s7], [sflag:$0x4], $0x80, v7, vm8, $0xb8;
	[tilespmem:$0x8380] =	vst v63  }
0xe3: {  	_ = 	snop  }
0xe4: {  	[hbm4b:s4+s2] =	stream.indirect_vreg.scatter [tilespmem:s11], [sflag:$0x4], $0x80, v6, vm8, $0xb8;
	[tilespmem:$0x8380] =	vst v63  }
0xe5: {  	_ = 	snop  }
0xe6: {  	[hbm4b:s12+s2] =	stream.indirect_vreg.scatter [tilespmem:s15], [sflag:$0x4], $0x80, v6, vm8, $0xb8;
	[tilespmem:$0x8380] =	vst v63  }
0xe7: {  	_ = 	snop  }
0xe8: {  	[hbm4b:s13+s2] =	stream.indirect_vreg.scatter [tilespmem:s16], [sflag:$0x4], $0x80, v6, vm8, $0xb8;
	[tilespmem:$0x8380] =	vst v63  }
0xe9: {  	_ = 	snop  }
0xea: {  	[hbm4b:s14+s2] =	stream.indirect_vreg.scatter [tilespmem:s17], [sflag:$0x4], $0x80, v6, vm8, $0xb8;
	[tilespmem:$0x8380] =	vst v63  }
0xeb: {  	_ =	swait.ge [sflag:s18], $0x4000  }
0xec: {  	[sflag:s18] =	ssyncset.done $0x0  }
0xed: {  	[sflag:s18] =	ssyncadd.s32 $0xFFFFC000  }
0xee: {  	[tilespmem:s30], [sflag:$0x2] =	stream.linear.gather [hbm4b:s8+s2], $0x4000, $0x38;
	[tilespmem:$0x8380] =	vst v63  }
0xef: {  	_ =	swait.ge [sflag:s31], $0x4000  }
0xf0: {  	[sflag:s31] =	ssyncset.done $0x0  }
0xf1: {  	[sflag:s31] =	ssyncadd.s32 $0xFFFFC000  }
0xf2: {  	v6 =	vld [tilespmem:$0x360];
	_ =	sdelay $0x4  }
0xf3: {  	v7 =	vshll.u32 v6, $0x3  }
0xf4: {  	v6 =	vand.u32 $0x7, v6;
	v7 =	vand.u32 $0xFFFFFFC0, v7  }
0xf5: {  	v6 =	vor.u32 v6, v7  }
0xf6: {  	v7 =	vperm.xlane v6, v3;
	_ =	sdelay $0x1  }
0xf7: {  	v7 =	vadd.s32 v4, v7;
	_ =	sdelay $0x4  }
0xf8: {  	[hbm4b:s4+s2] =	stream.indirect_vreg.scatter [tilespmem:s29], [sflag:$0x3], $0x80, v7, vm8, $0xb8;
	[tilespmem:$0x8380] =	vst v63  }
0xf9: {  	v6 =	vperm.xlane v6, v5  }
0xfa: {  	[hbm4b:s12+s2] =	stream.indirect_vreg.scatter [tilespmem:s10], [sflag:$0x3], $0x80, v7, vm8, $0xb8;
	[tilespmem:$0x8380] =	vst v63  }
0xfb: {  	v6 =	vadd.s32 v4, v6  }
0xfc: {  	[hbm4b:s13+s2] =	stream.indirect_vreg.scatter [tilespmem:s19], [sflag:$0x3], $0x80, v7, vm8, $0xb8;
	[tilespmem:$0x8380] =	vst v63  }
0xfd: {  	_ = 	snop  }
0xfe: {  	[hbm4b:s14+s2] =	stream.indirect_vreg.scatter [tilespmem:s20], [sflag:$0x3], $0x80, v7, vm8, $0xb8;
	[tilespmem:$0x8380] =	vst v63  }
0xff: {  	_ = 	snop  }
0x100: {  	[hbm4b:s4+s2] =	stream.indirect_vreg.scatter [tilespmem:s9], [sflag:$0x3], $0x80, v6, vm8, $0xb8;
	[tilespmem:$0x8380] =	vst v63  }
0x101: {  	_ = 	snop  }
0x102: {  	[hbm4b:s12+s2] =	stream.indirect_vreg.scatter [tilespmem:s1], [sflag:$0x3], $0x80, v6, vm8, $0xb8;
	[tilespmem:$0x8380] =	vst v63  }
0x103: {  	_ = 	snop  }
0x104: {  	[hbm4b:s13+s2] =	stream.indirect_vreg.scatter [tilespmem:s6], [sflag:$0x3], $0x80, v6, vm8, $0xb8;
	[tilespmem:$0x8380] =	vst v63  }
0x105: {  	_ = 	snop  }
0x106: {  	[hbm4b:s14+s2] =	stream.indirect_vreg.scatter [tilespmem:s23], [sflag:$0x3], $0x80, v6, vm8, $0xb8;
	[tilespmem:$0x8380] =	vst v63  }
0x107: {  	_ =	swait.ge [sflag:s3], $0x4000  }
0x108: {  	[sflag:s3] =	ssyncset.done $0x0  }
0x109: {  	[sflag:s3] =	ssyncadd.s32 $0xFFFFC000  }
0x10a: {  	v6 =	vld [tilespmem:$0x370];
	_ =	sdelay $0x4  }
0x10b: {  	v7 =	vshll.u32 v6, $0x3  }
0x10c: {  	v6 =	vand.u32 $0x7, v6;
	v7 =	vand.u32 $0xFFFFFFC0, v7  }
0x10d: {  	v6 =	vor.u32 v6, v7  }
0x10e: {  	v7 =	vperm.xlane v6, v3;
	_ =	sdelay $0x1  }
0x10f: {  	v7 =	vadd.s32 v4, v7;
	_ =	sdelay $0x4  }
0x110: {  	[hbm4b:s4+s2] =	stream.indirect_vreg.scatter [tilespmem:s30], [sflag:$0x4], $0x80, v7, vm8, $0xb8;
	[tilespmem:$0x8380] =	vst v63  }
0x111: {  	v6 =	vperm.xlane v6, v5  }
0x112: {  	[hbm4b:s12+s2] =	stream.indirect_vreg.scatter [tilespmem:s24], [sflag:$0x4], $0x80, v7, vm8, $0xb8;
	[tilespmem:$0x8380] =	vst v63  }
0x113: {  	v6 =	vadd.s32 v4, v6  }
0x114: {  	[hbm4b:s13+s2] =	stream.indirect_vreg.scatter [tilespmem:s5], [sflag:$0x4], $0x80, v7, vm8, $0xb8;
	[tilespmem:$0x8380] =	vst v63  }
0x115: {  	_ = 	snop  }
0x116: {  	[hbm4b:s14+s2] =	stream.indirect_vreg.scatter [tilespmem:s7], [sflag:$0x4], $0x80, v7, vm8, $0xb8;
	[tilespmem:$0x8380] =	vst v63  }
0x117: {  	_ = 	snop  }
0x118: {  	[hbm4b:s4+s2] =	stream.indirect_vreg.scatter [tilespmem:s11], [sflag:$0x4], $0x80, v6, vm8, $0xb8;
	[tilespmem:$0x8380] =	vst v63  }
0x119: {  	_ = 	snop  }
0x11a: {  	[hbm4b:s12+s2] =	stream.indirect_vreg.scatter [tilespmem:s15], [sflag:$0x4], $0x80, v6, vm8, $0xb8;
	[tilespmem:$0x8380] =	vst v63  }
0x11b: {  	_ = 	snop  }
0x11c: {  	[hbm4b:s13+s2] =	stream.indirect_vreg.scatter [tilespmem:s16], [sflag:$0x4], $0x80, v6, vm8, $0xb8;
	[tilespmem:$0x8380] =	vst v63  }
0x11d: {  	s21 =	sadd.s32 $0xFFFFFFFF, s21  }
0x11e: {  	[hbm4b:s14+s2] =	stream.indirect_vreg.scatter [tilespmem:s17], [sflag:$0x4], $0x80, v6, vm8, $0xb8;
	[tilespmem:$0x8380] =	vst v63  }
0x11f: {  	p1 =	sne.s32 s21, $0x0;
	_ =	swait.ge [sflag:s28], $0x4000  }
.Ltmp1:
0x120: {  	[sflag:s28] =	ssyncset.done $0x0;
	(pc) =	sbr.rel @!p1 .LBB2_4-.Ltmp1, $4  }
0x121: {  	[sflag:s28] =	ssyncadd.s32 $0xFFFFC000  }
0x122: {  	_ =	swait.ge [sflag:s18], $0x4000  }
0x123: {  	[sflag:s18] =	ssyncset.done $0x0  }
0x124: {  	[sflag:s18] =	ssyncadd.s32 $0xFFFFC000  }
.LBB2_1:
0x125: {  	s10 =	rddreg [dreg:$0x6]  }
0x126: {  	[tilespmem:s2], [sflag:$0x5] =	stream.linear.gather [hbm4b:s10+s2], $0x80, $0x38;
	[tilespmem:$0x8380] =	vst v63  }
0x127: {  	_ =	swait.ge [sflag:s22], $0x80  }
0x128: {  	[sflag:s22] =	ssyncset.done $0x0  }
0x129: {  	s20 =	simm.s32 $0x80;
	s9 =	rddreg [dreg:$0x7];
	[sflag:s22] =	ssyncadd.s32 $0xFFFFFF80  }
0x12a: {  	[tilespmem:s20], [sflag:$0x5] =	stream.linear.gather [hbm4b:s9+s2], $0x80, $0x38;
	[tilespmem:$0x8380] =	vst v63  }
0x12b: {  	_ =	swait.ge [sflag:s22], $0x80  }
0x12c: {  	[sflag:s22] =	ssyncset.done $0x0  }
0x12d: {  	s19 =	simm.s32 $0x100;
	s25 =	rddreg [dreg:$0x5];
	[sflag:s22] =	ssyncadd.s32 $0xFFFFFF80  }
0x12e: {  	[tilespmem:s19], [sflag:$0x5] =	stream.linear.gather [hbm4b:s25+s2], $0x80, $0x38;
	[tilespmem:$0x8380] =	vst v63  }
0x12f: {  	_ =	swait.ge [sflag:s22], $0x80  }
0x130: {  	[sflag:s22] =	ssyncset.done $0x0  }
0x131: {  	[sflag:s22] =	ssyncadd.s32 $0xFFFFFF80  }
0x132: {  	v6 =	vld [tilespmem:$0x100];
	_ =	sdelay $0x4  }
0x133: {  	v6 =	vadd.s32 $0x1FF, v6  }
0x134: {  	v7 =	vshra.s32 v6, $0x1F;
	v8 =	vand.u32 $0x1FF, v6  }
0x135: {  	vm9 =	vlt.s32 v6, $0x1;
	v7 =	vshrl.u32 v7, $0x17;
	vm10 =	vne.s32 v8, $0x0  }
0x136: {  	v6 =	vadd.s32 v7, v6;
	vm9 =	vmand vm9, vm10  }
0x137: {  	v6 =	vshra.s32 v6, $0x9;
	v7 =	vsel vm9, $0xFFFFFFFF, v0  }
0x138: {  	v6 =	vadd.s32 v7, v6  }
0x139: {  	(xrf0) =	vadd.scan.msk.s32 $0xffff, v6;
	_ =	sdelay $0x4  }
.Ltmp2:
0x13a: {  	_ = 	snop;
	(pc) =	sbr.rel @p0 .LBB2_3-.Ltmp2, $4  }
0x13b: {  	v7, _, _ =	vpop (xrf0)  }
0x13c: {  	v8 =	vsub.s32 v7, v6  }
0x13d: {  	[tilespmem:$0x180] =	vst v7;
	v8 =	vshll.u32 v8, $0x9  }
0x13e: {  	[tilespmem:$0x200] =	vst v8  }
0x13f: {  	v8 =	vsel vm0, $0x0, v7  }
0x140: {  	v53 =	vnsel vm1, $0x0, v7;
	(xrf0) =	vadd.scan.msk.s32 $0xffff, v8  }
0x141: {  	v54 =	vsel vm2, $0x0, v7;
	(xrf0) =	vadd.scan.msk.s32 $0xffff, v53  }
0x142: {  	v55 =	vsel vm3, $0x0, v7;
	(xrf0) =	vadd.scan.msk.s32 $0xffff, v54  }
0x143: {  	v56 =	vsel vm4, $0x0, v7;
	(xrf0) =	vadd.scan.msk.s32 $0xffff, v55  }
0x144: {  	v57 =	vsel vm5, $0x0, v7;
	(xrf0) =	vadd.scan.msk.s32 $0xffff, v56  }
0x145: {  	v58 =	vsel vm6, $0x0, v7;
	(xrf0) =	vadd.scan.msk.s32 $0xffff, v57  }
0x146: {  	v7 =	vsel vm7, $0x0, v7;
	vm9 =	vgt.s32 v6, $0x0;
	v9, _, _ =	vpop (xrf0);
	(xrf0) =	vadd.scan.msk.s32 $0xffff, v58  }
0x147: {  	v6, _, _ =	vpop (xrf0);
	(xrf0) =	vadd.scan.msk.s32 $0xffff, v7;
	v7 =	vsel vm9, $0x1, v0;
	_ =	sdelay $0x1  }
0x148: {  	v59, _, _ =	vpop (xrf0);
	(xrf0) =	vadd.scan.msk.s32 $0xffff, v7  }
0x149: {  	v7, _, _ =	vpop (xrf0)  }
0x14a: {  	v10, _, _ =	vpop (xrf0)  }
0x14b: {  	v11, _, _ =	vpop (xrf0)  }
0x14c: {  	v12, _, _ =	vpop (xrf0)  }
0x14d: {  	v13, _, _ =	vpop (xrf0)  }
0x14e: {  	v14, _, _ =	vpop (xrf0)  }
0x14f: {  	(v2sf) =	vpush v14, $0xF;
	_ =	sdelay $0x3  }
0x150: {  	v6 =	vbroadcast v6, $0xF;
	v8 =	vbroadcast v59, $0xF  }
0x151: {  	v7 =	vbroadcast v7, $0xF  }
0x152: {  	vm9 =	vlt.s32 v6, v2;
	vm10 =	vlt.s32 v8, v2  }
0x153: {  	v6 =	vsel vm9, $0x1, v0;
	vm9 =	vlt.s32 v7, v2;
	v7 =	vsel vm10, $0x1, v0  }
0x154: {  	v60 =	vbroadcast v10, $0xF;
	v6 =	vadd.s32 v7, v6;
	v7 =	vsel vm9, $0x1, v0  }
0x155: {  	v6 =	vadd.s32 v7, v6;
	v7 =	vbroadcast v11, $0xF  }
0x156: {  	v61 =	vbroadcast v9, $0xF;
	vm9 =	vlt.s32 v60, v2;
	v62 =	vbroadcast v12, $0xF  }
0x157: {  	v63 =	vbroadcast v13, $0xF;
	vm10 =	vlt.s32 v7, v2;
	v7 =	vsel vm9, $0x1, v0  }
0x158: {  	vm9 =	vlt.s32 v62, v2;
	v6 =	vadd.s32 v7, v6;
	v7 =	vsel vm10, $0x1, v0  }
0x159: {  	v6 =	vadd.s32 v7, v6;
	v7 =	vsel vm9, $0x1, v0;
	vm9 =	vlt.s32 v63, v2  }
0x15a: {  	v6 =	vadd.s32 v7, v6;
	v7 =	vsel vm9, $0x1, v0;
	vm9 =	vlt.s32 v61, v2  }
0x15b: {  	v6 =	vadd.s32 v7, v6;
	v7 =	vsel vm9, $0x1, v0;
	s19 =	spop (v2sf)  }
0x15c: {  	vm9 =	vgt.s32 v61, v1;
	v6 =	vadd.s32 v7, v6;
	s19 =	sadd.s32 $0xFFFFFFFF, s19  }
0x15d: {  	v6 =	vnsel vm9, s19, v6  }
0x15e: {  	s20 =	rddreg [dreg:$0x3];
	s10 =	simm.s32 $0x280;
	[tilespmem:$0x280] =	vst v6  }
0x15f: {  	[hbm4b:s20+s2] =	stream.linear.scatter [tilespmem:s10], [sflag:$0x5], $0x80, $0x38;
	[tilespmem:$0x8380] =	vst v63  }
0x160: {  	_ =	swait.ge [sflag:s22], $0x80  }
0x161: {  	[sflag:s22] =	ssyncset.done $0x0  }
0x162: {  	[sflag:s22] =	ssyncadd.s32 $0xFFFFFF80  }
.Ltmp3:
0x163: {  	s25 =	rddreg [dreg:$0x4];
	[tilespmem:$0x280] =	vst v61;
	(pc) =	sbr.rel .LBB2_3-.Ltmp3, $4  }
0x164: {  	[hbm4b:s25+s2] =	stream.linear.scatter [tilespmem:s10], [sflag:$0x5], $0x80, $0x38;
	[tilespmem:$0x8380] =	vst v63  }
0x165: {  	_ =	swait.ge [sflag:s22], $0x80  }
0x166: {  	[sflag:s22] =	ssyncset.done $0x0  }
0x167: {  	[sflag:s22] =	ssyncadd.s32 $0xFFFFFF80  }
.LBB2_4:
0x168: {  	_ =	sfence.sel $0x180000  }
0x169: {  	[bflag:$0x0] =	sbarrier.arrive $0xFFFF  }
0x16a: {  	_ =	strace $0x90000047  }
0x16b: {  	s0 =	stileid.u32;
	[bflag:$0x2] =	sbarrier.arrive $0xFFFF  }
0x16c: {  	p0 =	sne.s32 s0, $0x0;
	s0 =	rddreg [dreg:$0x2]  }
0x16d: {  	s0 =	sadd.s32 @!p0 $0x100000, s0  }
0x16e: {  	[sflag:s0] =	ssyncadd.tile.s32 @!p0 $0x1;
	_ =	shalt  }
.Lfunc_end2:
_tile_overlayer_lowered:
.L_overlay_start_2:
0x16f: {  	(tag) =	ssettag $0x2  }
0x170: {  	s0 =	rddreg [dreg:$0x0];
	s2 =	stileid.u32  }
0x171: {  	s1 =	rddreg [dreg:$0x1];
	p0 =	sne.s32 s2, $0x0  }
0x172: {  	s3 =	rddreg [dreg:$0x2];
	[bflag:$0x3] =	sbarrier.arrive $0xFFFF;
	s2 =	simm.s32 @!p0 $0x1C05  }
0x173: {  	[timem:s3], [sflag:s2] =	dma.local @!p0 [hbm:s0], s1  }
0x174: {  	s0 =	simm.s32 @!p0 $0x5  }
0x175: {  	_ =	swait.ge @!p0 [sflag:s0], s1  }
0x176: {  	s1 =	ssub.s32 @!p0 $0x0, s1;
	[sflag:s0] =	ssyncset.done @!p0 $0x0  }
0x177: {  	[sflag:s0] =	ssyncadd.s32 @!p0 s1  }
0x178: {  	[bflag:$0x3] =	sbarrier.arrive $0xFFFF  }
0x179: {  	_ =	shalt  }

// kernel: kernel.9.cloned.1.call-start
scs
__scs_entry_jumppad:
0x0: {  	(pc) =	sbr.rel $0x88, $3  }
0x1: {  	(tag) =	ssettag $0x0;
	lr =	simm.s32 $0x1  }
0x2: {  	[smem:$0x3F9A] =	sst lr;
	_ =	strace $0xD0000000  }
0x3: {  	_ = 	snop  }
0x4: {  	_ = 	snop  }
0x5: {  	_ = 	snop  }
0x6: {  	_ = 	snop  }
0x7: {  	_ = 	snop  }
__scs_overlays_trampoline_lowered:
0x8: {  	[smem:$0x3FA9] =	sst s0  }
0x9: {  	[smem:$0x3FAA] =	sst s1  }
0xa: {  	[smem:$0x3FAB] =	sst s2  }
0xb: {  	[smem:$0x3FAC] =	sst s3  }
0xc: {  	[smem:$0x3FAD] =	sst s4  }
0xd: {  	[smem:$0x3FAE] =	sst s5  }
0xe: {  	[smem:$0x3FAF] =	sst s6  }
0xf: {  	[smem:$0x3FB0] =	sst s7  }
0x10: {  	[smem:$0x3FB1] =	sst s8  }
0x11: {  	[smem:$0x3FB2] =	sst s9;
	s0 =	simm.s32 @!p0 $0x0  }
0x12: {  	s1 =	sld [smem:$0x3F98];
	s0 =	simm.s32 @p0 $0x1  }
0x13: {  	[smem:$0x3FB3] =	sst s0;
	s0 =	simm.s32 @!p1 $0x0  }
0x14: {  	s2 =	sld [smem:$0x3F97];
	s0 =	simm.s32 @p1 $0x1  }
0x15: {  	[smem:$0x3FB4] =	sst s0;
	s0 =	simm.s32 @!p2 $0x0  }
0x16: {  	s3 =	sld [smem:$0x3FDB];
	s0 =	simm.s32 @p2 $0x1  }
0x17: {  	s4 =	simm.s32 $0x1BF5;
	[smem:$0x3FB6] =	sst s0  }
0x18: {  	s0 =	sld [smem:$0x3F99];
	_ =	swait.ge [sflag:s4], $0x0  }
0x19: {  	s7 =	sld [smem:$0x3F9A]  }
0x1a: {  	s8 =	sadd.s32 $0xFFFFE003, lr  }
0x1b: {  	s9 =	sadd.s32 $0xFFFFFEF7, lr;
	s5 =	simm.s32 $0xFFFFFFFF;
	p2 =	slt.u32 s8, $0xFFFFF086  }
0x1c: {  	p1 =	slt.u32 s9, $0xF7A;
	s5 =	simm.s32 @!p2 $0x0  }
0x1d: {  	s5 =	simm.s32 @p1 $0x1;
	p0 =	seq.s32 s7, s2  }
0x1e: {  	s7 =	smul.u32 @!p0 $0xF7A, s2;
	p2 =	seq.s32 @!p0 s5, $0x0  }
0x1f: {  	s9 =	smul.u32 $0xF7A, s1;
	s8 =	simm.s32 @!p0 $0x1BF5;
	p2 =	por !p2, p0  }
0x20: {  	[sflag:s8] =	ssyncset.s32 @!p0 $0xFFFFF086;
	s6 =	sadd.s32 @!p0 s3, s7;
	s7 =	simm.s32 @!p0 $0x108  }
0x21: {  	s3 =	sadd.s32 s3, s9;
	s6 =	sadd.s32 @!p0 $0x88, s6;
	s7 =	simm.s32 @p2 $0x1082  }
0x22: {  	[simem:s7], [sflag:s8] =	dma.local @!p0 [hbm:s6], $0xF7A  }
0x23: {  	s9 =	sor.u32 $0xD0000000, s2;
	s6 =	simm.s32 $0x108;
	_ =	swait.ge @!p0 [sflag:s8], $0x0  }
0x24: {  	s3 =	sadd.s32 $0x88, s3;
	s6 =	simm.s32 @!p1 $0x1082;
	[sflag:s4] =	ssyncset.s32 $0xFFFFF086  }
0x25: {  	[simem:s6], [sflag:s4] =	dma.local [hbm:s3], $0xF7A  }
0x26: {  	[smem:$0x3F9A] =	sst s1;
	(tag) =	ssettag s2;
	_ =	strace s9  }
0x27: {  	s1 =	sld [smem:$0x3FAA]  }
0x28: {  	s2 =	sld [smem:$0x3FAB]  }
0x29: {  	s4 =	sld [smem:$0x3FAD]  }
0x2a: {  	p0 =	seq.s32 s5, $0x0;
	s5 =	sld [smem:$0x3FAE]  }
0x2b: {  	s6 =	sld [smem:$0x3FAF]  }
0x2c: {  	s7 =	sld [smem:$0x3FB0]  }
0x2d: {  	s3 =	simm.s32 $0x108;
	s8 =	sld [smem:$0x3FB1]  }
0x2e: {  	s3 =	simm.s32 @!p0 $0x1082;
	s9 =	sld [smem:$0x3FB2]  }
0x2f: {  	lr =	sadd.s32 s0, s3;
	s0 =	sld [smem:$0x3FA9]  }
0x30: {  	s3 =	sld [smem:$0x3FAC]  }
0x31: {  	[smem:$0x3FB5] =	sst s10  }
0x32: {  	s10 =	sld [smem:$0x3FB3];
	_ =	sdelay $0x3  }
0x33: {  	p0 =	seq.s32 s10, $0x1;
	s10 =	sld [smem:$0x3FB5];
	_ =	sdelay $0x3  }
0x34: {  	[smem:$0x3FB5] =	sst s10  }
0x35: {  	s10 =	sld [smem:$0x3FB4];
	_ =	sdelay $0x3  }
0x36: {  	p1 =	seq.s32 s10, $0x1;
	s10 =	sld [smem:$0x3FB5];
	_ =	sdelay $0x3  }
0x37: {  	[smem:$0x3FB5] =	sst s10  }
0x38: {  	s10 =	sld [smem:$0x3FB6]  }
0x39: {  	_ = 	snop;
	(pc) =	sbr.ind lr, $3  }
0x3a: {  	_ = 	snop  }
0x3b: {  	_ = 	snop  }
0x3c: {  	p2 =	seq.s32 s10, $0x1;
	s10 =	sld [smem:$0x3FB5]  }
0x3d: {  	_ =	shalt  }
0x3e: {  	_ =	shalt  }
0x3f: {  	_ =	shalt  }
0x40: {  	_ =	shalt  }
0x41: {  	_ =	shalt  }
0x42: {  	_ =	shalt  }
0x43: {  	_ =	shalt  }
0x44: {  	_ =	shalt  }
0x45: {  	_ =	shalt  }
0x46: {  	_ =	shalt  }
0x47: {  	_ =	shalt  }
0x48: {  	_ =	shalt  }
0x49: {  	_ =	shalt  }
0x4a: {  	_ =	shalt  }
0x4b: {  	_ =	shalt  }
0x4c: {  	_ =	shalt  }
0x4d: {  	_ =	shalt  }
0x4e: {  	_ =	shalt  }
0x4f: {  	_ =	shalt  }
0x50: {  	_ =	shalt  }
0x51: {  	_ =	shalt  }
0x52: {  	_ =	shalt  }
0x53: {  	_ =	shalt  }
0x54: {  	_ =	shalt  }
0x55: {  	_ =	shalt  }
0x56: {  	_ =	shalt  }
0x57: {  	_ =	shalt  }
0x58: {  	_ =	shalt  }
0x59: {  	_ =	shalt  }
0x5a: {  	_ =	shalt  }
0x5b: {  	_ =	shalt  }
0x5c: {  	_ =	shalt  }
0x5d: {  	_ =	shalt  }
0x5e: {  	_ =	shalt  }
0x5f: {  	_ =	shalt  }
0x60: {  	_ =	shalt  }
0x61: {  	_ =	shalt  }
0x62: {  	_ =	shalt  }
0x63: {  	_ =	shalt  }
0x64: {  	_ =	shalt  }
0x65: {  	_ =	shalt  }
0x66: {  	_ =	shalt  }
0x67: {  	_ =	shalt  }
0x68: {  	_ =	shalt  }
0x69: {  	_ =	shalt  }
0x6a: {  	_ =	shalt  }
0x6b: {  	_ =	shalt  }
0x6c: {  	_ =	shalt  }
0x6d: {  	_ =	shalt  }
0x6e: {  	_ =	shalt  }
0x6f: {  	_ =	shalt  }
0x70: {  	_ =	shalt  }
0x71: {  	_ =	shalt  }
0x72: {  	_ =	shalt  }
0x73: {  	_ =	shalt  }
0x74: {  	_ =	shalt  }
0x75: {  	_ =	shalt  }
0x76: {  	_ =	shalt  }
0x77: {  	_ =	shalt  }
0x78: {  	_ =	shalt  }
0x79: {  	_ =	shalt  }
0x7a: {  	_ =	shalt  }
0x7b: {  	_ =	shalt  }
0x7c: {  	_ =	shalt  }
0x7d: {  	_ =	shalt  }
0x7e: {  	_ =	shalt  }
0x7f: {  	_ =	shalt  }
0x80: {  	_ =	shalt  }
0x81: {  	_ =	shalt  }
0x82: {  	_ =	shalt  }
0x83: {  	_ =	shalt  }
0x84: {  	_ =	shalt  }
0x85: {  	_ =	shalt  }
0x86: {  	_ =	shalt  }
0x87: {  	_ =	shalt  }
.Lfunc_end0:
.L_simem_size_0:
called_computation.1_lowered:
.L_overlay_start_0:
0x88: {  	s2 =	sld [smem:$0x3FD9]  }
0x89: {  	s3 =	sld [smem:$0x3FFE];
	_ =	sdelay $0x1  }
0x8a: {  	s1 =	srdreg.scid  }
0x8b: {  	s0 =	sand.u32 $0x1, s1  }
0x8c: {  	s14 =	sshll.u32 s0, $0xA;
	s2 =	sadd.s32 s3, s2  }
0x8d: {  	s2 =	sadd.s32 s2, s14  }
0x8e: {  	[smem:$0x3FC1] =	sst s2  }
0x8f: {  	_ = 	snop  }
0x90: {  	s2 =	sld [smem:$0x3FD0];
	_ =	sdelay $0x2  }
0x91: {  	s15 =	simm.s32 $0xA;
	s4 =	simm.s32 $0x10  }
0x92: {  	[smem:s4], [sflag:s15] =	dma.local [hbm:s2], $0x1  }
0x93: {  	_ =	swait.eq [sflag:s15], $0x1  }
0x94: {  	[sflag:s15] =	ssyncset.done $0x0  }
0x95: {  	[sflag:s15] =	ssyncadd.s32 $0xFFFFFFFF  }
0x96: {  	s16 =	sld [smem:$0x10];
	(tm) =	ssettm $0x1  }
0x97: {  	s17 =	sld [smem:$0x3FFB];
	_ =	sdelay $0x3  }
0x98: {  	_ =	strace s17  }
0x99: {  	s3 =	sld [smem:$0x3FFC];
	_ =	sdelay $0x3  }
0x9a: {  	_ =	strace s3  }
0x9b: {  	s3 =	sld [smem:$0x3FFD];
	_ =	sdelay $0x3  }
0x9c: {  	_ =	strace s3  }
0x9d: {  	_ =	strace $0x8FFFFFFF  }
0x9e: {  	s18 =	sld [smem:$0x3FDB];
	_ =	sdelay $0x1  }
0x9f: {  	s19 =	simm.s32 $_scs_section_size  }
0xa0: {  	s5 =	simm.s32 $_size__tile_overlayer_lowered;
	s6 =	simm.s32 $_tile_overlayer_lowered  }
0xa1: {  	s22 =	simm.s32 $0x1BFF;
	s21 =	sshll.u32 s6, $0x1;
	s3 =	sadd.s32 s19, s18  }
0xa2: {  	s7 =	simm.s32 $0x0;
	s20 =	sshll.u32 s5, $0x1;
	s5 =	sadd.s32 s21, s3  }
0xa3: {  	[timem:s7], [sflag:s22] =	dma.local [hbm:s5], s20  }
0xa4: {  	_ =	swait.ge [sflag:s22], s20  }
0xa5: {  	s4 =	ssub.s32 $0x0, s20;
	[sflag:s22] =	ssyncset.done $0x0  }
0xa6: {  	[sflag:s22] =	ssyncadd.s32 s4;
	_ =	sdelay $0x1  }
0xa7: {  	s23 =	simm.s32 $0x1B8B  }
0xa8: {  	_ =	swait.ge [sflag:s23], $0x1  }
0xa9: {  	[sflag:s23] =	ssyncset.done $0x0  }
0xaa: {  	s25 =	simm.s32 $0x1B8E;
	s24 =	sld [smem:$0x3FFE];
	[sflag:s23] =	ssyncadd.s32 $0xFFFFFFFF  }
0xab: {  	s26 =	simm.s32 $execute0_lowered;
	[smem:$0x3FD2] =	sst s25  }
0xac: {  	s5 =	sshll.u32 s26, $0x1;
	_ =	strace $0x80000049;
	[dreg:$0x1] =	wrdreg $0xFFFFFFFF  }
0xad: {  	s28 =	simm.s32 $_size_execute0_lowered;
	s3 =	sadd.s32 s3, s5;
	[dreg:$0x0] =	wrdreg $0x0  }
0xae: {  	s5 =	sshll.u32 s28, $0x1;
	[dreg:$0x2] =	wrdreg s3  }
0xaf: {  	[dreg:$0x3] =	wrdreg s5  }
0xb0: {  	[dreg:$0x4] =	wrdreg $0xC0  }
0xb1: {  	_ =	task [dreg:s7], $0x5FFFF  }
0xb2: {  	[dreg:$0x1] =	wrdreg $0xFFFFFFFF  }
0xb3: {  	[dreg:$0x0] =	wrdreg $0x60  }
0xb4: {  	[dreg:$0x2] =	wrdreg s24  }
0xb5: {  	[dreg:$0x3] =	wrdreg s16  }
0xb6: {  	[dreg:$0x4] =	wrdreg $0x9  }
0xb7: {  	_ =	task.clear_ibuf [dreg:s7], $0x5FFFF;
	_ =	strace $0x90000049  }
0xb8: {  	s29 =	simm.s32 $0x9;
	_ =	strace $0x8000004B  }
0xb9: {  	_ =	swait.ge [sflag:s29], $0x1  }
0xba: {  	[sflag:s29] =	ssyncadd.s32 $0xFFFFFFFF  }
0xbb: {  	_ =	strace $0x9000004B  }
0xbc: {  	_ =	sfence  }
0xbd: {  	s30 =	sld [smem:$0x0];
	_ =	sdelay $0x2  }
0xbe: {  	s31 =	sshll.u32 s1, $0xD;
	s1 =	sshrl.u32 s1, $0x2  }
0xbf: {  	s3 =	sand.u32 $0x4000, s31;
	s1 =	sadd.s32 s1, s30  }
0xc0: {  	s0 =	sor.u32 s3, s0;
	s1 =	sshll.u32 s1, $0x11  }
0xc1: {  	s0 =	sor.u32 s1, s0  }
0xc2: {  	s0 =	sadd.s32 $0x8F2B, s0  }
0xc3: {  	[sflag:s0] =	ssyncadd.remote.s32 $0x1  }
0xc4: {  	_ =	sfence.sel $0xFFFF  }
0xc5: {  	[dreg:$0x0] =	wrdreg $0xFFFFFFFF;
	(pc) =	sbr.abs _section_cstart, $3  }
0xc6: {  	[dreg:$0x1] =	wrdreg $0xFFFFFFFF  }
0xc7: {  	_ =	task.clear_ibuf [dreg:s7], $0x2FFFF;
	_ =	strace $0x9FFFFFFF  }
0xc8: {  	(tm) =	ssettm $0x7FFFFFFF  }
0xc9: {  	_ =	shalt  }
tec
execute0_lowered:
.L_overlay_start_1:
0x0: {  	(tag) =	ssettag $0x1  }
0x1: {  	s1 =	srdreg.scid;
	s7 =	rddreg [dreg:$0x0]  }
0x2: {  	s0 =	stileid.u32;
	s4 =	rddreg [dreg:$0x1]  }
0x3: {  	s11 =	simm.s32 $0x5;
	s12 =	simm.s32 $0x80;
	s13 =	simm.s32 $0x880  }
0x4: {  	s14 =	simm.s32 $0x1080;
	s15 =	simm.s32 $0x1880;
	s16 =	simm.s32 $0x2080  }
0x5: {  	s17 =	simm.s32 $0x2880;
	s18 =	simm.s32 $0x3080;
	s19 =	simm.s32 $0x3880  }
0x6: {  	s20 =	simm.s32 $0x4080;
	s21 =	simm.s32 $0x4880;
	s22 =	simm.s32 $0x5080  }
0x7: {  	s28 =	simm.s32 $0x7880;
	s29 =	simm.s32 $0x1;
	s1 =	sand.u32 $0x1, s1  }
0x8: {  	s30 =	simm.s32 $0x3;
	s2 =	sshll.u32 s0, $0x8;
	s3 =	sshll.u32 s1, $0x7  }
0x9: {  	s31 =	simm.s32 $0x2;
	s1 =	ssub.s32 $0x2, s1;
	s3 =	sor.u32 s3, s2  }
0xa: {  	s2 =	simm.s32 $0x0;
	s6 =	sshrl.u32 s1, $0x1;
	s5 =	sshrl.u32 s3, $0x3  }
0xb: {  	[smem:$0x7FF] =	sst s2;
	s3 =	sshll.u32 s3, $0x7;
	s1 =	ssub.s32 s1, s6  }
0xc: {  	s6 =	sadd.s32 $0x102000, s7;
	s5 =	sadd.s32 s5, s7;
	_ =	strace $0x8000004A  }
0xd: {  	s3 =	sadd.s32 s4, s3;
	s4 =	sadd.s32 $0x101E00, s7;
	s5 =	sadd.s32 $0x101800, s5  }
0xe: {  	s10 =	smax.u32 s1, $0x1;
	s23 =	sadd.s32 $0x800, s3;
	[dreg:$0x3] =	wrdreg s5  }
0xf: {  	s1 =	simm.s32 $0x4;
	s24 =	sadd.s32 $0x1000, s3;
	[dreg:$0x4] =	wrdreg s23  }
0x10: {  	s25 =	sadd.s32 $0x1800, s3;
	s26 =	sadd.s32 $0x2000, s3;
	[dreg:$0x5] =	wrdreg s24  }
0x11: {  	s8 =	sadd.s32 $0x2800, s3;
	s9 =	sadd.s32 $0x3800, s3;
	[dreg:$0x6] =	wrdreg s25  }
0x12: {  	v2 =	vlaneseq.u32;
	s5 =	sadd.s32 $0x101F00, s7;
	[dreg:$0x7] =	wrdreg s26;
	s7 =	sadd.s32 $0x102100, s7  }
0x13: {  	vm0 =	vmmov $0xffff;
	v1 =	vshrl.u32 v2, $0x3;
	[dreg:$0x8] =	wrdreg s8;
	s8 =	sadd.s32 $0x3000, s3;
	s23 =	simm.s32 $0x5880  }
0x14: {  	v0 =	vand.u32 $0x7, v2;
	v2 =	vor.u32 $0x8, v2;
	v1 =	vmul.u32 $0x8, v1;
	s24 =	simm.s32 $0x6080;
	s25 =	simm.s32 $0x6880;
	s26 =	simm.s32 $0x7080  }
.LBB2_1:
0x15: {  	s0 =	rddreg [dreg:$0x3]  }
0x16: {  	[tilespmem:s2], [sflag:$0x5] =	stream.linear.gather [hbm4b:s0+s2], $0x80, $0x38;
	[tilespmem:$0x8080] =	vst v63  }
0x17: {  	_ =	swait.ge [sflag:s11], $0x80  }
0x18: {  	[sflag:s11] =	ssyncset.done $0x0  }
0x19: {  	[sflag:s11] =	ssyncadd.s32 $0xFFFFFF80  }
0x1a: {  	v3 =	vld [tilespmem:$0x0];
	_ =	sdelay $0x4  }
0x1b: {  	v4 =	vshll.u32 v3, $0x3  }
0x1c: {  	v3 =	vand.u32 $0x7, v3;
	v4 =	vand.u32 $0xFFFFFFC0, v4  }
0x1d: {  	v3 =	vor.u32 v3, v4  }
0x1e: {  	v4 =	vperm.xlane v3, v0;
	_ =	sdelay $0x1  }
0x1f: {  	v4 =	vadd.s32 v1, v4;
	_ =	sdelay $0x4  }
0x20: {  	[tilespmem:s12], [sflag:$0x1] =	stream.indirect_vreg.gather [hbm4b:s4+s2], $0x80, v4, vm0, $0xb8;
	[tilespmem:$0x8080] =	vst v63  }
0x21: {  	v3 =	vperm.xlane v3, v2  }
0x22: {  	[tilespmem:s13], [sflag:$0x1] =	stream.indirect_vreg.gather [hbm4b:s5+s2], $0x80, v4, vm0, $0xb8;
	[tilespmem:$0x8080] =	vst v63  }
0x23: {  	v3 =	vadd.s32 v1, v3  }
0x24: {  	[tilespmem:s14], [sflag:$0x1] =	stream.indirect_vreg.gather [hbm4b:s6+s2], $0x80, v4, vm0, $0xb8;
	[tilespmem:$0x8080] =	vst v63  }
0x25: {  	_ = 	snop  }
0x26: {  	[tilespmem:s15], [sflag:$0x1] =	stream.indirect_vreg.gather [hbm4b:s7+s2], $0x80, v4, vm0, $0xb8;
	[tilespmem:$0x8080] =	vst v63  }
0x27: {  	_ = 	snop  }
0x28: {  	[tilespmem:s16], [sflag:$0x1] =	stream.indirect_vreg.gather [hbm4b:s4+s2], $0x80, v3, vm0, $0xb8;
	[tilespmem:$0x8080] =	vst v63  }
0x29: {  	_ = 	snop  }
0x2a: {  	[tilespmem:s17], [sflag:$0x1] =	stream.indirect_vreg.gather [hbm4b:s5+s2], $0x80, v3, vm0, $0xb8;
	[tilespmem:$0x8080] =	vst v63  }
0x2b: {  	_ = 	snop  }
0x2c: {  	[tilespmem:s18], [sflag:$0x1] =	stream.indirect_vreg.gather [hbm4b:s6+s2], $0x80, v3, vm0, $0xb8;
	[tilespmem:$0x8080] =	vst v63  }
0x2d: {  	_ = 	snop  }
0x2e: {  	[tilespmem:s19], [sflag:$0x1] =	stream.indirect_vreg.gather [hbm4b:s7+s2], $0x80, v3, vm0, $0xb8;
	[tilespmem:$0x8080] =	vst v63  }
0x2f: {  	v3 =	vld [tilespmem:$0x10];
	_ =	sdelay $0x4  }
0x30: {  	v57 =	vshll.u32 v3, $0x3  }
0x31: {  	v3 =	vand.u32 $0x7, v3;
	v4 =	vand.u32 $0xFFFFFFC0, v57  }
0x32: {  	v3 =	vor.u32 v3, v4  }
0x33: {  	v4 =	vperm.xlane v3, v0;
	_ =	sdelay $0x1  }
0x34: {  	v4 =	vadd.s32 v1, v4;
	_ =	sdelay $0x4  }
0x35: {  	[tilespmem:s20], [sflag:$0x2] =	stream.indirect_vreg.gather [hbm4b:s4+s2], $0x80, v4, vm0, $0xb8;
	[tilespmem:$0x8080] =	vst v63  }
0x36: {  	v3 =	vperm.xlane v3, v2  }
0x37: {  	[tilespmem:s21], [sflag:$0x2] =	stream.indirect_vreg.gather [hbm4b:s5+s2], $0x80, v4, vm0, $0xb8;
	[tilespmem:$0x8080] =	vst v63  }
0x38: {  	v3 =	vadd.s32 v1, v3  }
0x39: {  	[tilespmem:s22], [sflag:$0x2] =	stream.indirect_vreg.gather [hbm4b:s6+s2], $0x80, v4, vm0, $0xb8;
	[tilespmem:$0x8080] =	vst v63  }
0x3a: {  	_ = 	snop  }
0x3b: {  	[tilespmem:s23], [sflag:$0x2] =	stream.indirect_vreg.gather [hbm4b:s7+s2], $0x80, v4, vm0, $0xb8;
	[tilespmem:$0x8080] =	vst v63  }
0x3c: {  	_ = 	snop  }
0x3d: {  	[tilespmem:s24], [sflag:$0x2] =	stream.indirect_vreg.gather [hbm4b:s4+s2], $0x80, v3, vm0, $0xb8;
	[tilespmem:$0x8080] =	vst v63  }
0x3e: {  	_ = 	snop  }
0x3f: {  	[tilespmem:s25], [sflag:$0x2] =	stream.indirect_vreg.gather [hbm4b:s5+s2], $0x80, v3, vm0, $0xb8;
	[tilespmem:$0x8080] =	vst v63  }
0x40: {  	_ = 	snop  }
0x41: {  	[tilespmem:s26], [sflag:$0x2] =	stream.indirect_vreg.gather [hbm4b:s6+s2], $0x80, v3, vm0, $0xb8;
	[tilespmem:$0x8080] =	vst v63  }
0x42: {  	_ = 	snop  }
0x43: {  	[tilespmem:s28], [sflag:$0x2] =	stream.indirect_vreg.gather [hbm4b:s7+s2], $0x80, v3, vm0, $0xb8;
	[tilespmem:$0x8080] =	vst v63  }
0x44: {  	_ =	swait.ge [sflag:s29], $0x4000  }
0x45: {  	[sflag:s29] =	ssyncset.done $0x0  }
0x46: {  	[sflag:s29] =	ssyncadd.s32 $0xFFFFC000  }
0x47: {  	[hbm4b:s3+s2] =	stream.linear.scatter [tilespmem:s12], [sflag:$0x3], $0x4000, $0x38;
	[tilespmem:$0x8080] =	vst v63  }
0x48: {  	_ =	swait.ge [sflag:s30], $0x4000  }
0x49: {  	[sflag:s30] =	ssyncset.done $0x0  }
0x4a: {  	[sflag:s30] =	ssyncadd.s32 $0xFFFFC000  }
0x4b: {  	v3 =	vld [tilespmem:$0x20];
	_ =	sdelay $0x4  }
0x4c: {  	v58 =	vshll.u32 v3, $0x3  }
0x4d: {  	v3 =	vand.u32 $0x7, v3;
	v4 =	vand.u32 $0xFFFFFFC0, v58  }
0x4e: {  	v3 =	vor.u32 v3, v4  }
0x4f: {  	v4 =	vperm.xlane v3, v0;
	_ =	sdelay $0x1  }
0x50: {  	v4 =	vadd.s32 v1, v4;
	_ =	sdelay $0x4  }
0x51: {  	[tilespmem:s12], [sflag:$0x1] =	stream.indirect_vreg.gather [hbm4b:s4+s2], $0x80, v4, vm0, $0xb8;
	[tilespmem:$0x8080] =	vst v63  }
0x52: {  	v3 =	vperm.xlane v3, v2  }
0x53: {  	[tilespmem:s13], [sflag:$0x1] =	stream.indirect_vreg.gather [hbm4b:s5+s2], $0x80, v4, vm0, $0xb8;
	[tilespmem:$0x8080] =	vst v63  }
0x54: {  	v3 =	vadd.s32 v1, v3  }
0x55: {  	[tilespmem:s14], [sflag:$0x1] =	stream.indirect_vreg.gather [hbm4b:s6+s2], $0x80, v4, vm0, $0xb8;
	[tilespmem:$0x8080] =	vst v63  }
0x56: {  	_ = 	snop  }
0x57: {  	[tilespmem:s15], [sflag:$0x1] =	stream.indirect_vreg.gather [hbm4b:s7+s2], $0x80, v4, vm0, $0xb8;
	[tilespmem:$0x8080] =	vst v63  }
0x58: {  	_ = 	snop  }
0x59: {  	[tilespmem:s16], [sflag:$0x1] =	stream.indirect_vreg.gather [hbm4b:s4+s2], $0x80, v3, vm0, $0xb8;
	[tilespmem:$0x8080] =	vst v63  }
0x5a: {  	_ = 	snop  }
0x5b: {  	[tilespmem:s17], [sflag:$0x1] =	stream.indirect_vreg.gather [hbm4b:s5+s2], $0x80, v3, vm0, $0xb8;
	[tilespmem:$0x8080] =	vst v63  }
0x5c: {  	_ = 	snop  }
0x5d: {  	[tilespmem:s18], [sflag:$0x1] =	stream.indirect_vreg.gather [hbm4b:s6+s2], $0x80, v3, vm0, $0xb8;
	[tilespmem:$0x8080] =	vst v63  }
0x5e: {  	_ = 	snop  }
0x5f: {  	[tilespmem:s19], [sflag:$0x1] =	stream.indirect_vreg.gather [hbm4b:s7+s2], $0x80, v3, vm0, $0xb8;
	[tilespmem:$0x8080] =	vst v63  }
0x60: {  	_ =	swait.ge [sflag:s31], $0x4000  }
0x61: {  	[sflag:s31] =	ssyncset.done $0x0  }
0x62: {  	s0 =	rddreg [dreg:$0x4];
	[sflag:s31] =	ssyncadd.s32 $0xFFFFC000  }
0x63: {  	[hbm4b:s0+s2] =	stream.linear.scatter [tilespmem:s20], [sflag:$0x4], $0x4000, $0x38;
	[tilespmem:$0x8080] =	vst v63  }
0x64: {  	_ =	swait.ge [sflag:s1], $0x4000  }
0x65: {  	[sflag:s1] =	ssyncset.done $0x0  }
0x66: {  	[sflag:s1] =	ssyncadd.s32 $0xFFFFC000  }
0x67: {  	v3 =	vld [tilespmem:$0x30];
	_ =	sdelay $0x4  }
0x68: {  	v59 =	vshll.u32 v3, $0x3  }
0x69: {  	v3 =	vand.u32 $0x7, v3;
	v4 =	vand.u32 $0xFFFFFFC0, v59  }
0x6a: {  	v3 =	vor.u32 v3, v4  }
0x6b: {  	v4 =	vperm.xlane v3, v0;
	_ =	sdelay $0x1  }
0x6c: {  	v4 =	vadd.s32 v1, v4;
	_ =	sdelay $0x4  }
0x6d: {  	[tilespmem:s20], [sflag:$0x2] =	stream.indirect_vreg.gather [hbm4b:s4+s2], $0x80, v4, vm0, $0xb8;
	[tilespmem:$0x8080] =	vst v63  }
0x6e: {  	v3 =	vperm.xlane v3, v2  }
0x6f: {  	[tilespmem:s21], [sflag:$0x2] =	stream.indirect_vreg.gather [hbm4b:s5+s2], $0x80, v4, vm0, $0xb8;
	[tilespmem:$0x8080] =	vst v63  }
0x70: {  	v3 =	vadd.s32 v1, v3  }
0x71: {  	[tilespmem:s22], [sflag:$0x2] =	stream.indirect_vreg.gather [hbm4b:s6+s2], $0x80, v4, vm0, $0xb8;
	[tilespmem:$0x8080] =	vst v63  }
0x72: {  	_ = 	snop  }
0x73: {  	[tilespmem:s23], [sflag:$0x2] =	stream.indirect_vreg.gather [hbm4b:s7+s2], $0x80, v4, vm0, $0xb8;
	[tilespmem:$0x8080] =	vst v63  }
0x74: {  	_ = 	snop  }
0x75: {  	[tilespmem:s24], [sflag:$0x2] =	stream.indirect_vreg.gather [hbm4b:s4+s2], $0x80, v3, vm0, $0xb8;
	[tilespmem:$0x8080] =	vst v63  }
0x76: {  	_ = 	snop  }
0x77: {  	[tilespmem:s25], [sflag:$0x2] =	stream.indirect_vreg.gather [hbm4b:s5+s2], $0x80, v3, vm0, $0xb8;
	[tilespmem:$0x8080] =	vst v63  }
0x78: {  	_ = 	snop  }
0x79: {  	[tilespmem:s26], [sflag:$0x2] =	stream.indirect_vreg.gather [hbm4b:s6+s2], $0x80, v3, vm0, $0xb8;
	[tilespmem:$0x8080] =	vst v63  }
0x7a: {  	_ = 	snop  }
0x7b: {  	[tilespmem:s28], [sflag:$0x2] =	stream.indirect_vreg.gather [hbm4b:s7+s2], $0x80, v3, vm0, $0xb8;
	[tilespmem:$0x8080] =	vst v63  }
0x7c: {  	_ =	swait.ge [sflag:s29], $0x4000  }
0x7d: {  	[sflag:s29] =	ssyncset.done $0x0  }
0x7e: {  	s0 =	rddreg [dreg:$0x5];
	[sflag:s29] =	ssyncadd.s32 $0xFFFFC000  }
0x7f: {  	[hbm4b:s0+s2] =	stream.linear.scatter [tilespmem:s12], [sflag:$0x3], $0x4000, $0x38;
	[tilespmem:$0x8080] =	vst v63  }
0x80: {  	_ =	swait.ge [sflag:s30], $0x4000  }
0x81: {  	[sflag:s30] =	ssyncset.done $0x0  }
0x82: {  	[sflag:s30] =	ssyncadd.s32 $0xFFFFC000  }
0x83: {  	v3 =	vld [tilespmem:$0x40];
	_ =	sdelay $0x4  }
0x84: {  	v60 =	vshll.u32 v3, $0x3  }
0x85: {  	v3 =	vand.u32 $0x7, v3;
	v4 =	vand.u32 $0xFFFFFFC0, v60  }
0x86: {  	v3 =	vor.u32 v3, v4  }
0x87: {  	v4 =	vperm.xlane v3, v0;
	_ =	sdelay $0x1  }
0x88: {  	v4 =	vadd.s32 v1, v4;
	_ =	sdelay $0x4  }
0x89: {  	[tilespmem:s12], [sflag:$0x1] =	stream.indirect_vreg.gather [hbm4b:s4+s2], $0x80, v4, vm0, $0xb8;
	[tilespmem:$0x8080] =	vst v63  }
0x8a: {  	v3 =	vperm.xlane v3, v2  }
0x8b: {  	[tilespmem:s13], [sflag:$0x1] =	stream.indirect_vreg.gather [hbm4b:s5+s2], $0x80, v4, vm0, $0xb8;
	[tilespmem:$0x8080] =	vst v63  }
0x8c: {  	v3 =	vadd.s32 v1, v3  }
0x8d: {  	[tilespmem:s14], [sflag:$0x1] =	stream.indirect_vreg.gather [hbm4b:s6+s2], $0x80, v4, vm0, $0xb8;
	[tilespmem:$0x8080] =	vst v63  }
0x8e: {  	_ = 	snop  }
0x8f: {  	[tilespmem:s15], [sflag:$0x1] =	stream.indirect_vreg.gather [hbm4b:s7+s2], $0x80, v4, vm0, $0xb8;
	[tilespmem:$0x8080] =	vst v63  }
0x90: {  	_ = 	snop  }
0x91: {  	[tilespmem:s16], [sflag:$0x1] =	stream.indirect_vreg.gather [hbm4b:s4+s2], $0x80, v3, vm0, $0xb8;
	[tilespmem:$0x8080] =	vst v63  }
0x92: {  	_ = 	snop  }
0x93: {  	[tilespmem:s17], [sflag:$0x1] =	stream.indirect_vreg.gather [hbm4b:s5+s2], $0x80, v3, vm0, $0xb8;
	[tilespmem:$0x8080] =	vst v63  }
0x94: {  	_ = 	snop  }
0x95: {  	[tilespmem:s18], [sflag:$0x1] =	stream.indirect_vreg.gather [hbm4b:s6+s2], $0x80, v3, vm0, $0xb8;
	[tilespmem:$0x8080] =	vst v63  }
0x96: {  	_ = 	snop  }
0x97: {  	[tilespmem:s19], [sflag:$0x1] =	stream.indirect_vreg.gather [hbm4b:s7+s2], $0x80, v3, vm0, $0xb8;
	[tilespmem:$0x8080] =	vst v63  }
0x98: {  	_ =	swait.ge [sflag:s31], $0x4000  }
0x99: {  	[sflag:s31] =	ssyncset.done $0x0  }
0x9a: {  	s0 =	rddreg [dreg:$0x6];
	[sflag:s31] =	ssyncadd.s32 $0xFFFFC000  }
0x9b: {  	[hbm4b:s0+s2] =	stream.linear.scatter [tilespmem:s20], [sflag:$0x4], $0x4000, $0x38;
	[tilespmem:$0x8080] =	vst v63  }
0x9c: {  	_ =	swait.ge [sflag:s1], $0x4000  }
0x9d: {  	[sflag:s1] =	ssyncset.done $0x0  }
0x9e: {  	[sflag:s1] =	ssyncadd.s32 $0xFFFFC000  }
0x9f: {  	v3 =	vld [tilespmem:$0x50];
	_ =	sdelay $0x4  }
0xa0: {  	v61 =	vshll.u32 v3, $0x3  }
0xa1: {  	v3 =	vand.u32 $0x7, v3;
	v4 =	vand.u32 $0xFFFFFFC0, v61  }
0xa2: {  	v3 =	vor.u32 v3, v4  }
0xa3: {  	v4 =	vperm.xlane v3, v0;
	_ =	sdelay $0x1  }
0xa4: {  	v4 =	vadd.s32 v1, v4;
	_ =	sdelay $0x4  }
0xa5: {  	[tilespmem:s20], [sflag:$0x2] =	stream.indirect_vreg.gather [hbm4b:s4+s2], $0x80, v4, vm0, $0xb8;
	[tilespmem:$0x8080] =	vst v63  }
0xa6: {  	v3 =	vperm.xlane v3, v2  }
0xa7: {  	[tilespmem:s21], [sflag:$0x2] =	stream.indirect_vreg.gather [hbm4b:s5+s2], $0x80, v4, vm0, $0xb8;
	[tilespmem:$0x8080] =	vst v63  }
0xa8: {  	v3 =	vadd.s32 v1, v3  }
0xa9: {  	[tilespmem:s22], [sflag:$0x2] =	stream.indirect_vreg.gather [hbm4b:s6+s2], $0x80, v4, vm0, $0xb8;
	[tilespmem:$0x8080] =	vst v63  }
0xaa: {  	_ = 	snop  }
0xab: {  	[tilespmem:s23], [sflag:$0x2] =	stream.indirect_vreg.gather [hbm4b:s7+s2], $0x80, v4, vm0, $0xb8;
	[tilespmem:$0x8080] =	vst v63  }
0xac: {  	_ = 	snop  }
0xad: {  	[tilespmem:s24], [sflag:$0x2] =	stream.indirect_vreg.gather [hbm4b:s4+s2], $0x80, v3, vm0, $0xb8;
	[tilespmem:$0x8080] =	vst v63  }
0xae: {  	_ = 	snop  }
0xaf: {  	[tilespmem:s25], [sflag:$0x2] =	stream.indirect_vreg.gather [hbm4b:s5+s2], $0x80, v3, vm0, $0xb8;
	[tilespmem:$0x8080] =	vst v63  }
0xb0: {  	_ = 	snop  }
0xb1: {  	[tilespmem:s26], [sflag:$0x2] =	stream.indirect_vreg.gather [hbm4b:s6+s2], $0x80, v3, vm0, $0xb8;
	[tilespmem:$0x8080] =	vst v63  }
0xb2: {  	_ = 	snop  }
0xb3: {  	[tilespmem:s28], [sflag:$0x2] =	stream.indirect_vreg.gather [hbm4b:s7+s2], $0x80, v3, vm0, $0xb8;
	[tilespmem:$0x8080] =	vst v63  }
0xb4: {  	_ =	swait.ge [sflag:s29], $0x4000  }
0xb5: {  	[sflag:s29] =	ssyncset.done $0x0  }
0xb6: {  	s0 =	rddreg [dreg:$0x7];
	[sflag:s29] =	ssyncadd.s32 $0xFFFFC000  }
0xb7: {  	[hbm4b:s0+s2] =	stream.linear.scatter [tilespmem:s12], [sflag:$0x3], $0x4000, $0x38;
	[tilespmem:$0x8080] =	vst v63  }
0xb8: {  	_ =	swait.ge [sflag:s30], $0x4000  }
0xb9: {  	[sflag:s30] =	ssyncset.done $0x0  }
0xba: {  	[sflag:s30] =	ssyncadd.s32 $0xFFFFC000  }
0xbb: {  	v3 =	vld [tilespmem:$0x60];
	_ =	sdelay $0x4  }
0xbc: {  	v62 =	vshll.u32 v3, $0x3  }
0xbd: {  	v3 =	vand.u32 $0x7, v3;
	v4 =	vand.u32 $0xFFFFFFC0, v62  }
0xbe: {  	v3 =	vor.u32 v3, v4  }
0xbf: {  	v4 =	vperm.xlane v3, v0;
	_ =	sdelay $0x1  }
0xc0: {  	v4 =	vadd.s32 v1, v4;
	_ =	sdelay $0x4  }
0xc1: {  	[tilespmem:s12], [sflag:$0x1] =	stream.indirect_vreg.gather [hbm4b:s4+s2], $0x80, v4, vm0, $0xb8;
	[tilespmem:$0x8080] =	vst v63  }
0xc2: {  	v3 =	vperm.xlane v3, v2  }
0xc3: {  	[tilespmem:s13], [sflag:$0x1] =	stream.indirect_vreg.gather [hbm4b:s5+s2], $0x80, v4, vm0, $0xb8;
	[tilespmem:$0x8080] =	vst v63  }
0xc4: {  	v3 =	vadd.s32 v1, v3  }
0xc5: {  	[tilespmem:s14], [sflag:$0x1] =	stream.indirect_vreg.gather [hbm4b:s6+s2], $0x80, v4, vm0, $0xb8;
	[tilespmem:$0x8080] =	vst v63  }
0xc6: {  	_ = 	snop  }
0xc7: {  	[tilespmem:s15], [sflag:$0x1] =	stream.indirect_vreg.gather [hbm4b:s7+s2], $0x80, v4, vm0, $0xb8;
	[tilespmem:$0x8080] =	vst v63  }
0xc8: {  	_ = 	snop  }
0xc9: {  	[tilespmem:s16], [sflag:$0x1] =	stream.indirect_vreg.gather [hbm4b:s4+s2], $0x80, v3, vm0, $0xb8;
	[tilespmem:$0x8080] =	vst v63  }
0xca: {  	_ = 	snop  }
0xcb: {  	[tilespmem:s17], [sflag:$0x1] =	stream.indirect_vreg.gather [hbm4b:s5+s2], $0x80, v3, vm0, $0xb8;
	[tilespmem:$0x8080] =	vst v63  }
0xcc: {  	_ = 	snop  }
0xcd: {  	[tilespmem:s18], [sflag:$0x1] =	stream.indirect_vreg.gather [hbm4b:s6+s2], $0x80, v3, vm0, $0xb8;
	[tilespmem:$0x8080] =	vst v63  }
0xce: {  	_ = 	snop  }
0xcf: {  	[tilespmem:s19], [sflag:$0x1] =	stream.indirect_vreg.gather [hbm4b:s7+s2], $0x80, v3, vm0, $0xb8;
	[tilespmem:$0x8080] =	vst v63  }
0xd0: {  	_ =	swait.ge [sflag:s31], $0x4000  }
0xd1: {  	[sflag:s31] =	ssyncset.done $0x0  }
0xd2: {  	s0 =	rddreg [dreg:$0x8];
	[sflag:s31] =	ssyncadd.s32 $0xFFFFC000  }
0xd3: {  	[hbm4b:s0+s2] =	stream.linear.scatter [tilespmem:s20], [sflag:$0x4], $0x4000, $0x38;
	[tilespmem:$0x8080] =	vst v63  }
0xd4: {  	_ =	swait.ge [sflag:s1], $0x4000  }
0xd5: {  	[sflag:s1] =	ssyncset.done $0x0  }
0xd6: {  	[sflag:s1] =	ssyncadd.s32 $0xFFFFC000  }
0xd7: {  	v3 =	vld [tilespmem:$0x70];
	_ =	sdelay $0x4  }
0xd8: {  	v63 =	vshll.u32 v3, $0x3  }
0xd9: {  	v3 =	vand.u32 $0x7, v3;
	v4 =	vand.u32 $0xFFFFFFC0, v63  }
0xda: {  	v3 =	vor.u32 v3, v4  }
0xdb: {  	v4 =	vperm.xlane v3, v0;
	_ =	sdelay $0x1  }
0xdc: {  	v4 =	vadd.s32 v1, v4;
	_ =	sdelay $0x4  }
0xdd: {  	[tilespmem:s20], [sflag:$0x2] =	stream.indirect_vreg.gather [hbm4b:s4+s2], $0x80, v4, vm0, $0xb8;
	[tilespmem:$0x8080] =	vst v63  }
0xde: {  	v3 =	vperm.xlane v3, v2  }
0xdf: {  	[tilespmem:s21], [sflag:$0x2] =	stream.indirect_vreg.gather [hbm4b:s5+s2], $0x80, v4, vm0, $0xb8;
	[tilespmem:$0x8080] =	vst v63  }
0xe0: {  	v3 =	vadd.s32 v1, v3  }
0xe1: {  	[tilespmem:s22], [sflag:$0x2] =	stream.indirect_vreg.gather [hbm4b:s6+s2], $0x80, v4, vm0, $0xb8;
	[tilespmem:$0x8080] =	vst v63  }
0xe2: {  	_ = 	snop  }
0xe3: {  	[tilespmem:s23], [sflag:$0x2] =	stream.indirect_vreg.gather [hbm4b:s7+s2], $0x80, v4, vm0, $0xb8;
	[tilespmem:$0x8080] =	vst v63  }
0xe4: {  	_ = 	snop  }
0xe5: {  	[tilespmem:s24], [sflag:$0x2] =	stream.indirect_vreg.gather [hbm4b:s4+s2], $0x80, v3, vm0, $0xb8;
	[tilespmem:$0x8080] =	vst v63  }
0xe6: {  	_ = 	snop  }
0xe7: {  	[tilespmem:s25], [sflag:$0x2] =	stream.indirect_vreg.gather [hbm4b:s5+s2], $0x80, v3, vm0, $0xb8;
	[tilespmem:$0x8080] =	vst v63  }
0xe8: {  	_ = 	snop  }
0xe9: {  	[tilespmem:s26], [sflag:$0x2] =	stream.indirect_vreg.gather [hbm4b:s6+s2], $0x80, v3, vm0, $0xb8;
	[tilespmem:$0x8080] =	vst v63  }
0xea: {  	_ = 	snop  }
0xeb: {  	[tilespmem:s28], [sflag:$0x2] =	stream.indirect_vreg.gather [hbm4b:s7+s2], $0x80, v3, vm0, $0xb8;
	[tilespmem:$0x8080] =	vst v63  }
0xec: {  	_ =	swait.ge [sflag:s29], $0x4000  }
0xed: {  	[sflag:s29] =	ssyncset.done $0x0  }
0xee: {  	[sflag:s29] =	ssyncadd.s32 $0xFFFFC000  }
0xef: {  	[hbm4b:s8+s2] =	stream.linear.scatter [tilespmem:s12], [sflag:$0x3], $0x4000, $0x38;
	[tilespmem:$0x8080] =	vst v63  }
0xf0: {  	_ =	swait.ge [sflag:s31], $0x4000  }
0xf1: {  	[sflag:s31] =	ssyncset.done $0x0  }
0xf2: {  	[sflag:s31] =	ssyncadd.s32 $0xFFFFC000  }
0xf3: {  	[hbm4b:s9+s2] =	stream.linear.scatter [tilespmem:s20], [sflag:$0x4], $0x4000, $0x38;
	[tilespmem:$0x8080] =	vst v63  }
0xf4: {  	p0 =	sne.s32 s10, $0x1;
	_ =	swait.ge [sflag:s30], $0x4000  }
.Ltmp0:
0xf5: {  	[sflag:s30] =	ssyncset.done $0x0;
	(pc) =	sbr.rel @p0 .LBB2_1-.Ltmp0, $4  }
0xf6: {  	[sflag:s30] =	ssyncadd.s32 $0xFFFFC000  }
0xf7: {  	_ =	swait.ge [sflag:s1], $0x4000  }
0xf8: {  	[sflag:s1] =	ssyncset.done $0x0  }
0xf9: {  	s10 =	sadd.s32 $0xFFFFFFFF, s10;
	[sflag:s1] =	ssyncadd.s32 $0xFFFFC000  }
0xfa: {  	_ =	sfence.sel $0x180000  }
0xfb: {  	[bflag:$0x0] =	sbarrier.arrive $0xFFFF  }
0xfc: {  	_ =	strace $0x9000004A  }
0xfd: {  	s0 =	stileid.u32;
	[bflag:$0x2] =	sbarrier.arrive $0xFFFF  }
0xfe: {  	p0 =	sne.s32 s0, $0x0;
	s0 =	rddreg [dreg:$0x2]  }
0xff: {  	s0 =	sadd.s32 @!p0 $0x100000, s0  }
0x100: {  	[sflag:s0] =	ssyncadd.tile.s32 @!p0 $0x1;
	_ =	shalt  }
.Lfunc_end2:
_tile_overlayer_lowered:
.L_overlay_start_2:
0x101: {  	(tag) =	ssettag $0x2  }
0x102: {  	s0 =	rddreg [dreg:$0x0];
	s2 =	stileid.u32  }
0x103: {  	s1 =	rddreg [dreg:$0x1];
	p0 =	sne.s32 s2, $0x0  }
0x104: {  	s3 =	rddreg [dreg:$0x2];
	[bflag:$0x3] =	sbarrier.arrive $0xFFFF;
	s2 =	simm.s32 @!p0 $0x1C05  }
0x105: {  	[timem:s3], [sflag:s2] =	dma.local @!p0 [hbm:s0], s1  }
0x106: {  	s0 =	simm.s32 @!p0 $0x5  }
0x107: {  	_ =	swait.ge @!p0 [sflag:s0], s1  }
0x108: {  	s1 =	ssub.s32 @!p0 $0x0, s1;
	[sflag:s0] =	ssyncset.done @!p0 $0x0  }
0x109: {  	[sflag:s0] =	ssyncadd.s32 @!p0 s1  }
0x10a: {  	[bflag:$0x3] =	sbarrier.arrive $0xFFFF  }
0x10b: {  	_ =	shalt  }

</sc_bundles>
